<compile_context>
chip_gen: v7x
topology: tpu7x:2x2x1
jax: 0.10.2.dev20260603
libtpu: 0.0.44.dev20260713+nightly
codegen_flags: <defaults>
</compile_context>

<pallas_src>
import functools

import jax
import jax.numpy as jnp
import numpy as np
from jax import lax
from jax.experimental import pallas as pl
from jax.experimental.pallas import tpu as pltpu
from jax.experimental.pallas import tpu_sc as plsc

N = 10000
E = 320000
D = 128
HEADS1 = 4
NC, NS, L = 2, 16, 16
HALF = D // NC
VH = HALF // L
CW = HALF + L
CHUNK = 128
NCHUNKS = E // CHUNK
FULL_ROUNDS = NCHUNKS // NS
TAIL = NCHUNKS - FULL_ROUNDS * NS
ROWS_PER_TILE = 624
ROWS_TAIL = N - ROWS_PER_TILE * NS

_sc_mesh = plsc.VectorSubcoreMesh(core_axis_name="c", subcore_axis_name="s")


@functools.partial(
    pl.kernel,
    mesh=_sc_mesh,
    compiler_params=pltpu.CompilerParams(
        needs_layout_passes=False, use_tc_tiling_on_sc=False),
    out_type=jax.ShapeDtypeStruct((NC, N, CW), jnp.float32),
    scratch_types=[
        pltpu.VMEM((CHUNK,), jnp.int32),
        pltpu.VMEM((CHUNK,), jnp.int32),
        pltpu.VMEM((CHUNK,), jnp.int32),
        pltpu.VMEM((CHUNK, HALF), jnp.float32),
        pltpu.VMEM((CHUNK, 8), jnp.float32),
        pltpu.VMEM((CHUNK, 8), jnp.float32),
        pltpu.VMEM((HEADS1 * CHUNK,), jnp.float32),
        pltpu.VMEM((CHUNK, CW), jnp.float32),
        pltpu.VMEM_SHARED((N, CW), jnp.float32),
        pltpu.SemaphoreType.DMA,
    ],
)
def _edge(hp_hbm, alf_hbm, src_hbm, srcoff_hbm, dst_hbm, zeros_hbm, out_hbm,
          src_v, srco_v, dst_v, hrows, gs, gd, eebuf, msg, accum, sem):
    c = lax.axis_index("c")
    s = lax.axis_index("s")

    pltpu.sync_copy(
        zeros_hbm.at[pl.ds(s * ROWS_PER_TILE, ROWS_PER_TILE)],
        accum.at[pl.ds(s * ROWS_PER_TILE, ROWS_PER_TILE)])

    @pl.when(s == 0)
    def _():
        pltpu.sync_copy(
            zeros_hbm.at[pl.ds(NS * ROWS_PER_TILE, ROWS_TAIL)],
            accum.at[pl.ds(NS * ROWS_PER_TILE, ROWS_TAIL)])

    plsc.subcore_barrier()

    lane = lax.iota(jnp.int32, L)

    def do_chunk(cid):
        base = cid * CHUNK
        pltpu.sync_copy(src_hbm.at[pl.ds(base, CHUNK)], src_v)
        pltpu.sync_copy(srcoff_hbm.at[pl.ds(c * E + base, CHUNK)], srco_v)
        pltpu.sync_copy(dst_hbm.at[pl.ds(base, CHUNK)], dst_v)
        pltpu.async_copy(alf_hbm.at[src_v], gs, sem).wait()
        pltpu.async_copy(alf_hbm.at[dst_v], gd, sem).wait()
        pltpu.async_copy(hp_hbm.at[srco_v], hrows, sem).wait()

        def grp(i, carry):
            ei = lane + i * L
            for h in range(HEADS1):
                a_s = plsc.load_gather(gs, [ei, jnp.full((L,), h, jnp.int32)])
                a_d = plsc.load_gather(gd, [ei, jnp.full((L,), 4 + h, jnp.int32)])
                ev = a_s + a_d
                eeh = jnp.exp(jnp.maximum(ev, 0.2 * ev))
                eebuf[pl.ds(h * CHUNK + i * L, L)] = eeh
            return carry

        lax.fori_loop(0, CHUNK // L, grp, 0)

        def body(e, carry):
            didx = jnp.where(lane < HEADS1, lane * CHUNK + e, 0)
            denv0 = plsc.load_gather(eebuf, [didx])
            denv = jnp.where(lane < HEADS1, denv0, 0.0)
            msg[e, pl.ds(HALF, L)] = denv
            for v in range(VH):
                sidx = jnp.full((L,), v // 2, jnp.int32) + 2 * c
                scale = denv.at[sidx].get(mode="promise_in_bounds")
                msg[e, pl.ds(v * L, L)] = hrows[e, pl.ds(v * L, L)] * scale
            return carry

        lax.fori_loop(0, CHUNK, body, 0)
        pltpu.sync_copy(msg, accum.at[dst_v], add=True)

    def round_body(k, carry):
        do_chunk(s + NS * k)
        return carry

    lax.fori_loop(0, FULL_ROUNDS, round_body, 0)

    @pl.when(s < TAIL)
    def _():
        do_chunk(NS * FULL_ROUNDS + s)

    plsc.subcore_barrier()
    pltpu.sync_copy(
        accum.at[pl.ds(s * ROWS_PER_TILE, ROWS_PER_TILE)],
        out_hbm.at[c, pl.ds(s * ROWS_PER_TILE, ROWS_PER_TILE)])

    @pl.when(s == 0)
    def _():
        pltpu.sync_copy(
            accum.at[pl.ds(NS * ROWS_PER_TILE, ROWS_TAIL)],
            out_hbm.at[c, pl.ds(NS * ROWS_PER_TILE, ROWS_TAIL)])


_BN = 1000


def _d1_body(x_ref, w_ref, a_ref, h_ref, hp_ref, alf_ref):
    h = jnp.dot(x_ref[...], w_ref[...], preferred_element_type=jnp.float32)
    h_ref[...] = h
    hp_ref[0] = h[:, :HALF]
    hp_ref[1] = h[:, HALF:]
    alf_ref[...] = jnp.dot(h, a_ref[...], preferred_element_type=jnp.float32)


def _dense1(x, W1, A1sel):
    return pl.pallas_call(
        _d1_body,
        grid=(N // _BN,),
        in_specs=[
            pl.BlockSpec((_BN, D), lambda i: (i, 0)),
            pl.BlockSpec((D, D), lambda i: (0, 0)),
            pl.BlockSpec((D, 8), lambda i: (0, 0)),
        ],
        out_specs=[
            pl.BlockSpec((_BN, D), lambda i: (i, 0)),
            pl.BlockSpec((NC, _BN, HALF), lambda i: (0, i, 0)),
            pl.BlockSpec((_BN, 8), lambda i: (i, 0)),
        ],
        out_shape=[
            jax.ShapeDtypeStruct((N, D), jnp.float32),
            jax.ShapeDtypeStruct((NC, N, HALF), jnp.float32),
            jax.ShapeDtypeStruct((N, 8), jnp.float32),
        ],
    )(x, W1, A1sel)


def _d2_body(p0_ref, p1_ref, h_ref, alf_ref, w2_ref, a2_ref, tlo_ref, thi_ref,
             rden_ref, esel_ref, b1_ref, h2_ref, h2p_ref, alf2_ref):
    p0 = p0_ref[...]
    p1 = p1_ref[...]
    num = (jnp.dot(p0, tlo_ref[...], preferred_element_type=jnp.float32)
           + jnp.dot(p1, thi_ref[...], preferred_element_type=jnp.float32))
    denf = jnp.dot(p0, rden_ref[...], preferred_element_type=jnp.float32)
    z = jnp.dot(alf_ref[...], esel_ref[...], preferred_element_type=jnp.float32)
    selfe = jnp.exp(jnp.maximum(z, 0.2 * z))
    out1 = (num + selfe * h_ref[...]) / (denf + selfe + 1e-16)
    h1r = jnp.maximum(out1 + b1_ref[...], 0.0)
    h2 = jnp.dot(h1r, w2_ref[...], preferred_element_type=jnp.float32)
    h2_ref[...] = h2
    h2p_ref[0] = h2[:, :HALF]
    h2p_ref[1] = h2[:, HALF:]
    alf2_ref[...] = jnp.dot(h2, a2_ref[...], preferred_element_type=jnp.float32)


def _dense2(p0, p1, h1t, alf1, W2, A2sel, Tlo, Thi, Rden1, Esel1, b1):
    return pl.pallas_call(
        _d2_body,
        grid=(N // _BN,),
        in_specs=[
            pl.BlockSpec((_BN, CW), lambda i: (i, 0)),
            pl.BlockSpec((_BN, CW), lambda i: (i, 0)),
            pl.BlockSpec((_BN, D), lambda i: (i, 0)),
            pl.BlockSpec((_BN, 8), lambda i: (i, 0)),
            pl.BlockSpec((D, D), lambda i: (0, 0)),
            pl.BlockSpec((D, 8), lambda i: (0, 0)),
            pl.BlockSpec((CW, D), lambda i: (0, 0)),
            pl.BlockSpec((CW, D), lambda i: (0, 0)),
            pl.BlockSpec((CW, D), lambda i: (0, 0)),
            pl.BlockSpec((8, D), lambda i: (0, 0)),
            pl.BlockSpec((1, D), lambda i: (0, 0)),
        ],
        out_specs=[
            pl.BlockSpec((_BN, D), lambda i: (i, 0)),
            pl.BlockSpec((NC, _BN, HALF), lambda i: (0, i, 0)),
            pl.BlockSpec((_BN, 8), lambda i: (i, 0)),
        ],
        out_shape=[
            jax.ShapeDtypeStruct((N, D), jnp.float32),
            jax.ShapeDtypeStruct((NC, N, HALF), jnp.float32),
            jax.ShapeDtypeStruct((N, 8), jnp.float32),
        ],
    )(p0, p1, h1t, alf1, W2, A2sel, Tlo, Thi, Rden1, Esel1, b1)


def _d3_body(p0_ref, p1_ref, h_ref, alf_ref, tlo_ref, thi_ref, rden_ref,
             esel_ref, b2_ref, gam_ref, bet_ref, out_ref):
    p0 = p0_ref[...]
    p1 = p1_ref[...]
    num = (jnp.dot(p0, tlo_ref[...], preferred_element_type=jnp.float32)
           + jnp.dot(p1, thi_ref[...], preferred_element_type=jnp.float32))
    denf = jnp.dot(p0, rden_ref[...], preferred_element_type=jnp.float32)
    z = jnp.dot(alf_ref[...], esel_ref[...], preferred_element_type=jnp.float32)
    selfe = jnp.exp(jnp.maximum(z, 0.2 * z))
    h2 = (num + selfe * h_ref[...]) / (denf + selfe + 1e-16) + b2_ref[...]
    mu = jnp.mean(h2, axis=1, keepdims=True)
    var = jnp.mean((h2 - mu) ** 2, axis=1, keepdims=True)
    y = (h2 - mu) / jnp.sqrt(var + 1e-5) * gam_ref[...] + bet_ref[...]
    part = jnp.sum(y, axis=0, keepdims=True) * (1.0 / N)

    @pl.when(pl.program_id(0) == 0)
    def _():
        out_ref[...] = part

    @pl.when(pl.program_id(0) != 0)
    def _():
        out_ref[...] += part


def _dense3(p0, p1, h2t, alf2, Tlo, Thi, Rden2, Esel2, b2, gamma, beta):
    return pl.pallas_call(
        _d3_body,
        grid=(N // _BN,),
        in_specs=[
            pl.BlockSpec((_BN, CW), lambda i: (i, 0)),
            pl.BlockSpec((_BN, CW), lambda i: (i, 0)),
            pl.BlockSpec((_BN, D), lambda i: (i, 0)),
            pl.BlockSpec((_BN, 8), lambda i: (i, 0)),
            pl.BlockSpec((CW, D), lambda i: (0, 0)),
            pl.BlockSpec((CW, D), lambda i: (0, 0)),
            pl.BlockSpec((CW, D), lambda i: (0, 0)),
            pl.BlockSpec((8, D), lambda i: (0, 0)),
            pl.BlockSpec((1, D), lambda i: (0, 0)),
            pl.BlockSpec((1, D), lambda i: (0, 0)),
            pl.BlockSpec((1, D), lambda i: (0, 0)),
        ],
        out_specs=pl.BlockSpec((1, D), lambda i: (0, 0)),
        out_shape=jax.ShapeDtypeStruct((1, D), jnp.float32),
    )(p0, p1, h2t, alf2, Tlo, Thi, Rden2, Esel2, b2, gamma, beta)


def kernel(x, edge_index, W1, a1_src, a1_dst, b1, W2, a2_src, a2_dst, b2,
           ln_gamma, ln_beta):
    f32 = jnp.float32
    src = edge_index[0].astype(jnp.int32)
    dst = edge_index[1].astype(jnp.int32)

    eye4 = jnp.eye(HEADS1, dtype=f32)
    Asrc = (a1_src[:, :, None] * eye4[:, None, :]).reshape(D, HEADS1)
    Adst = (a1_dst[:, :, None] * eye4[:, None, :]).reshape(D, HEADS1)
    A1sel = jnp.concatenate([Asrc, Adst], axis=1)
    A2sel = jnp.concatenate(
        [jnp.tile(a2_src[0][:, None], (1, HEADS1)),
         jnp.tile(a2_dst[0][:, None], (1, HEADS1))], axis=1)

    eyeD = np.eye(D, dtype=np.float32)
    Tlo = np.zeros((CW, D), np.float32)
    Tlo[:HALF, :] = eyeD[:HALF, :]
    Thi = np.zeros((CW, D), np.float32)
    Thi[:HALF, :] = eyeD[HALF:, :]
    blk = np.repeat(np.eye(HEADS1, dtype=np.float32), D // HEADS1, axis=1)
    Rden1 = np.zeros((CW, D), np.float32)
    Rden1[HALF:HALF + HEADS1, :] = blk
    Rden2 = np.zeros((CW, D), np.float32)
    Rden2[HALF, :] = 1.0
    Esel1 = np.concatenate([blk, blk], axis=0)
    Esel2 = np.zeros((8, D), np.float32)
    Esel2[0, :] = 1.0
    Esel2[4, :] = 1.0
    Tlo, Thi, Rden1, Rden2, Esel1, Esel2 = (
        jnp.asarray(a) for a in (Tlo, Thi, Rden1, Rden2, Esel1, Esel2))

    zeros_acc = jnp.zeros((N, CW), f32)
    b1r = b1.reshape(1, D)
    b2r = b2.reshape(1, D)
    gam = ln_gamma.reshape(1, D)
    bet = ln_beta.reshape(1, D)

    srcoff = jnp.concatenate([src, src + N])

    h1t, h1p, alf1 = _dense1(x, W1, A1sel)
    parts1 = _edge(h1p.reshape(NC * N, HALF), alf1, src, srcoff, dst,
                   zeros_acc)
    h2t, h2p, alf2 = _dense2(parts1[0], parts1[1], h1t, alf1, W2, A2sel,
                             Tlo, Thi, Rden1, Esel1, b1r)
    parts2 = _edge(h2p.reshape(NC * N, HALF), alf2, src, srcoff, dst,
                   zeros_acc)
    return _dense3(parts2[0], parts2[1], h2t, alf2, Tlo, Thi, Rden2, Esel2,
                   b2r, gam, bet)

# --- scband reference (transcript-rebuilt; emitter-appended) ---
"""Pipeline reference for scband-visit-graph-transformer-70798240907542 (READ-ONLY COPY).

The authoritative reference and input builder live on the scoring server;
editing this copy changes nothing except your own understanding.
"""

import jax, jax.numpy as jnp
import numpy as np

N = 10000
E = 320000
D_IN = 128
HID = 128
HEADS = 4
HEAD_DIM = HID // HEADS  # 32


def setup_inputs(seed: int = 0) -> dict:
    key = jax.random.key(seed)
    ks = jax.random.split(key, 12)
    x = jax.random.normal(ks[0], (N, D_IN), dtype=jnp.float32)
    edge_index = jax.random.randint(ks[1], (2, E), 0, N, dtype=jnp.int32)
    s = 0.1
    # GAT layer 1: heads=4, out per head = HID//HEADS, concat -> HID
    W1 = jax.random.normal(ks[2], (D_IN, HEADS * HEAD_DIM), dtype=jnp.float32) * s
    a1_src = jax.random.normal(ks[3], (HEADS, HEAD_DIM), dtype=jnp.float32) * s
    a1_dst = jax.random.normal(ks[4], (HEADS, HEAD_DIM), dtype=jnp.float32) * s
    b1 = jnp.zeros((HID,), dtype=jnp.float32)
    # GAT layer 2: heads=1 (PyG default), out = HID
    W2 = jax.random.normal(ks[5], (HID, HID), dtype=jnp.float32) * s
    a2_src = jax.random.normal(ks[6], (1, HID), dtype=jnp.float32) * s
    a2_dst = jax.random.normal(ks[7], (1, HID), dtype=jnp.float32) * s
    b2 = jnp.zeros((HID,), dtype=jnp.float32)
    ln_gamma = jnp.ones((HID,), dtype=jnp.float32)
    ln_beta = jnp.zeros((HID,), dtype=jnp.float32)
    return {"x": x, "edge_index": edge_index, "W1": W1, "a1_src": a1_src,
            "a1_dst": a1_dst, "b1": b1, "W2": W2, "a2_src": a2_src,
            "a2_dst": a2_dst, "b2": b2, "ln_gamma": ln_gamma, "ln_beta": ln_beta}


def _gat_conv(x, edge_index, W, a_src, a_dst, heads, head_dim):
    n = x.shape[0]
    loop = jnp.arange(n, dtype=edge_index.dtype)
    src = jnp.concatenate([edge_index[0], loop])  # PyG add_self_loops=True
    dst = jnp.concatenate([edge_index[1], loop])
    h = (x @ W).reshape(n, heads, head_dim)
    alpha_src = jnp.sum(h * a_src[None, :, :], axis=-1)  # [n, heads]
    alpha_dst = jnp.sum(h * a_dst[None, :, :], axis=-1)
    e = alpha_src[src] + alpha_dst[dst]
    e = jax.nn.leaky_relu(e, negative_slope=0.2)
    emax = jax.ops.segment_max(e, dst, num_segments=n)
    emax = jnp.where(jnp.isfinite(emax), emax, 0.0)
    ee = jnp.exp(e - emax[dst])
    den = jax.ops.segment_sum(ee, dst, num_segments=n)
    alpha = ee / (den[dst] + 1e-16)
    msg = h[src] * alpha[..., None]
    out = jax.ops.segment_sum(msg, dst, num_segments=n)  # [n, heads, head_dim]
    return out


def _layer_norm(x, gamma, beta, eps=1e-5):
    mu = jnp.mean(x, axis=-1, keepdims=True)
    var = jnp.mean((x - mu) ** 2, axis=-1, keepdims=True)
    return (x - mu) / jnp.sqrt(var + eps) * gamma + beta


def reference(x, edge_index, W1, a1_src, a1_dst, b1, W2, a2_src, a2_dst, b2, ln_gamma, ln_beta):
    n = x.shape[0]
    h1 = _gat_conv(x, edge_index, W1, a1_src, a1_dst, HEADS, HEAD_DIM)
    h1 = h1.reshape(n, HID) + b1  # concat heads
    h1 = jax.nn.relu(h1)
    # dropout is identity in eval mode
    h2 = _gat_conv(h1, edge_index, W2, a2_src, a2_dst, 1, HID)
    h2 = h2.reshape(n, HID) + b2
    h2 = _layer_norm(h2, ln_gamma, ln_beta)
    # batch=None -> all nodes in one graph; global_mean_pool
    graph_embedding = jnp.mean(h2, axis=0, keepdims=True)  # [1, HID]
    return graph_embedding

if __name__ == "__main__":
    import jax
    _d = setup_inputs()
    print(jax.jit(kernel)(*tuple(_d.values())))

</pallas_src>

<mosaic_0001>
#map = affine_map<(d0, d1) -> (0, 0)>
#map1 = affine_map<(d0, d1) -> (0)>
#map2 = affine_map<(d0, d1) -> (0, 0, 0)>
module attributes {stable_mosaic.version = 14 : i64} {
  func.func @_edge(%arg0: i32, %arg1: i32, %arg2: memref<20000x64xf32, #tpu.memory_space<hbm>>, %arg3: memref<10000x8xf32, #tpu.memory_space<hbm>>, %arg4: memref<320000xi32, #tpu.memory_space<hbm>>, %arg5: memref<640000xi32, #tpu.memory_space<hbm>>, %arg6: memref<320000xi32, #tpu.memory_space<hbm>>, %arg7: memref<10000x80xf32, #tpu.memory_space<hbm>>, %arg8: memref<2x10000x80xf32, #tpu.memory_space<hbm>>, %arg9: memref<128xi32, #tpu.memory_space<vmem>>, %arg10: memref<128xi32, #tpu.memory_space<vmem>>, %arg11: memref<128xi32, #tpu.memory_space<vmem>>, %arg12: memref<128x64xf32, #tpu.memory_space<vmem>>, %arg13: memref<128x8xf32, #tpu.memory_space<vmem>>, %arg14: memref<128x8xf32, #tpu.memory_space<vmem>>, %arg15: memref<512xf32, #tpu.memory_space<vmem>>, %arg16: memref<128x80xf32, #tpu.memory_space<vmem>>, %arg17: memref<10000x80xf32, #tpu.memory_space<vmem_shared>>, %arg18: memref<!tpu.dma_semaphore, #tpu.memory_space<semaphore_mem>>) attributes {dimension_semantics = [#tpu.dimension_semantics<core_parallel>, #tpu.dimension_semantics<subcore_parallel>], iteration_bounds = array<i64: 2, 16>, scalar_prefetch = 0 : i64, scratch_operands = 10 : i64, tpu.core_type = #tpu.core_type<sc_vector_subcore>, window_params = [{transform_indices = #map}, {transform_indices = #map}, {transform_indices = #map1}, {transform_indices = #map1}, {transform_indices = #map1}, {transform_indices = #map}, {transform_indices = #map2}]} {
    %mul3A = arith.constant 624 : i32
    %mul3A_0 = arith.muli %arg1, %mul3A : i32
    %mul3A_1 = arith.constant 624 : i32
    %mul3A_2 = arith.muli %arg1, %mul3A_1 : i32
    "tpu.region"() ({
      %run_scoped3A = tpu.sem_alloc : memref<!tpu.dma_semaphore, #tpu.memory_space<semaphore_mem>>
      %dma_start3A = arith.constant 0 : i32
      %dma_start3A_24 = tpu.memref_slice %arg17[%mul3A_2, %dma_start3A] : memref<10000x80xf32, #tpu.memory_space<vmem_shared>> -> memref<624x80xf32, #tpu.memory_space<vmem_shared>>
      %dma_start3A_25 = arith.constant 0 : i32
      %dma_start3A_26 = tpu.memref_slice %arg7[%mul3A_0, %dma_start3A_25] : memref<10000x80xf32, #tpu.memory_space<hbm>> -> memref<624x80xf32, #tpu.memory_space<hbm>>
      tpu.enqueue_dma source(%dma_start3A_26 : memref<624x80xf32, #tpu.memory_space<hbm>>) target(%dma_start3A_24 : memref<624x80xf32, #tpu.memory_space<vmem_shared>>) target_semaphore(%run_scoped3A : memref<!tpu.dma_semaphore, #tpu.memory_space<semaphore_mem>>)
      %dma_wait3A = arith.constant 0 : i32
      %dma_wait3A_27 = tpu.memref_slice %arg17[%mul3A_2, %dma_wait3A] : memref<10000x80xf32, #tpu.memory_space<vmem_shared>> -> memref<624x80xf32, #tpu.memory_space<vmem_shared>>
      %dma_wait3A_28 = arith.constant 0 : i32
      %dma_wait3A_29 = tpu.memref_slice %arg7[%mul3A_0, %dma_wait3A_28] : memref<10000x80xf32, #tpu.memory_space<hbm>> -> memref<624x80xf32, #tpu.memory_space<hbm>>
      tpu.wait_dma2 semaphore(%run_scoped3A : memref<!tpu.dma_semaphore, #tpu.memory_space<semaphore_mem>>) src(%dma_wait3A_29 : memref<624x80xf32, #tpu.memory_space<hbm>>) dst(%dma_wait3A_27 : memref<624x80xf32, #tpu.memory_space<vmem_shared>>)
      tpu.yield
    }) : () -> ()
    %eq3A = arith.constant 0 : i32
    %eq3A_3 = arith.cmpi eq, %arg1, %eq3A : i32
    %convert_element_type3A = arith.extui %eq3A_3 : i1 to i32
    %cond3A = arith.constant 0 : i32
    %cond3A_4 = arith.cmpi ne, %convert_element_type3A, %cond3A : i32
    scf.if %cond3A_4 {
      "tpu.region"() ({
        %run_scoped3A = tpu.sem_alloc : memref<!tpu.dma_semaphore, #tpu.memory_space<semaphore_mem>>
        %dma_start3A = arith.constant 9984 : i32
        %dma_start3A_24 = arith.constant 0 : i32
        %dma_start3A_25 = tpu.memref_slice %arg17[%dma_start3A, %dma_start3A_24] : memref<10000x80xf32, #tpu.memory_space<vmem_shared>> -> memref<16x80xf32, #tpu.memory_space<vmem_shared>>
        %dma_start3A_26 = arith.constant 9984 : i32
        %dma_start3A_27 = arith.constant 0 : i32
        %dma_start3A_28 = tpu.memref_slice %arg7[%dma_start3A_26, %dma_start3A_27] : memref<10000x80xf32, #tpu.memory_space<hbm>> -> memref<16x80xf32, #tpu.memory_space<hbm>>
        tpu.enqueue_dma source(%dma_start3A_28 : memref<16x80xf32, #tpu.memory_space<hbm>>) target(%dma_start3A_25 : memref<16x80xf32, #tpu.memory_space<vmem_shared>>) target_semaphore(%run_scoped3A : memref<!tpu.dma_semaphore, #tpu.memory_space<semaphore_mem>>)
        %dma_wait3A = arith.constant 9984 : i32
        %dma_wait3A_29 = arith.constant 0 : i32
        %dma_wait3A_30 = tpu.memref_slice %arg17[%dma_wait3A, %dma_wait3A_29] : memref<10000x80xf32, #tpu.memory_space<vmem_shared>> -> memref<16x80xf32, #tpu.memory_space<vmem_shared>>
        %dma_wait3A_31 = arith.constant 9984 : i32
        %dma_wait3A_32 = arith.constant 0 : i32
        %dma_wait3A_33 = tpu.memref_slice %arg7[%dma_wait3A_31, %dma_wait3A_32] : memref<10000x80xf32, #tpu.memory_space<hbm>> -> memref<16x80xf32, #tpu.memory_space<hbm>>
        tpu.wait_dma2 semaphore(%run_scoped3A : memref<!tpu.dma_semaphore, #tpu.memory_space<semaphore_mem>>) src(%dma_wait3A_33 : memref<16x80xf32, #tpu.memory_space<hbm>>) dst(%dma_wait3A_30 : memref<16x80xf32, #tpu.memory_space<vmem_shared>>)
        tpu.yield
      }) : () -> ()
    } else {
    }
    %barrier3A = arith.constant 0 : index
    tpu.barrier barrier_id(%barrier3A)
    %iota3A = tpu.iota {dimensions = array<i32: 0>} : vector<16xi32>
    %scan3A = arith.constant 0 : i32
    %scan3A_5 = arith.constant 0 : i32
    %scan3A_6 = arith.constant 156 : i32
    %scan3A_7 = arith.addi %scan3A_5, %scan3A_6 : i32
    %scan3A_8 = arith.constant 1 : i32
    scf.for %scan3A_24 = %scan3A_5 to %scan3A_7 step %scan3A_8  : i32 {
      %mul3A_25 = arith.constant 16 : i32
      %mul3A_26 = arith.muli %mul3A_25, %scan3A_24 : i32
      %add3A = arith.addi %arg1, %mul3A_26 : i32
      %mul3A_27 = arith.constant 128 : i32
      %mul3A_28 = arith.muli %add3A, %mul3A_27 : i32
      "tpu.region"() ({
        %run_scoped3A = tpu.sem_alloc : memref<!tpu.dma_semaphore, #tpu.memory_space<semaphore_mem>>
        %dma_start3A_60 = tpu.memref_slice %arg4[%mul3A_28] : memref<320000xi32, #tpu.memory_space<hbm>> -> memref<128xi32, #tpu.memory_space<hbm>>
        %dma_start3A_61 = tpu.memref_slice %arg4[%mul3A_28] : memref<320000xi32, #tpu.memory_space<hbm>> -> memref<128xi32, #tpu.memory_space<hbm>>
        tpu.enqueue_dma source(%dma_start3A_61 : memref<128xi32, #tpu.memory_space<hbm>>) target(%arg9 : memref<128xi32, #tpu.memory_space<vmem>>) target_semaphore(%run_scoped3A : memref<!tpu.dma_semaphore, #tpu.memory_space<semaphore_mem>>)
        %dma_wait3A_62 = tpu.memref_slice %arg4[%mul3A_28] : memref<320000xi32, #tpu.memory_space<hbm>> -> memref<128xi32, #tpu.memory_space<hbm>>
        %dma_wait3A_63 = tpu.memref_slice %arg4[%mul3A_28] : memref<320000xi32, #tpu.memory_space<hbm>> -> memref<128xi32, #tpu.memory_space<hbm>>
        tpu.wait_dma2 semaphore(%run_scoped3A : memref<!tpu.dma_semaphore, #tpu.memory_space<semaphore_mem>>) src(%dma_wait3A_63 : memref<128xi32, #tpu.memory_space<hbm>>) dst(%arg9 : memref<128xi32, #tpu.memory_space<vmem>>)
        tpu.yield
      }) : () -> ()
      %mul3A_29 = arith.constant 320000 : i32
      %mul3A_30 = arith.muli %arg0, %mul3A_29 : i32
      %add3A_31 = arith.addi %mul3A_30, %mul3A_28 : i32
      "tpu.region"() ({
        %run_scoped3A = tpu.sem_alloc : memref<!tpu.dma_semaphore, #tpu.memory_space<semaphore_mem>>
        %dma_start3A_60 = tpu.memref_slice %arg5[%add3A_31] : memref<640000xi32, #tpu.memory_space<hbm>> -> memref<128xi32, #tpu.memory_space<hbm>>
        %dma_start3A_61 = tpu.memref_slice %arg5[%add3A_31] : memref<640000xi32, #tpu.memory_space<hbm>> -> memref<128xi32, #tpu.memory_space<hbm>>
        tpu.enqueue_dma source(%dma_start3A_61 : memref<128xi32, #tpu.memory_space<hbm>>) target(%arg10 : memref<128xi32, #tpu.memory_space<vmem>>) target_semaphore(%run_scoped3A : memref<!tpu.dma_semaphore, #tpu.memory_space<semaphore_mem>>)
        %dma_wait3A_62 = tpu.memref_slice %arg5[%add3A_31] : memref<640000xi32, #tpu.memory_space<hbm>> -> memref<128xi32, #tpu.memory_space<hbm>>
        %dma_wait3A_63 = tpu.memref_slice %arg5[%add3A_31] : memref<640000xi32, #tpu.memory_space<hbm>> -> memref<128xi32, #tpu.memory_space<hbm>>
        tpu.wait_dma2 semaphore(%run_scoped3A : memref<!tpu.dma_semaphore, #tpu.memory_space<semaphore_mem>>) src(%dma_wait3A_63 : memref<128xi32, #tpu.memory_space<hbm>>) dst(%arg10 : memref<128xi32, #tpu.memory_space<vmem>>)
        tpu.yield
      }) : () -> ()
      "tpu.region"() ({
        %run_scoped3A = tpu.sem_alloc : memref<!tpu.dma_semaphore, #tpu.memory_space<semaphore_mem>>
        %dma_start3A_60 = tpu.memref_slice %arg6[%mul3A_28] : memref<320000xi32, #tpu.memory_space<hbm>> -> memref<128xi32, #tpu.memory_space<hbm>>
        %dma_start3A_61 = tpu.memref_slice %arg6[%mul3A_28] : memref<320000xi32, #tpu.memory_space<hbm>> -> memref<128xi32, #tpu.memory_space<hbm>>
        tpu.enqueue_dma source(%dma_start3A_61 : memref<128xi32, #tpu.memory_space<hbm>>) target(%arg11 : memref<128xi32, #tpu.memory_space<vmem>>) target_semaphore(%run_scoped3A : memref<!tpu.dma_semaphore, #tpu.memory_space<semaphore_mem>>)
        %dma_wait3A_62 = tpu.memref_slice %arg6[%mul3A_28] : memref<320000xi32, #tpu.memory_space<hbm>> -> memref<128xi32, #tpu.memory_space<hbm>>
        %dma_wait3A_63 = tpu.memref_slice %arg6[%mul3A_28] : memref<320000xi32, #tpu.memory_space<hbm>> -> memref<128xi32, #tpu.memory_space<hbm>>
        tpu.wait_dma2 semaphore(%run_scoped3A : memref<!tpu.dma_semaphore, #tpu.memory_space<semaphore_mem>>) src(%dma_wait3A_63 : memref<128xi32, #tpu.memory_space<hbm>>) dst(%arg11 : memref<128xi32, #tpu.memory_space<vmem>>)
        tpu.yield
      }) : () -> ()
      %dma_start3A = arith.constant 0 : i32
      %dma_start3A_32 = arith.constant 0 : i32
      %dma_start3A_33 = tpu.memref_slice %arg3[%dma_start3A, %dma_start3A_32] : memref<10000x8xf32, #tpu.memory_space<hbm>> -> memref<10000x8xf32, #tpu.memory_space<hbm>>
      tpu.enqueue_indirect_dma source(%dma_start3A_33 : memref<10000x8xf32, #tpu.memory_space<hbm>>) target(%arg13 : memref<128x8xf32, #tpu.memory_space<vmem>>) offsets(%arg9 : memref<128xi32, #tpu.memory_space<vmem>>) semaphore(%arg18 : memref<!tpu.dma_semaphore, #tpu.memory_space<semaphore_mem>>)
      %dma_wait3A = arith.constant 0 : i32
      %dma_wait3A_34 = arith.constant 0 : i32
      %dma_wait3A_35 = tpu.memref_slice %arg3[%dma_wait3A, %dma_wait3A_34] : memref<10000x8xf32, #tpu.memory_space<hbm>> -> memref<10000x8xf32, #tpu.memory_space<hbm>>
      tpu.wait_indirect_dma semaphore(%arg18 : memref<!tpu.dma_semaphore, #tpu.memory_space<semaphore_mem>>) src(%dma_wait3A_35 : memref<10000x8xf32, #tpu.memory_space<hbm>>) dst(%arg13 : memref<128x8xf32, #tpu.memory_space<vmem>>)
      %dma_start3A_36 = arith.constant 0 : i32
      %dma_start3A_37 = arith.constant 0 : i32
      %dma_start3A_38 = tpu.memref_slice %arg3[%dma_start3A_36, %dma_start3A_37] : memref<10000x8xf32, #tpu.memory_space<hbm>> -> memref<10000x8xf32, #tpu.memory_space<hbm>>
      tpu.enqueue_indirect_dma source(%dma_start3A_38 : memref<10000x8xf32, #tpu.memory_space<hbm>>) target(%arg14 : memref<128x8xf32, #tpu.memory_space<vmem>>) offsets(%arg11 : memref<128xi32, #tpu.memory_space<vmem>>) semaphore(%arg18 : memref<!tpu.dma_semaphore, #tpu.memory_space<semaphore_mem>>)
      %dma_wait3A_39 = arith.constant 0 : i32
      %dma_wait3A_40 = arith.constant 0 : i32
      %dma_wait3A_41 = tpu.memref_slice %arg3[%dma_wait3A_39, %dma_wait3A_40] : memref<10000x8xf32, #tpu.memory_space<hbm>> -> memref<10000x8xf32, #tpu.memory_space<hbm>>
      tpu.wait_indirect_dma semaphore(%arg18 : memref<!tpu.dma_semaphore, #tpu.memory_space<semaphore_mem>>) src(%dma_wait3A_41 : memref<10000x8xf32, #tpu.memory_space<hbm>>) dst(%arg14 : memref<128x8xf32, #tpu.memory_space<vmem>>)
      %dma_start3A_42 = arith.constant 0 : i32
      %dma_start3A_43 = arith.constant 0 : i32
      %dma_start3A_44 = tpu.memref_slice %arg2[%dma_start3A_42, %dma_start3A_43] : memref<20000x64xf32, #tpu.memory_space<hbm>> -> memref<20000x64xf32, #tpu.memory_space<hbm>>
      tpu.enqueue_indirect_dma source(%dma_start3A_44 : memref<20000x64xf32, #tpu.memory_space<hbm>>) target(%arg12 : memref<128x64xf32, #tpu.memory_space<vmem>>) offsets(%arg10 : memref<128xi32, #tpu.memory_space<vmem>>) semaphore(%arg18 : memref<!tpu.dma_semaphore, #tpu.memory_space<semaphore_mem>>)
      %dma_wait3A_45 = arith.constant 0 : i32
      %dma_wait3A_46 = arith.constant 0 : i32
      %dma_wait3A_47 = tpu.memref_slice %arg2[%dma_wait3A_45, %dma_wait3A_46] : memref<20000x64xf32, #tpu.memory_space<hbm>> -> memref<20000x64xf32, #tpu.memory_space<hbm>>
      tpu.wait_indirect_dma semaphore(%arg18 : memref<!tpu.dma_semaphore, #tpu.memory_space<semaphore_mem>>) src(%dma_wait3A_47 : memref<20000x64xf32, #tpu.memory_space<hbm>>) dst(%arg12 : memref<128x64xf32, #tpu.memory_space<vmem>>)
      %scan3A_48 = arith.constant 0 : i32
      %scan3A_49 = arith.constant 0 : i32
      %scan3A_50 = arith.constant 8 : i32
      %scan3A_51 = arith.addi %scan3A_49, %scan3A_50 : i32
      %scan3A_52 = arith.constant 1 : i32
      scf.for %scan3A_60 = %scan3A_49 to %scan3A_51 step %scan3A_52  : i32 {
        %mul3A_61 = arith.constant 16 : i32
        %mul3A_62 = arith.muli %scan3A_60, %mul3A_61 : i32
        %add3A_63 = vector.broadcast %mul3A_62 : i32 to vector<16xi32>
        %add3A_64 = arith.addi %iota3A, %add3A_63 : vector<16xi32>
        %broadcast_in_dim3A = arith.constant 0 : i32
        %broadcast_in_dim3A_65 = vector.broadcast %broadcast_in_dim3A : i32 to vector<16xi32>
        %gather3A = tpu.vector_load_idx %arg13[%add3A_64, %broadcast_in_dim3A_65] : memref<128x8xf32, #tpu.memory_space<vmem>>[vector<16xi32>, vector<16xi32>], vector<16xf32>,
        %broadcast_in_dim3A_66 = arith.constant 4 : i32
        %broadcast_in_dim3A_67 = vector.broadcast %broadcast_in_dim3A_66 : i32 to vector<16xi32>
        %gather3A_68 = tpu.vector_load_idx %arg14[%add3A_64, %broadcast_in_dim3A_67] : memref<128x8xf32, #tpu.memory_space<vmem>>[vector<16xi32>, vector<16xi32>], vector<16xf32>,
        %add3A_69 = arith.addf %gather3A, %gather3A_68 : vector<16xf32>
        %mul3A_70 = arith.constant 2.000000e-01 : f32
        %mul3A_71 = vector.broadcast %mul3A_70 : f32 to vector<16xf32>
        %mul3A_72 = arith.mulf %mul3A_71, %add3A_69 : vector<16xf32>
        %max3A = arith.maximumf %add3A_69, %mul3A_72 : vector<16xf32>
        %exp3A = math.exp %max3A : vector<16xf32>
        %mul3A_73 = arith.constant 16 : i32
        %mul3A_74 = arith.muli %scan3A_60, %mul3A_73 : i32
        %add3A_75 = arith.constant 0 : i32
        %add3A_76 = arith.addi %add3A_75, %mul3A_74 : i32
        %swap3A = arith.index_cast %add3A_76 : i32 to index
        %swap3A_77 = tpu.vector_load %arg15[%swap3A] {strides = array<i32>} : memref<512xf32, #tpu.memory_space<vmem>>, vector<16xf32>,
        tpu.vector_store %arg15[%swap3A], %exp3A {strides = array<i32>} : memref<512xf32, #tpu.memory_space<vmem>>, vector<16xf32>,
        %broadcast_in_dim3A_78 = arith.constant 1 : i32
        %broadcast_in_dim3A_79 = vector.broadcast %broadcast_in_dim3A_78 : i32 to vector<16xi32>
        %gather3A_80 = tpu.vector_load_idx %arg13[%add3A_64, %broadcast_in_dim3A_79] : memref<128x8xf32, #tpu.memory_space<vmem>>[vector<16xi32>, vector<16xi32>], vector<16xf32>,
        %broadcast_in_dim3A_81 = arith.constant 5 : i32
        %broadcast_in_dim3A_82 = vector.broadcast %broadcast_in_dim3A_81 : i32 to vector<16xi32>
        %gather3A_83 = tpu.vector_load_idx %arg14[%add3A_64, %broadcast_in_dim3A_82] : memref<128x8xf32, #tpu.memory_space<vmem>>[vector<16xi32>, vector<16xi32>], vector<16xf32>,
        %add3A_84 = arith.addf %gather3A_80, %gather3A_83 : vector<16xf32>
        %mul3A_85 = arith.constant 2.000000e-01 : f32
        %mul3A_86 = vector.broadcast %mul3A_85 : f32 to vector<16xf32>
        %mul3A_87 = arith.mulf %mul3A_86, %add3A_84 : vector<16xf32>
        %max3A_88 = arith.maximumf %add3A_84, %mul3A_87 : vector<16xf32>
        %exp3A_89 = math.exp %max3A_88 : vector<16xf32>
        %mul3A_90 = arith.constant 16 : i32
        %mul3A_91 = arith.muli %scan3A_60, %mul3A_90 : i32
        %add3A_92 = arith.constant 128 : i32
        %add3A_93 = arith.addi %add3A_92, %mul3A_91 : i32
        %swap3A_94 = arith.index_cast %add3A_93 : i32 to index
        %swap3A_95 = tpu.vector_load %arg15[%swap3A_94] {strides = array<i32>} : memref<512xf32, #tpu.memory_space<vmem>>, vector<16xf32>,
        tpu.vector_store %arg15[%swap3A_94], %exp3A_89 {strides = array<i32>} : memref<512xf32, #tpu.memory_space<vmem>>, vector<16xf32>,
        %broadcast_in_dim3A_96 = arith.constant 2 : i32
        %broadcast_in_dim3A_97 = vector.broadcast %broadcast_in_dim3A_96 : i32 to vector<16xi32>
        %gather3A_98 = tpu.vector_load_idx %arg13[%add3A_64, %broadcast_in_dim3A_97] : memref<128x8xf32, #tpu.memory_space<vmem>>[vector<16xi32>, vector<16xi32>], vector<16xf32>,
        %broadcast_in_dim3A_99 = arith.constant 6 : i32
        %broadcast_in_dim3A_100 = vector.broadcast %broadcast_in_dim3A_99 : i32 to vector<16xi32>
        %gather3A_101 = tpu.vector_load_idx %arg14[%add3A_64, %broadcast_in_dim3A_100] : memref<128x8xf32, #tpu.memory_space<vmem>>[vector<16xi32>, vector<16xi32>], vector<16xf32>,
        %add3A_102 = arith.addf %gather3A_98, %gather3A_101 : vector<16xf32>
        %mul3A_103 = arith.constant 2.000000e-01 : f32
        %mul3A_104 = vector.broadcast %mul3A_103 : f32 to vector<16xf32>
        %mul3A_105 = arith.mulf %mul3A_104, %add3A_102 : vector<16xf32>
        %max3A_106 = arith.maximumf %add3A_102, %mul3A_105 : vector<16xf32>
        %exp3A_107 = math.exp %max3A_106 : vector<16xf32>
        %mul3A_108 = arith.constant 16 : i32
        %mul3A_109 = arith.muli %scan3A_60, %mul3A_108 : i32
        %add3A_110 = arith.constant 256 : i32
        %add3A_111 = arith.addi %add3A_110, %mul3A_109 : i32
        %swap3A_112 = arith.index_cast %add3A_111 : i32 to index
        %swap3A_113 = tpu.vector_load %arg15[%swap3A_112] {strides = array<i32>} : memref<512xf32, #tpu.memory_space<vmem>>, vector<16xf32>,
        tpu.vector_store %arg15[%swap3A_112], %exp3A_107 {strides = array<i32>} : memref<512xf32, #tpu.memory_space<vmem>>, vector<16xf32>,
        %broadcast_in_dim3A_114 = arith.constant 3 : i32
        %broadcast_in_dim3A_115 = vector.broadcast %broadcast_in_dim3A_114 : i32 to vector<16xi32>
        %gather3A_116 = tpu.vector_load_idx %arg13[%add3A_64, %broadcast_in_dim3A_115] : memref<128x8xf32, #tpu.memory_space<vmem>>[vector<16xi32>, vector<16xi32>], vector<16xf32>,
        %broadcast_in_dim3A_117 = arith.constant 7 : i32
        %broadcast_in_dim3A_118 = vector.broadcast %broadcast_in_dim3A_117 : i32 to vector<16xi32>
        %gather3A_119 = tpu.vector_load_idx %arg14[%add3A_64, %broadcast_in_dim3A_118] : memref<128x8xf32, #tpu.memory_space<vmem>>[vector<16xi32>, vector<16xi32>], vector<16xf32>,
        %add3A_120 = arith.addf %gather3A_116, %gather3A_119 : vector<16xf32>
        %mul3A_121 = arith.constant 2.000000e-01 : f32
        %mul3A_122 = vector.broadcast %mul3A_121 : f32 to vector<16xf32>
        %mul3A_123 = arith.mulf %mul3A_122, %add3A_120 : vector<16xf32>
        %max3A_124 = arith.maximumf %add3A_120, %mul3A_123 : vector<16xf32>
        %exp3A_125 = math.exp %max3A_124 : vector<16xf32>
        %mul3A_126 = arith.constant 16 : i32
        %mul3A_127 = arith.muli %scan3A_60, %mul3A_126 : i32
        %add3A_128 = arith.constant 384 : i32
        %add3A_129 = arith.addi %add3A_128, %mul3A_127 : i32
        %swap3A_130 = arith.index_cast %add3A_129 : i32 to index
        %swap3A_131 = tpu.vector_load %arg15[%swap3A_130] {strides = array<i32>} : memref<512xf32, #tpu.memory_space<vmem>>, vector<16xf32>,
        tpu.vector_store %arg15[%swap3A_130], %exp3A_125 {strides = array<i32>} : memref<512xf32, #tpu.memory_space<vmem>>, vector<16xf32>,
      }
      %scan3A_53 = arith.constant 8 : i32
      %scan3A_54 = arith.constant 0 : i32
      %scan3A_55 = arith.constant 0 : i32
      %scan3A_56 = arith.constant 128 : i32
      %scan3A_57 = arith.addi %scan3A_55, %scan3A_56 : i32
      %scan3A_58 = arith.constant 1 : i32
      scf.for %scan3A_60 = %scan3A_55 to %scan3A_57 step %scan3A_58  : i32 {
        %lt3A_61 = arith.constant 4 : i32
        %lt3A_62 = vector.broadcast %lt3A_61 : i32 to vector<16xi32>
        %lt3A_63 = arith.cmpi slt, %iota3A, %lt3A_62 : vector<16xi32>
        %mul3A_64 = arith.constant 128 : i32
        %mul3A_65 = vector.broadcast %mul3A_64 : i32 to vector<16xi32>
        %mul3A_66 = arith.muli %iota3A, %mul3A_65 : vector<16xi32>
        %add3A_67 = vector.broadcast %scan3A_60 : i32 to vector<16xi32>
        %add3A_68 = arith.addi %mul3A_66, %add3A_67 : vector<16xi32>
        %jit3A = arith.constant 0 : i32
        %broadcast_in_dim3A = vector.broadcast %jit3A : i32 to vector<16xi32>
        %select_n3A = arith.select %lt3A_63, %add3A_68, %broadcast_in_dim3A : vector<16xi1>, vector<16xi32>
        %gather3A = tpu.vector_load_idx %arg15[%select_n3A] : memref<512xf32, #tpu.memory_space<vmem>>[vector<16xi32>], vector<16xf32>,
        %lt3A_69 = arith.constant 4 : i32
        %lt3A_70 = vector.broadcast %lt3A_69 : i32 to vector<16xi32>
        %lt3A_71 = arith.cmpi slt, %iota3A, %lt3A_70 : vector<16xi32>
        %jit3A_72 = arith.constant 0.000000e+00 : f32
        %broadcast_in_dim3A_73 = vector.broadcast %jit3A_72 : f32 to vector<16xf32>
        %select_n3A_74 = arith.select %lt3A_71, %gather3A, %broadcast_in_dim3A_73 : vector<16xi1>, vector<16xf32>
        %swap3A = arith.index_cast %scan3A_60 : i32 to index
        %swap3A_75 = arith.constant 64 : index
        %swap3A_76 = tpu.vector_load %arg16[%swap3A, %swap3A_75] {strides = array<i32>} : memref<128x80xf32, #tpu.memory_space<vmem>>, vector<16xf32>,
        tpu.vector_store %arg16[%swap3A, %swap3A_75], %select_n3A_74 {strides = array<i32>} : memref<128x80xf32, #tpu.memory_space<vmem>>, vector<16xf32>,
        %broadcast_in_dim3A_77 = arith.constant 0 : i32
        %broadcast_in_dim3A_78 = vector.broadcast %broadcast_in_dim3A_77 : i32 to vector<16xi32>
        %mul3A_79 = arith.constant 2 : i32
        %mul3A_80 = arith.muli %mul3A_79, %arg0 : i32
        %add3A_81 = vector.broadcast %mul3A_80 : i32 to vector<16xi32>
        %add3A_82 = arith.addi %broadcast_in_dim3A_78, %add3A_81 : vector<16xi32>
        %lt3A_83 = arith.constant 0 : i32
        %lt3A_84 = vector.broadcast %lt3A_83 : i32 to vector<16xi32>
        %lt3A_85 = arith.cmpi slt, %add3A_82, %lt3A_84 : vector<16xi32>
        %add3A_86 = arith.constant 16 : i32
        %add3A_87 = vector.broadcast %add3A_86 : i32 to vector<16xi32>
        %add3A_88 = arith.addi %add3A_82, %add3A_87 : vector<16xi32>
        %select_n3A_89 = arith.select %lt3A_85, %add3A_88, %add3A_82 : vector<16xi1>, vector<16xi32>
        %broadcast_in_dim3A_90 = vector.shape_cast %select_n3A_89 : vector<16xi32> to vector<16x1xi32>
        %gather3A_91 = vector.shape_cast %broadcast_in_dim3A_90 : vector<16x1xi32> to vector<16xi32>
        %gather3A_92 = tpu.dynamic_gather %select_n3A_74[%gather3A_91] in [0] : vector<16xf32>, vector<16xi32> -> vector<16xf32>
        %get3A = arith.index_cast %scan3A_60 : i32 to index
        %get3A_93 = arith.constant 0 : index
        %get3A_94 = tpu.vector_load %arg12[%get3A, %get3A_93] {strides = array<i32>} : memref<128x64xf32, #tpu.memory_space<vmem>>, vector<16xf32>,
        %mul3A_95 = arith.mulf %get3A_94, %gather3A_92 : vector<16xf32>
        %swap3A_96 = arith.index_cast %scan3A_60 : i32 to index
        %swap3A_97 = arith.constant 0 : index
        %swap3A_98 = tpu.vector_load %arg16[%swap3A_96, %swap3A_97] {strides = array<i32>} : memref<128x80xf32, #tpu.memory_space<vmem>>, vector<16xf32>,
        tpu.vector_store %arg16[%swap3A_96, %swap3A_97], %mul3A_95 {strides = array<i32>} : memref<128x80xf32, #tpu.memory_space<vmem>>, vector<16xf32>,
        %broadcast_in_dim3A_99 = arith.constant 0 : i32
        %broadcast_in_dim3A_100 = vector.broadcast %broadcast_in_dim3A_99 : i32 to vector<16xi32>
        %mul3A_101 = arith.constant 2 : i32
        %mul3A_102 = arith.muli %mul3A_101, %arg0 : i32
        %add3A_103 = vector.broadcast %mul3A_102 : i32 to vector<16xi32>
        %add3A_104 = arith.addi %broadcast_in_dim3A_100, %add3A_103 : vector<16xi32>
        %lt3A_105 = arith.constant 0 : i32
        %lt3A_106 = vector.broadcast %lt3A_105 : i32 to vector<16xi32>
        %lt3A_107 = arith.cmpi slt, %add3A_104, %lt3A_106 : vector<16xi32>
        %add3A_108 = arith.constant 16 : i32
        %add3A_109 = vector.broadcast %add3A_108 : i32 to vector<16xi32>
        %add3A_110 = arith.addi %add3A_104, %add3A_109 : vector<16xi32>
        %select_n3A_111 = arith.select %lt3A_107, %add3A_110, %add3A_104 : vector<16xi1>, vector<16xi32>
        %broadcast_in_dim3A_112 = vector.shape_cast %select_n3A_111 : vector<16xi32> to vector<16x1xi32>
        %gather3A_113 = vector.shape_cast %broadcast_in_dim3A_112 : vector<16x1xi32> to vector<16xi32>
        %gather3A_114 = tpu.dynamic_gather %select_n3A_74[%gather3A_113] in [0] : vector<16xf32>, vector<16xi32> -> vector<16xf32>
        %get3A_115 = arith.index_cast %scan3A_60 : i32 to index
        %get3A_116 = arith.constant 16 : index
        %get3A_117 = tpu.vector_load %arg12[%get3A_115, %get3A_116] {strides = array<i32>} : memref<128x64xf32, #tpu.memory_space<vmem>>, vector<16xf32>,
        %mul3A_118 = arith.mulf %get3A_117, %gather3A_114 : vector<16xf32>
        %swap3A_119 = arith.index_cast %scan3A_60 : i32 to index
        %swap3A_120 = arith.constant 16 : index
        %swap3A_121 = tpu.vector_load %arg16[%swap3A_119, %swap3A_120] {strides = array<i32>} : memref<128x80xf32, #tpu.memory_space<vmem>>, vector<16xf32>,
        tpu.vector_store %arg16[%swap3A_119, %swap3A_120], %mul3A_118 {strides = array<i32>} : memref<128x80xf32, #tpu.memory_space<vmem>>, vector<16xf32>,
        %broadcast_in_dim3A_122 = arith.constant 1 : i32
        %broadcast_in_dim3A_123 = vector.broadcast %broadcast_in_dim3A_122 : i32 to vector<16xi32>
        %mul3A_124 = arith.constant 2 : i32
        %mul3A_125 = arith.muli %mul3A_124, %arg0 : i32
        %add3A_126 = vector.broadcast %mul3A_125 : i32 to vector<16xi32>
        %add3A_127 = arith.addi %broadcast_in_dim3A_123, %add3A_126 : vector<16xi32>
        %lt3A_128 = arith.constant 0 : i32
        %lt3A_129 = vector.broadcast %lt3A_128 : i32 to vector<16xi32>
        %lt3A_130 = arith.cmpi slt, %add3A_127, %lt3A_129 : vector<16xi32>
        %add3A_131 = arith.constant 16 : i32
        %add3A_132 = vector.broadcast %add3A_131 : i32 to vector<16xi32>
        %add3A_133 = arith.addi %add3A_127, %add3A_132 : vector<16xi32>
        %select_n3A_134 = arith.select %lt3A_130, %add3A_133, %add3A_127 : vector<16xi1>, vector<16xi32>
        %broadcast_in_dim3A_135 = vector.shape_cast %select_n3A_134 : vector<16xi32> to vector<16x1xi32>
        %gather3A_136 = vector.shape_cast %broadcast_in_dim3A_135 : vector<16x1xi32> to vector<16xi32>
        %gather3A_137 = tpu.dynamic_gather %select_n3A_74[%gather3A_136] in [0] : vector<16xf32>, vector<16xi32> -> vector<16xf32>
        %get3A_138 = arith.index_cast %scan3A_60 : i32 to index
        %get3A_139 = arith.constant 32 : index
        %get3A_140 = tpu.vector_load %arg12[%get3A_138, %get3A_139] {strides = array<i32>} : memref<128x64xf32, #tpu.memory_space<vmem>>, vector<16xf32>,
        %mul3A_141 = arith.mulf %get3A_140, %gather3A_137 : vector<16xf32>
        %swap3A_142 = arith.index_cast %scan3A_60 : i32 to index
        %swap3A_143 = arith.constant 32 : index
        %swap3A_144 = tpu.vector_load %arg16[%swap3A_142, %swap3A_143] {strides = array<i32>} : memref<128x80xf32, #tpu.memory_space<vmem>>, vector<16xf32>,
        tpu.vector_store %arg16[%swap3A_142, %swap3A_143], %mul3A_141 {strides = array<i32>} : memref<128x80xf32, #tpu.memory_space<vmem>>, vector<16xf32>,
        %broadcast_in_dim3A_145 = arith.constant 1 : i32
        %broadcast_in_dim3A_146 = vector.broadcast %broadcast_in_dim3A_145 : i32 to vector<16xi32>
        %mul3A_147 = arith.constant 2 : i32
        %mul3A_148 = arith.muli %mul3A_147, %arg0 : i32
        %add3A_149 = vector.broadcast %mul3A_148 : i32 to vector<16xi32>
        %add3A_150 = arith.addi %broadcast_in_dim3A_146, %add3A_149 : vector<16xi32>
        %lt3A_151 = arith.constant 0 : i32
        %lt3A_152 = vector.broadcast %lt3A_151 : i32 to vector<16xi32>
        %lt3A_153 = arith.cmpi slt, %add3A_150, %lt3A_152 : vector<16xi32>
        %add3A_154 = arith.constant 16 : i32
        %add3A_155 = vector.broadcast %add3A_154 : i32 to vector<16xi32>
        %add3A_156 = arith.addi %add3A_150, %add3A_155 : vector<16xi32>
        %select_n3A_157 = arith.select %lt3A_153, %add3A_156, %add3A_150 : vector<16xi1>, vector<16xi32>
        %broadcast_in_dim3A_158 = vector.shape_cast %select_n3A_157 : vector<16xi32> to vector<16x1xi32>
        %gather3A_159 = vector.shape_cast %broadcast_in_dim3A_158 : vector<16x1xi32> to vector<16xi32>
        %gather3A_160 = tpu.dynamic_gather %select_n3A_74[%gather3A_159] in [0] : vector<16xf32>, vector<16xi32> -> vector<16xf32>
        %get3A_161 = arith.index_cast %scan3A_60 : i32 to index
        %get3A_162 = arith.constant 48 : index
        %get3A_163 = tpu.vector_load %arg12[%get3A_161, %get3A_162] {strides = array<i32>} : memref<128x64xf32, #tpu.memory_space<vmem>>, vector<16xf32>,
        %mul3A_164 = arith.mulf %get3A_163, %gather3A_160 : vector<16xf32>
        %swap3A_165 = arith.index_cast %scan3A_60 : i32 to index
        %swap3A_166 = arith.constant 48 : index
        %swap3A_167 = tpu.vector_load %arg16[%swap3A_165, %swap3A_166] {strides = array<i32>} : memref<128x80xf32, #tpu.memory_space<vmem>>, vector<16xf32>,
        tpu.vector_store %arg16[%swap3A_165, %swap3A_166], %mul3A_164 {strides = array<i32>} : memref<128x80xf32, #tpu.memory_space<vmem>>, vector<16xf32>,
      }
      %scan3A_59 = arith.constant 128 : i32
      "tpu.region"() ({
        %run_scoped3A = tpu.sem_alloc : memref<!tpu.dma_semaphore, #tpu.memory_space<semaphore_mem>>
        %dma_start3A_60 = arith.constant 0 : i32
        %dma_start3A_61 = arith.constant 0 : i32
        %dma_start3A_62 = tpu.memref_slice %arg17[%dma_start3A_60, %dma_start3A_61] : memref<10000x80xf32, #tpu.memory_space<vmem_shared>> -> memref<10000x80xf32, #tpu.memory_space<vmem_shared>>
        tpu.enqueue_indirect_dma source(%arg16 : memref<128x80xf32, #tpu.memory_space<vmem>>) target(%dma_start3A_62 : memref<10000x80xf32, #tpu.memory_space<vmem_shared>>) offsets(%arg11 : memref<128xi32, #tpu.memory_space<vmem>>) semaphore(%run_scoped3A : memref<!tpu.dma_semaphore, #tpu.memory_space<semaphore_mem>>) {add = true}
        %dma_wait3A_63 = arith.constant 0 : i32
        %dma_wait3A_64 = arith.constant 0 : i32
        %dma_wait3A_65 = tpu.memref_slice %arg17[%dma_wait3A_63, %dma_wait3A_64] : memref<10000x80xf32, #tpu.memory_space<vmem_shared>> -> memref<10000x80xf32, #tpu.memory_space<vmem_shared>>
        tpu.wait_indirect_dma semaphore(%run_scoped3A : memref<!tpu.dma_semaphore, #tpu.memory_space<semaphore_mem>>) src(%arg16 : memref<128x80xf32, #tpu.memory_space<vmem>>) dst(%dma_wait3A_65 : memref<10000x80xf32, #tpu.memory_space<vmem_shared>>)
        tpu.yield
      }) : () -> ()
    }
    %scan3A_9 = arith.constant 156 : i32
    %lt3A = arith.constant 4 : i32
    %lt3A_10 = arith.cmpi slt, %arg1, %lt3A : i32
    %convert_element_type3A_11 = arith.extui %lt3A_10 : i1 to i32
    %cond3A_12 = arith.constant 0 : i32
    %cond3A_13 = arith.cmpi ne, %convert_element_type3A_11, %cond3A_12 : i32
    scf.if %cond3A_13 {
      %add3A = arith.constant 2496 : i32
      %add3A_24 = arith.addi %add3A, %arg1 : i32
      %mul3A_25 = arith.constant 128 : i32
      %mul3A_26 = arith.muli %add3A_24, %mul3A_25 : i32
      "tpu.region"() ({
        %run_scoped3A = tpu.sem_alloc : memref<!tpu.dma_semaphore, #tpu.memory_space<semaphore_mem>>
        %dma_start3A_58 = tpu.memref_slice %arg4[%mul3A_26] : memref<320000xi32, #tpu.memory_space<hbm>> -> memref<128xi32, #tpu.memory_space<hbm>>
        %dma_start3A_59 = tpu.memref_slice %arg4[%mul3A_26] : memref<320000xi32, #tpu.memory_space<hbm>> -> memref<128xi32, #tpu.memory_space<hbm>>
        tpu.enqueue_dma source(%dma_start3A_59 : memref<128xi32, #tpu.memory_space<hbm>>) target(%arg9 : memref<128xi32, #tpu.memory_space<vmem>>) target_semaphore(%run_scoped3A : memref<!tpu.dma_semaphore, #tpu.memory_space<semaphore_mem>>)
        %dma_wait3A_60 = tpu.memref_slice %arg4[%mul3A_26] : memref<320000xi32, #tpu.memory_space<hbm>> -> memref<128xi32, #tpu.memory_space<hbm>>
        %dma_wait3A_61 = tpu.memref_slice %arg4[%mul3A_26] : memref<320000xi32, #tpu.memory_space<hbm>> -> memref<128xi32, #tpu.memory_space<hbm>>
        tpu.wait_dma2 semaphore(%run_scoped3A : memref<!tpu.dma_semaphore, #tpu.memory_space<semaphore_mem>>) src(%dma_wait3A_61 : memref<128xi32, #tpu.memory_space<hbm>>) dst(%arg9 : memref<128xi32, #tpu.memory_space<vmem>>)
        tpu.yield
      }) : () -> ()
      %mul3A_27 = arith.constant 320000 : i32
      %mul3A_28 = arith.muli %arg0, %mul3A_27 : i32
      %add3A_29 = arith.addi %mul3A_28, %mul3A_26 : i32
      "tpu.region"() ({
        %run_scoped3A = tpu.sem_alloc : memref<!tpu.dma_semaphore, #tpu.memory_space<semaphore_mem>>
        %dma_start3A_58 = tpu.memref_slice %arg5[%add3A_29] : memref<640000xi32, #tpu.memory_space<hbm>> -> memref<128xi32, #tpu.memory_space<hbm>>
        %dma_start3A_59 = tpu.memref_slice %arg5[%add3A_29] : memref<640000xi32, #tpu.memory_space<hbm>> -> memref<128xi32, #tpu.memory_space<hbm>>
        tpu.enqueue_dma source(%dma_start3A_59 : memref<128xi32, #tpu.memory_space<hbm>>) target(%arg10 : memref<128xi32, #tpu.memory_space<vmem>>) target_semaphore(%run_scoped3A : memref<!tpu.dma_semaphore, #tpu.memory_space<semaphore_mem>>)
        %dma_wait3A_60 = tpu.memref_slice %arg5[%add3A_29] : memref<640000xi32, #tpu.memory_space<hbm>> -> memref<128xi32, #tpu.memory_space<hbm>>
        %dma_wait3A_61 = tpu.memref_slice %arg5[%add3A_29] : memref<640000xi32, #tpu.memory_space<hbm>> -> memref<128xi32, #tpu.memory_space<hbm>>
        tpu.wait_dma2 semaphore(%run_scoped3A : memref<!tpu.dma_semaphore, #tpu.memory_space<semaphore_mem>>) src(%dma_wait3A_61 : memref<128xi32, #tpu.memory_space<hbm>>) dst(%arg10 : memref<128xi32, #tpu.memory_space<vmem>>)
        tpu.yield
      }) : () -> ()
      "tpu.region"() ({
        %run_scoped3A = tpu.sem_alloc : memref<!tpu.dma_semaphore, #tpu.memory_space<semaphore_mem>>
        %dma_start3A_58 = tpu.memref_slice %arg6[%mul3A_26] : memref<320000xi32, #tpu.memory_space<hbm>> -> memref<128xi32, #tpu.memory_space<hbm>>
        %dma_start3A_59 = tpu.memref_slice %arg6[%mul3A_26] : memref<320000xi32, #tpu.memory_space<hbm>> -> memref<128xi32, #tpu.memory_space<hbm>>
        tpu.enqueue_dma source(%dma_start3A_59 : memref<128xi32, #tpu.memory_space<hbm>>) target(%arg11 : memref<128xi32, #tpu.memory_space<vmem>>) target_semaphore(%run_scoped3A : memref<!tpu.dma_semaphore, #tpu.memory_space<semaphore_mem>>)
        %dma_wait3A_60 = tpu.memref_slice %arg6[%mul3A_26] : memref<320000xi32, #tpu.memory_space<hbm>> -> memref<128xi32, #tpu.memory_space<hbm>>
        %dma_wait3A_61 = tpu.memref_slice %arg6[%mul3A_26] : memref<320000xi32, #tpu.memory_space<hbm>> -> memref<128xi32, #tpu.memory_space<hbm>>
        tpu.wait_dma2 semaphore(%run_scoped3A : memref<!tpu.dma_semaphore, #tpu.memory_space<semaphore_mem>>) src(%dma_wait3A_61 : memref<128xi32, #tpu.memory_space<hbm>>) dst(%arg11 : memref<128xi32, #tpu.memory_space<vmem>>)
        tpu.yield
      }) : () -> ()
      %dma_start3A = arith.constant 0 : i32
      %dma_start3A_30 = arith.constant 0 : i32
      %dma_start3A_31 = tpu.memref_slice %arg3[%dma_start3A, %dma_start3A_30] : memref<10000x8xf32, #tpu.memory_space<hbm>> -> memref<10000x8xf32, #tpu.memory_space<hbm>>
      tpu.enqueue_indirect_dma source(%dma_start3A_31 : memref<10000x8xf32, #tpu.memory_space<hbm>>) target(%arg13 : memref<128x8xf32, #tpu.memory_space<vmem>>) offsets(%arg9 : memref<128xi32, #tpu.memory_space<vmem>>) semaphore(%arg18 : memref<!tpu.dma_semaphore, #tpu.memory_space<semaphore_mem>>)
      %dma_wait3A = arith.constant 0 : i32
      %dma_wait3A_32 = arith.constant 0 : i32
      %dma_wait3A_33 = tpu.memref_slice %arg3[%dma_wait3A, %dma_wait3A_32] : memref<10000x8xf32, #tpu.memory_space<hbm>> -> memref<10000x8xf32, #tpu.memory_space<hbm>>
      tpu.wait_indirect_dma semaphore(%arg18 : memref<!tpu.dma_semaphore, #tpu.memory_space<semaphore_mem>>) src(%dma_wait3A_33 : memref<10000x8xf32, #tpu.memory_space<hbm>>) dst(%arg13 : memref<128x8xf32, #tpu.memory_space<vmem>>)
      %dma_start3A_34 = arith.constant 0 : i32
      %dma_start3A_35 = arith.constant 0 : i32
      %dma_start3A_36 = tpu.memref_slice %arg3[%dma_start3A_34, %dma_start3A_35] : memref<10000x8xf32, #tpu.memory_space<hbm>> -> memref<10000x8xf32, #tpu.memory_space<hbm>>
      tpu.enqueue_indirect_dma source(%dma_start3A_36 : memref<10000x8xf32, #tpu.memory_space<hbm>>) target(%arg14 : memref<128x8xf32, #tpu.memory_space<vmem>>) offsets(%arg11 : memref<128xi32, #tpu.memory_space<vmem>>) semaphore(%arg18 : memref<!tpu.dma_semaphore, #tpu.memory_space<semaphore_mem>>)
      %dma_wait3A_37 = arith.constant 0 : i32
      %dma_wait3A_38 = arith.constant 0 : i32
      %dma_wait3A_39 = tpu.memref_slice %arg3[%dma_wait3A_37, %dma_wait3A_38] : memref<10000x8xf32, #tpu.memory_space<hbm>> -> memref<10000x8xf32, #tpu.memory_space<hbm>>
      tpu.wait_indirect_dma semaphore(%arg18 : memref<!tpu.dma_semaphore, #tpu.memory_space<semaphore_mem>>) src(%dma_wait3A_39 : memref<10000x8xf32, #tpu.memory_space<hbm>>) dst(%arg14 : memref<128x8xf32, #tpu.memory_space<vmem>>)
      %dma_start3A_40 = arith.constant 0 : i32
      %dma_start3A_41 = arith.constant 0 : i32
      %dma_start3A_42 = tpu.memref_slice %arg2[%dma_start3A_40, %dma_start3A_41] : memref<20000x64xf32, #tpu.memory_space<hbm>> -> memref<20000x64xf32, #tpu.memory_space<hbm>>
      tpu.enqueue_indirect_dma source(%dma_start3A_42 : memref<20000x64xf32, #tpu.memory_space<hbm>>) target(%arg12 : memref<128x64xf32, #tpu.memory_space<vmem>>) offsets(%arg10 : memref<128xi32, #tpu.memory_space<vmem>>) semaphore(%arg18 : memref<!tpu.dma_semaphore, #tpu.memory_space<semaphore_mem>>)
      %dma_wait3A_43 = arith.constant 0 : i32
      %dma_wait3A_44 = arith.constant 0 : i32
      %dma_wait3A_45 = tpu.memref_slice %arg2[%dma_wait3A_43, %dma_wait3A_44] : memref<20000x64xf32, #tpu.memory_space<hbm>> -> memref<20000x64xf32, #tpu.memory_space<hbm>>
      tpu.wait_indirect_dma semaphore(%arg18 : memref<!tpu.dma_semaphore, #tpu.memory_space<semaphore_mem>>) src(%dma_wait3A_45 : memref<20000x64xf32, #tpu.memory_space<hbm>>) dst(%arg12 : memref<128x64xf32, #tpu.memory_space<vmem>>)
      %scan3A_46 = arith.constant 0 : i32
      %scan3A_47 = arith.constant 0 : i32
      %scan3A_48 = arith.constant 8 : i32
      %scan3A_49 = arith.addi %scan3A_47, %scan3A_48 : i32
      %scan3A_50 = arith.constant 1 : i32
      scf.for %scan3A_58 = %scan3A_47 to %scan3A_49 step %scan3A_50  : i32 {
        %mul3A_59 = arith.constant 16 : i32
        %mul3A_60 = arith.muli %scan3A_58, %mul3A_59 : i32
        %add3A_61 = vector.broadcast %mul3A_60 : i32 to vector<16xi32>
        %add3A_62 = arith.addi %iota3A, %add3A_61 : vector<16xi32>
        %broadcast_in_dim3A = arith.constant 0 : i32
        %broadcast_in_dim3A_63 = vector.broadcast %broadcast_in_dim3A : i32 to vector<16xi32>
        %gather3A = tpu.vector_load_idx %arg13[%add3A_62, %broadcast_in_dim3A_63] : memref<128x8xf32, #tpu.memory_space<vmem>>[vector<16xi32>, vector<16xi32>], vector<16xf32>,
        %broadcast_in_dim3A_64 = arith.constant 4 : i32
        %broadcast_in_dim3A_65 = vector.broadcast %broadcast_in_dim3A_64 : i32 to vector<16xi32>
        %gather3A_66 = tpu.vector_load_idx %arg14[%add3A_62, %broadcast_in_dim3A_65] : memref<128x8xf32, #tpu.memory_space<vmem>>[vector<16xi32>, vector<16xi32>], vector<16xf32>,
        %add3A_67 = arith.addf %gather3A, %gather3A_66 : vector<16xf32>
        %mul3A_68 = arith.constant 2.000000e-01 : f32
        %mul3A_69 = vector.broadcast %mul3A_68 : f32 to vector<16xf32>
        %mul3A_70 = arith.mulf %mul3A_69, %add3A_67 : vector<16xf32>
        %max3A = arith.maximumf %add3A_67, %mul3A_70 : vector<16xf32>
        %exp3A = math.exp %max3A : vector<16xf32>
        %mul3A_71 = arith.constant 16 : i32
        %mul3A_72 = arith.muli %scan3A_58, %mul3A_71 : i32
        %add3A_73 = arith.constant 0 : i32
        %add3A_74 = arith.addi %add3A_73, %mul3A_72 : i32
        %swap3A = arith.index_cast %add3A_74 : i32 to index
        %swap3A_75 = tpu.vector_load %arg15[%swap3A] {strides = array<i32>} : memref<512xf32, #tpu.memory_space<vmem>>, vector<16xf32>,
        tpu.vector_store %arg15[%swap3A], %exp3A {strides = array<i32>} : memref<512xf32, #tpu.memory_space<vmem>>, vector<16xf32>,
        %broadcast_in_dim3A_76 = arith.constant 1 : i32
        %broadcast_in_dim3A_77 = vector.broadcast %broadcast_in_dim3A_76 : i32 to vector<16xi32>
        %gather3A_78 = tpu.vector_load_idx %arg13[%add3A_62, %broadcast_in_dim3A_77] : memref<128x8xf32, #tpu.memory_space<vmem>>[vector<16xi32>, vector<16xi32>], vector<16xf32>,
        %broadcast_in_dim3A_79 = arith.constant 5 : i32
        %broadcast_in_dim3A_80 = vector.broadcast %broadcast_in_dim3A_79 : i32 to vector<16xi32>
        %gather3A_81 = tpu.vector_load_idx %arg14[%add3A_62, %broadcast_in_dim3A_80] : memref<128x8xf32, #tpu.memory_space<vmem>>[vector<16xi32>, vector<16xi32>], vector<16xf32>,
        %add3A_82 = arith.addf %gather3A_78, %gather3A_81 : vector<16xf32>
        %mul3A_83 = arith.constant 2.000000e-01 : f32
        %mul3A_84 = vector.broadcast %mul3A_83 : f32 to vector<16xf32>
        %mul3A_85 = arith.mulf %mul3A_84, %add3A_82 : vector<16xf32>
        %max3A_86 = arith.maximumf %add3A_82, %mul3A_85 : vector<16xf32>
        %exp3A_87 = math.exp %max3A_86 : vector<16xf32>
        %mul3A_88 = arith.constant 16 : i32
        %mul3A_89 = arith.muli %scan3A_58, %mul3A_88 : i32
        %add3A_90 = arith.constant 128 : i32
        %add3A_91 = arith.addi %add3A_90, %mul3A_89 : i32
        %swap3A_92 = arith.index_cast %add3A_91 : i32 to index
        %swap3A_93 = tpu.vector_load %arg15[%swap3A_92] {strides = array<i32>} : memref<512xf32, #tpu.memory_space<vmem>>, vector<16xf32>,
        tpu.vector_store %arg15[%swap3A_92], %exp3A_87 {strides = array<i32>} : memref<512xf32, #tpu.memory_space<vmem>>, vector<16xf32>,
        %broadcast_in_dim3A_94 = arith.constant 2 : i32
        %broadcast_in_dim3A_95 = vector.broadcast %broadcast_in_dim3A_94 : i32 to vector<16xi32>
        %gather3A_96 = tpu.vector_load_idx %arg13[%add3A_62, %broadcast_in_dim3A_95] : memref<128x8xf32, #tpu.memory_space<vmem>>[vector<16xi32>, vector<16xi32>], vector<16xf32>,
        %broadcast_in_dim3A_97 = arith.constant 6 : i32
        %broadcast_in_dim3A_98 = vector.broadcast %broadcast_in_dim3A_97 : i32 to vector<16xi32>
        %gather3A_99 = tpu.vector_load_idx %arg14[%add3A_62, %broadcast_in_dim3A_98] : memref<128x8xf32, #tpu.memory_space<vmem>>[vector<16xi32>, vector<16xi32>], vector<16xf32>,
        %add3A_100 = arith.addf %gather3A_96, %gather3A_99 : vector<16xf32>
        %mul3A_101 = arith.constant 2.000000e-01 : f32
        %mul3A_102 = vector.broadcast %mul3A_101 : f32 to vector<16xf32>
        %mul3A_103 = arith.mulf %mul3A_102, %add3A_100 : vector<16xf32>
        %max3A_104 = arith.maximumf %add3A_100, %mul3A_103 : vector<16xf32>
        %exp3A_105 = math.exp %max3A_104 : vector<16xf32>
        %mul3A_106 = arith.constant 16 : i32
        %mul3A_107 = arith.muli %scan3A_58, %mul3A_106 : i32
        %add3A_108 = arith.constant 256 : i32
        %add3A_109 = arith.addi %add3A_108, %mul3A_107 : i32
        %swap3A_110 = arith.index_cast %add3A_109 : i32 to index
        %swap3A_111 = tpu.vector_load %arg15[%swap3A_110] {strides = array<i32>} : memref<512xf32, #tpu.memory_space<vmem>>, vector<16xf32>,
        tpu.vector_store %arg15[%swap3A_110], %exp3A_105 {strides = array<i32>} : memref<512xf32, #tpu.memory_space<vmem>>, vector<16xf32>,
        %broadcast_in_dim3A_112 = arith.constant 3 : i32
        %broadcast_in_dim3A_113 = vector.broadcast %broadcast_in_dim3A_112 : i32 to vector<16xi32>
        %gather3A_114 = tpu.vector_load_idx %arg13[%add3A_62, %broadcast_in_dim3A_113] : memref<128x8xf32, #tpu.memory_space<vmem>>[vector<16xi32>, vector<16xi32>], vector<16xf32>,
        %broadcast_in_dim3A_115 = arith.constant 7 : i32
        %broadcast_in_dim3A_116 = vector.broadcast %broadcast_in_dim3A_115 : i32 to vector<16xi32>
        %gather3A_117 = tpu.vector_load_idx %arg14[%add3A_62, %broadcast_in_dim3A_116] : memref<128x8xf32, #tpu.memory_space<vmem>>[vector<16xi32>, vector<16xi32>], vector<16xf32>,
        %add3A_118 = arith.addf %gather3A_114, %gather3A_117 : vector<16xf32>
        %mul3A_119 = arith.constant 2.000000e-01 : f32
        %mul3A_120 = vector.broadcast %mul3A_119 : f32 to vector<16xf32>
        %mul3A_121 = arith.mulf %mul3A_120, %add3A_118 : vector<16xf32>
        %max3A_122 = arith.maximumf %add3A_118, %mul3A_121 : vector<16xf32>
        %exp3A_123 = math.exp %max3A_122 : vector<16xf32>
        %mul3A_124 = arith.constant 16 : i32
        %mul3A_125 = arith.muli %scan3A_58, %mul3A_124 : i32
        %add3A_126 = arith.constant 384 : i32
        %add3A_127 = arith.addi %add3A_126, %mul3A_125 : i32
        %swap3A_128 = arith.index_cast %add3A_127 : i32 to index
        %swap3A_129 = tpu.vector_load %arg15[%swap3A_128] {strides = array<i32>} : memref<512xf32, #tpu.memory_space<vmem>>, vector<16xf32>,
        tpu.vector_store %arg15[%swap3A_128], %exp3A_123 {strides = array<i32>} : memref<512xf32, #tpu.memory_space<vmem>>, vector<16xf32>,
      }
      %scan3A_51 = arith.constant 8 : i32
      %scan3A_52 = arith.constant 0 : i32
      %scan3A_53 = arith.constant 0 : i32
      %scan3A_54 = arith.constant 128 : i32
      %scan3A_55 = arith.addi %scan3A_53, %scan3A_54 : i32
      %scan3A_56 = arith.constant 1 : i32
      scf.for %scan3A_58 = %scan3A_53 to %scan3A_55 step %scan3A_56  : i32 {
        %lt3A_59 = arith.constant 4 : i32
        %lt3A_60 = vector.broadcast %lt3A_59 : i32 to vector<16xi32>
        %lt3A_61 = arith.cmpi slt, %iota3A, %lt3A_60 : vector<16xi32>
        %mul3A_62 = arith.constant 128 : i32
        %mul3A_63 = vector.broadcast %mul3A_62 : i32 to vector<16xi32>
        %mul3A_64 = arith.muli %iota3A, %mul3A_63 : vector<16xi32>
        %add3A_65 = vector.broadcast %scan3A_58 : i32 to vector<16xi32>
        %add3A_66 = arith.addi %mul3A_64, %add3A_65 : vector<16xi32>
        %jit3A = arith.constant 0 : i32
        %broadcast_in_dim3A = vector.broadcast %jit3A : i32 to vector<16xi32>
        %select_n3A = arith.select %lt3A_61, %add3A_66, %broadcast_in_dim3A : vector<16xi1>, vector<16xi32>
        %gather3A = tpu.vector_load_idx %arg15[%select_n3A] : memref<512xf32, #tpu.memory_space<vmem>>[vector<16xi32>], vector<16xf32>,
        %lt3A_67 = arith.constant 4 : i32
        %lt3A_68 = vector.broadcast %lt3A_67 : i32 to vector<16xi32>
        %lt3A_69 = arith.cmpi slt, %iota3A, %lt3A_68 : vector<16xi32>
        %jit3A_70 = arith.constant 0.000000e+00 : f32
        %broadcast_in_dim3A_71 = vector.broadcast %jit3A_70 : f32 to vector<16xf32>
        %select_n3A_72 = arith.select %lt3A_69, %gather3A, %broadcast_in_dim3A_71 : vector<16xi1>, vector<16xf32>
        %swap3A = arith.index_cast %scan3A_58 : i32 to index
        %swap3A_73 = arith.constant 64 : index
        %swap3A_74 = tpu.vector_load %arg16[%swap3A, %swap3A_73] {strides = array<i32>} : memref<128x80xf32, #tpu.memory_space<vmem>>, vector<16xf32>,
        tpu.vector_store %arg16[%swap3A, %swap3A_73], %select_n3A_72 {strides = array<i32>} : memref<128x80xf32, #tpu.memory_space<vmem>>, vector<16xf32>,
        %broadcast_in_dim3A_75 = arith.constant 0 : i32
        %broadcast_in_dim3A_76 = vector.broadcast %broadcast_in_dim3A_75 : i32 to vector<16xi32>
        %mul3A_77 = arith.constant 2 : i32
        %mul3A_78 = arith.muli %mul3A_77, %arg0 : i32
        %add3A_79 = vector.broadcast %mul3A_78 : i32 to vector<16xi32>
        %add3A_80 = arith.addi %broadcast_in_dim3A_76, %add3A_79 : vector<16xi32>
        %lt3A_81 = arith.constant 0 : i32
        %lt3A_82 = vector.broadcast %lt3A_81 : i32 to vector<16xi32>
        %lt3A_83 = arith.cmpi slt, %add3A_80, %lt3A_82 : vector<16xi32>
        %add3A_84 = arith.constant 16 : i32
        %add3A_85 = vector.broadcast %add3A_84 : i32 to vector<16xi32>
        %add3A_86 = arith.addi %add3A_80, %add3A_85 : vector<16xi32>
        %select_n3A_87 = arith.select %lt3A_83, %add3A_86, %add3A_80 : vector<16xi1>, vector<16xi32>
        %broadcast_in_dim3A_88 = vector.shape_cast %select_n3A_87 : vector<16xi32> to vector<16x1xi32>
        %gather3A_89 = vector.shape_cast %broadcast_in_dim3A_88 : vector<16x1xi32> to vector<16xi32>
        %gather3A_90 = tpu.dynamic_gather %select_n3A_72[%gather3A_89] in [0] : vector<16xf32>, vector<16xi32> -> vector<16xf32>
        %get3A = arith.index_cast %scan3A_58 : i32 to index
        %get3A_91 = arith.constant 0 : index
        %get3A_92 = tpu.vector_load %arg12[%get3A, %get3A_91] {strides = array<i32>} : memref<128x64xf32, #tpu.memory_space<vmem>>, vector<16xf32>,
        %mul3A_93 = arith.mulf %get3A_92, %gather3A_90 : vector<16xf32>
        %swap3A_94 = arith.index_cast %scan3A_58 : i32 to index
        %swap3A_95 = arith.constant 0 : index
        %swap3A_96 = tpu.vector_load %arg16[%swap3A_94, %swap3A_95] {strides = array<i32>} : memref<128x80xf32, #tpu.memory_space<vmem>>, vector<16xf32>,
        tpu.vector_store %arg16[%swap3A_94, %swap3A_95], %mul3A_93 {strides = array<i32>} : memref<128x80xf32, #tpu.memory_space<vmem>>, vector<16xf32>,
        %broadcast_in_dim3A_97 = arith.constant 0 : i32
        %broadcast_in_dim3A_98 = vector.broadcast %broadcast_in_dim3A_97 : i32 to vector<16xi32>
        %mul3A_99 = arith.constant 2 : i32
        %mul3A_100 = arith.muli %mul3A_99, %arg0 : i32
        %add3A_101 = vector.broadcast %mul3A_100 : i32 to vector<16xi32>
        %add3A_102 = arith.addi %broadcast_in_dim3A_98, %add3A_101 : vector<16xi32>
        %lt3A_103 = arith.constant 0 : i32
        %lt3A_104 = vector.broadcast %lt3A_103 : i32 to vector<16xi32>
        %lt3A_105 = arith.cmpi slt, %add3A_102, %lt3A_104 : vector<16xi32>
        %add3A_106 = arith.constant 16 : i32
        %add3A_107 = vector.broadcast %add3A_106 : i32 to vector<16xi32>
        %add3A_108 = arith.addi %add3A_102, %add3A_107 : vector<16xi32>
        %select_n3A_109 = arith.select %lt3A_105, %add3A_108, %add3A_102 : vector<16xi1>, vector<16xi32>
        %broadcast_in_dim3A_110 = vector.shape_cast %select_n3A_109 : vector<16xi32> to vector<16x1xi32>
        %gather3A_111 = vector.shape_cast %broadcast_in_dim3A_110 : vector<16x1xi32> to vector<16xi32>
        %gather3A_112 = tpu.dynamic_gather %select_n3A_72[%gather3A_111] in [0] : vector<16xf32>, vector<16xi32> -> vector<16xf32>
        %get3A_113 = arith.index_cast %scan3A_58 : i32 to index
        %get3A_114 = arith.constant 16 : index
        %get3A_115 = tpu.vector_load %arg12[%get3A_113, %get3A_114] {strides = array<i32>} : memref<128x64xf32, #tpu.memory_space<vmem>>, vector<16xf32>,
        %mul3A_116 = arith.mulf %get3A_115, %gather3A_112 : vector<16xf32>
        %swap3A_117 = arith.index_cast %scan3A_58 : i32 to index
        %swap3A_118 = arith.constant 16 : index
        %swap3A_119 = tpu.vector_load %arg16[%swap3A_117, %swap3A_118] {strides = array<i32>} : memref<128x80xf32, #tpu.memory_space<vmem>>, vector<16xf32>,
        tpu.vector_store %arg16[%swap3A_117, %swap3A_118], %mul3A_116 {strides = array<i32>} : memref<128x80xf32, #tpu.memory_space<vmem>>, vector<16xf32>,
        %broadcast_in_dim3A_120 = arith.constant 1 : i32
        %broadcast_in_dim3A_121 = vector.broadcast %broadcast_in_dim3A_120 : i32 to vector<16xi32>
        %mul3A_122 = arith.constant 2 : i32
        %mul3A_123 = arith.muli %mul3A_122, %arg0 : i32
        %add3A_124 = vector.broadcast %mul3A_123 : i32 to vector<16xi32>
        %add3A_125 = arith.addi %broadcast_in_dim3A_121, %add3A_124 : vector<16xi32>
        %lt3A_126 = arith.constant 0 : i32
        %lt3A_127 = vector.broadcast %lt3A_126 : i32 to vector<16xi32>
        %lt3A_128 = arith.cmpi slt, %add3A_125, %lt3A_127 : vector<16xi32>
        %add3A_129 = arith.constant 16 : i32
        %add3A_130 = vector.broadcast %add3A_129 : i32 to vector<16xi32>
        %add3A_131 = arith.addi %add3A_125, %add3A_130 : vector<16xi32>
        %select_n3A_132 = arith.select %lt3A_128, %add3A_131, %add3A_125 : vector<16xi1>, vector<16xi32>
        %broadcast_in_dim3A_133 = vector.shape_cast %select_n3A_132 : vector<16xi32> to vector<16x1xi32>
        %gather3A_134 = vector.shape_cast %broadcast_in_dim3A_133 : vector<16x1xi32> to vector<16xi32>
        %gather3A_135 = tpu.dynamic_gather %select_n3A_72[%gather3A_134] in [0] : vector<16xf32>, vector<16xi32> -> vector<16xf32>
        %get3A_136 = arith.index_cast %scan3A_58 : i32 to index
        %get3A_137 = arith.constant 32 : index
        %get3A_138 = tpu.vector_load %arg12[%get3A_136, %get3A_137] {strides = array<i32>} : memref<128x64xf32, #tpu.memory_space<vmem>>, vector<16xf32>,
        %mul3A_139 = arith.mulf %get3A_138, %gather3A_135 : vector<16xf32>
        %swap3A_140 = arith.index_cast %scan3A_58 : i32 to index
        %swap3A_141 = arith.constant 32 : index
        %swap3A_142 = tpu.vector_load %arg16[%swap3A_140, %swap3A_141] {strides = array<i32>} : memref<128x80xf32, #tpu.memory_space<vmem>>, vector<16xf32>,
        tpu.vector_store %arg16[%swap3A_140, %swap3A_141], %mul3A_139 {strides = array<i32>} : memref<128x80xf32, #tpu.memory_space<vmem>>, vector<16xf32>,
        %broadcast_in_dim3A_143 = arith.constant 1 : i32
        %broadcast_in_dim3A_144 = vector.broadcast %broadcast_in_dim3A_143 : i32 to vector<16xi32>
        %mul3A_145 = arith.constant 2 : i32
        %mul3A_146 = arith.muli %mul3A_145, %arg0 : i32
        %add3A_147 = vector.broadcast %mul3A_146 : i32 to vector<16xi32>
        %add3A_148 = arith.addi %broadcast_in_dim3A_144, %add3A_147 : vector<16xi32>
        %lt3A_149 = arith.constant 0 : i32
        %lt3A_150 = vector.broadcast %lt3A_149 : i32 to vector<16xi32>
        %lt3A_151 = arith.cmpi slt, %add3A_148, %lt3A_150 : vector<16xi32>
        %add3A_152 = arith.constant 16 : i32
        %add3A_153 = vector.broadcast %add3A_152 : i32 to vector<16xi32>
        %add3A_154 = arith.addi %add3A_148, %add3A_153 : vector<16xi32>
        %select_n3A_155 = arith.select %lt3A_151, %add3A_154, %add3A_148 : vector<16xi1>, vector<16xi32>
        %broadcast_in_dim3A_156 = vector.shape_cast %select_n3A_155 : vector<16xi32> to vector<16x1xi32>
        %gather3A_157 = vector.shape_cast %broadcast_in_dim3A_156 : vector<16x1xi32> to vector<16xi32>
        %gather3A_158 = tpu.dynamic_gather %select_n3A_72[%gather3A_157] in [0] : vector<16xf32>, vector<16xi32> -> vector<16xf32>
        %get3A_159 = arith.index_cast %scan3A_58 : i32 to index
        %get3A_160 = arith.constant 48 : index
        %get3A_161 = tpu.vector_load %arg12[%get3A_159, %get3A_160] {strides = array<i32>} : memref<128x64xf32, #tpu.memory_space<vmem>>, vector<16xf32>,
        %mul3A_162 = arith.mulf %get3A_161, %gather3A_158 : vector<16xf32>
        %swap3A_163 = arith.index_cast %scan3A_58 : i32 to index
        %swap3A_164 = arith.constant 48 : index
        %swap3A_165 = tpu.vector_load %arg16[%swap3A_163, %swap3A_164] {strides = array<i32>} : memref<128x80xf32, #tpu.memory_space<vmem>>, vector<16xf32>,
        tpu.vector_store %arg16[%swap3A_163, %swap3A_164], %mul3A_162 {strides = array<i32>} : memref<128x80xf32, #tpu.memory_space<vmem>>, vector<16xf32>,
      }
      %scan3A_57 = arith.constant 128 : i32
      "tpu.region"() ({
        %run_scoped3A = tpu.sem_alloc : memref<!tpu.dma_semaphore, #tpu.memory_space<semaphore_mem>>
        %dma_start3A_58 = arith.constant 0 : i32
        %dma_start3A_59 = arith.constant 0 : i32
        %dma_start3A_60 = tpu.memref_slice %arg17[%dma_start3A_58, %dma_start3A_59] : memref<10000x80xf32, #tpu.memory_space<vmem_shared>> -> memref<10000x80xf32, #tpu.memory_space<vmem_shared>>
        tpu.enqueue_indirect_dma source(%arg16 : memref<128x80xf32, #tpu.memory_space<vmem>>) target(%dma_start3A_60 : memref<10000x80xf32, #tpu.memory_space<vmem_shared>>) offsets(%arg11 : memref<128xi32, #tpu.memory_space<vmem>>) semaphore(%run_scoped3A : memref<!tpu.dma_semaphore, #tpu.memory_space<semaphore_mem>>) {add = true}
        %dma_wait3A_61 = arith.constant 0 : i32
        %dma_wait3A_62 = arith.constant 0 : i32
        %dma_wait3A_63 = tpu.memref_slice %arg17[%dma_wait3A_61, %dma_wait3A_62] : memref<10000x80xf32, #tpu.memory_space<vmem_shared>> -> memref<10000x80xf32, #tpu.memory_space<vmem_shared>>
        tpu.wait_indirect_dma semaphore(%run_scoped3A : memref<!tpu.dma_semaphore, #tpu.memory_space<semaphore_mem>>) src(%arg16 : memref<128x80xf32, #tpu.memory_space<vmem>>) dst(%dma_wait3A_63 : memref<10000x80xf32, #tpu.memory_space<vmem_shared>>)
        tpu.yield
      }) : () -> ()
    } else {
    }
    %barrier3A_14 = arith.constant 0 : index
    tpu.barrier barrier_id(%barrier3A_14)
    %mul3A_15 = arith.constant 624 : i32
    %mul3A_16 = arith.muli %arg1, %mul3A_15 : i32
    %mul3A_17 = arith.constant 624 : i32
    %mul3A_18 = arith.muli %arg1, %mul3A_17 : i32
    "tpu.region"() ({
      %run_scoped3A = tpu.sem_alloc : memref<!tpu.dma_semaphore, #tpu.memory_space<semaphore_mem>>
      %dma_start3A = arith.constant 0 : i32
      %dma_start3A_24 = tpu.memref_slice %arg8[%arg0, %mul3A_18, %dma_start3A] : memref<2x10000x80xf32, #tpu.memory_space<hbm>> -> memref<1x624x80xf32, #tpu.memory_space<hbm>>
      %dma_start3A_25 = tpu.memref_squeeze %dma_start3A_24 : memref<1x624x80xf32, #tpu.memory_space<hbm>> -> memref<624x80xf32, #tpu.memory_space<hbm>>
      %dma_start3A_26 = arith.constant 0 : i32
      %dma_start3A_27 = tpu.memref_slice %arg17[%mul3A_16, %dma_start3A_26] : memref<10000x80xf32, #tpu.memory_space<vmem_shared>> -> memref<624x80xf32, #tpu.memory_space<vmem_shared>>
      tpu.enqueue_dma source(%dma_start3A_27 : memref<624x80xf32, #tpu.memory_space<vmem_shared>>) target(%dma_start3A_25 : memref<624x80xf32, #tpu.memory_space<hbm>>) target_semaphore(%run_scoped3A : memref<!tpu.dma_semaphore, #tpu.memory_space<semaphore_mem>>)
      %dma_wait3A = arith.constant 0 : i32
      %dma_wait3A_28 = tpu.memref_slice %arg8[%arg0, %mul3A_18, %dma_wait3A] : memref<2x10000x80xf32, #tpu.memory_space<hbm>> -> memref<1x624x80xf32, #tpu.memory_space<hbm>>
      %dma_wait3A_29 = tpu.memref_squeeze %dma_wait3A_28 : memref<1x624x80xf32, #tpu.memory_space<hbm>> -> memref<624x80xf32, #tpu.memory_space<hbm>>
      %dma_wait3A_30 = arith.constant 0 : i32
      %dma_wait3A_31 = tpu.memref_slice %arg17[%mul3A_16, %dma_wait3A_30] : memref<10000x80xf32, #tpu.memory_space<vmem_shared>> -> memref<624x80xf32, #tpu.memory_space<vmem_shared>>
      tpu.wait_dma2 semaphore(%run_scoped3A : memref<!tpu.dma_semaphore, #tpu.memory_space<semaphore_mem>>) src(%dma_wait3A_31 : memref<624x80xf32, #tpu.memory_space<vmem_shared>>) dst(%dma_wait3A_29 : memref<624x80xf32, #tpu.memory_space<hbm>>)
      tpu.yield
    }) : () -> ()
    %eq3A_19 = arith.constant 0 : i32
    %eq3A_20 = arith.cmpi eq, %arg1, %eq3A_19 : i32
    %convert_element_type3A_21 = arith.extui %eq3A_20 : i1 to i32
    %cond3A_22 = arith.constant 0 : i32
    %cond3A_23 = arith.cmpi ne, %convert_element_type3A_21, %cond3A_22 : i32
    scf.if %cond3A_23 {
      "tpu.region"() ({
        %run_scoped3A = tpu.sem_alloc : memref<!tpu.dma_semaphore, #tpu.memory_space<semaphore_mem>>
        %dma_start3A = arith.constant 9984 : i32
        %dma_start3A_24 = arith.constant 0 : i32
        %dma_start3A_25 = tpu.memref_slice %arg8[%arg0, %dma_start3A, %dma_start3A_24] : memref<2x10000x80xf32, #tpu.memory_space<hbm>> -> memref<1x16x80xf32, #tpu.memory_space<hbm>>
        %dma_start3A_26 = tpu.memref_squeeze %dma_start3A_25 : memref<1x16x80xf32, #tpu.memory_space<hbm>> -> memref<16x80xf32, #tpu.memory_space<hbm>>
        %dma_start3A_27 = arith.constant 9984 : i32
        %dma_start3A_28 = arith.constant 0 : i32
        %dma_start3A_29 = tpu.memref_slice %arg17[%dma_start3A_27, %dma_start3A_28] : memref<10000x80xf32, #tpu.memory_space<vmem_shared>> -> memref<16x80xf32, #tpu.memory_space<vmem_shared>>
        tpu.enqueue_dma source(%dma_start3A_29 : memref<16x80xf32, #tpu.memory_space<vmem_shared>>) target(%dma_start3A_26 : memref<16x80xf32, #tpu.memory_space<hbm>>) target_semaphore(%run_scoped3A : memref<!tpu.dma_semaphore, #tpu.memory_space<semaphore_mem>>)
        %dma_wait3A = arith.constant 9984 : i32
        %dma_wait3A_30 = arith.constant 0 : i32
        %dma_wait3A_31 = tpu.memref_slice %arg8[%arg0, %dma_wait3A, %dma_wait3A_30] : memref<2x10000x80xf32, #tpu.memory_space<hbm>> -> memref<1x16x80xf32, #tpu.memory_space<hbm>>
        %dma_wait3A_32 = tpu.memref_squeeze %dma_wait3A_31 : memref<1x16x80xf32, #tpu.memory_space<hbm>> -> memref<16x80xf32, #tpu.memory_space<hbm>>
        %dma_wait3A_33 = arith.constant 9984 : i32
        %dma_wait3A_34 = arith.constant 0 : i32
        %dma_wait3A_35 = tpu.memref_slice %arg17[%dma_wait3A_33, %dma_wait3A_34] : memref<10000x80xf32, #tpu.memory_space<vmem_shared>> -> memref<16x80xf32, #tpu.memory_space<vmem_shared>>
        tpu.wait_dma2 semaphore(%run_scoped3A : memref<!tpu.dma_semaphore, #tpu.memory_space<semaphore_mem>>) src(%dma_wait3A_35 : memref<16x80xf32, #tpu.memory_space<vmem_shared>>) dst(%dma_wait3A_32 : memref<16x80xf32, #tpu.memory_space<hbm>>)
        tpu.yield
      }) : () -> ()
    } else {
    }
    return
  }
}

#map = affine_map<(d0, d1) -> (0, 0)>
#map1 = affine_map<(d0, d1) -> (0)>
#map2 = affine_map<(d0, d1) -> (0, 0, 0)>
module attributes {stable_mosaic.version = 14 : i64} {
  func.func @_edge(%arg0: i32, %arg1: i32, %arg2: memref<20000x64xf32, #tpu.memory_space<hbm>>, %arg3: memref<10000x8xf32, #tpu.memory_space<hbm>>, %arg4: memref<320000xi32, #tpu.memory_space<hbm>>, %arg5: memref<640000xi32, #tpu.memory_space<hbm>>, %arg6: memref<320000xi32, #tpu.memory_space<hbm>>, %arg7: memref<10000x80xf32, #tpu.memory_space<hbm>>, %arg8: memref<2x10000x80xf32, #tpu.memory_space<hbm>>, %arg9: memref<128xi32, #tpu.memory_space<vmem>>, %arg10: memref<128xi32, #tpu.memory_space<vmem>>, %arg11: memref<128xi32, #tpu.memory_space<vmem>>, %arg12: memref<128x64xf32, #tpu.memory_space<vmem>>, %arg13: memref<128x8xf32, #tpu.memory_space<vmem>>, %arg14: memref<128x8xf32, #tpu.memory_space<vmem>>, %arg15: memref<512xf32, #tpu.memory_space<vmem>>, %arg16: memref<128x80xf32, #tpu.memory_space<vmem>>, %arg17: memref<10000x80xf32, #tpu.memory_space<vmem_shared>>, %arg18: memref<!tpu.dma_semaphore, #tpu.memory_space<semaphore_mem>>) attributes {dimension_semantics = [#tpu.dimension_semantics<core_parallel>, #tpu.dimension_semantics<subcore_parallel>], iteration_bounds = array<i64: 2, 16>, scalar_prefetch = 0 : i64, scratch_operands = 10 : i64, tpu.core_type = #tpu.core_type<sc_vector_subcore>, window_params = [{transform_indices = #map}, {transform_indices = #map}, {transform_indices = #map1}, {transform_indices = #map1}, {transform_indices = #map1}, {transform_indices = #map}, {transform_indices = #map2}]} {
    %mul3A = arith.constant 624 : i32
    %mul3A_0 = arith.muli %arg1, %mul3A : i32
    %mul3A_1 = arith.constant 624 : i32
    %mul3A_2 = arith.muli %arg1, %mul3A_1 : i32
    "tpu.region"() ({
      %run_scoped3A = tpu.sem_alloc : memref<!tpu.dma_semaphore, #tpu.memory_space<semaphore_mem>>
      %dma_start3A = arith.constant 0 : i32
      %dma_start3A_24 = tpu.memref_slice %arg17[%mul3A_2, %dma_start3A] : memref<10000x80xf32, #tpu.memory_space<vmem_shared>> -> memref<624x80xf32, #tpu.memory_space<vmem_shared>>
      %dma_start3A_25 = arith.constant 0 : i32
      %dma_start3A_26 = tpu.memref_slice %arg7[%mul3A_0, %dma_start3A_25] : memref<10000x80xf32, #tpu.memory_space<hbm>> -> memref<624x80xf32, #tpu.memory_space<hbm>>
      tpu.enqueue_dma source(%dma_start3A_26 : memref<624x80xf32, #tpu.memory_space<hbm>>) target(%dma_start3A_24 : memref<624x80xf32, #tpu.memory_space<vmem_shared>>) target_semaphore(%run_scoped3A : memref<!tpu.dma_semaphore, #tpu.memory_space<semaphore_mem>>)
      %dma_wait3A = arith.constant 0 : i32
      %dma_wait3A_27 = tpu.memref_slice %arg17[%mul3A_2, %dma_wait3A] : memref<10000x80xf32, #tpu.memory_space<vmem_shared>> -> memref<624x80xf32, #tpu.memory_space<vmem_shared>>
      %dma_wait3A_28 = arith.constant 0 : i32
      %dma_wait3A_29 = tpu.memref_slice %arg7[%mul3A_0, %dma_wait3A_28] : memref<10000x80xf32, #tpu.memory_space<hbm>> -> memref<624x80xf32, #tpu.memory_space<hbm>>
      tpu.wait_dma2 semaphore(%run_scoped3A : memref<!tpu.dma_semaphore, #tpu.memory_space<semaphore_mem>>) src(%dma_wait3A_29 : memref<624x80xf32, #tpu.memory_space<hbm>>) dst(%dma_wait3A_27 : memref<624x80xf32, #tpu.memory_space<vmem_shared>>)
      tpu.yield
    }) : () -> ()
    %eq3A = arith.constant 0 : i32
    %eq3A_3 = arith.cmpi eq, %arg1, %eq3A : i32
    %convert_element_type3A = arith.extui %eq3A_3 : i1 to i32
    %cond3A = arith.constant 0 : i32
    %cond3A_4 = arith.cmpi ne, %convert_element_type3A, %cond3A : i32
    scf.if %cond3A_4 {
      "tpu.region"() ({
        %run_scoped3A = tpu.sem_alloc : memref<!tpu.dma_semaphore, #tpu.memory_space<semaphore_mem>>
        %dma_start3A = arith.constant 9984 : i32
        %dma_start3A_24 = arith.constant 0 : i32
        %dma_start3A_25 = tpu.memref_slice %arg17[%dma_start3A, %dma_start3A_24] : memref<10000x80xf32, #tpu.memory_space<vmem_shared>> -> memref<16x80xf32, #tpu.memory_space<vmem_shared>>
        %dma_start3A_26 = arith.constant 9984 : i32
        %dma_start3A_27 = arith.constant 0 : i32
        %dma_start3A_28 = tpu.memref_slice %arg7[%dma_start3A_26, %dma_start3A_27] : memref<10000x80xf32, #tpu.memory_space<hbm>> -> memref<16x80xf32, #tpu.memory_space<hbm>>
        tpu.enqueue_dma source(%dma_start3A_28 : memref<16x80xf32, #tpu.memory_space<hbm>>) target(%dma_start3A_25 : memref<16x80xf32, #tpu.memory_space<vmem_shared>>) target_semaphore(%run_scoped3A : memref<!tpu.dma_semaphore, #tpu.memory_space<semaphore_mem>>)
        %dma_wait3A = arith.constant 9984 : i32
        %dma_wait3A_29 = arith.constant 0 : i32
        %dma_wait3A_30 = tpu.memref_slice %arg17[%dma_wait3A, %dma_wait3A_29] : memref<10000x80xf32, #tpu.memory_space<vmem_shared>> -> memref<16x80xf32, #tpu.memory_space<vmem_shared>>
        %dma_wait3A_31 = arith.constant 9984 : i32
        %dma_wait3A_32 = arith.constant 0 : i32
        %dma_wait3A_33 = tpu.memref_slice %arg7[%dma_wait3A_31, %dma_wait3A_32] : memref<10000x80xf32, #tpu.memory_space<hbm>> -> memref<16x80xf32, #tpu.memory_space<hbm>>
        tpu.wait_dma2 semaphore(%run_scoped3A : memref<!tpu.dma_semaphore, #tpu.memory_space<semaphore_mem>>) src(%dma_wait3A_33 : memref<16x80xf32, #tpu.memory_space<hbm>>) dst(%dma_wait3A_30 : memref<16x80xf32, #tpu.memory_space<vmem_shared>>)
        tpu.yield
      }) : () -> ()
    } else {
    }
    %barrier3A = arith.constant 0 : index
    tpu.barrier barrier_id(%barrier3A)
    %iota3A = tpu.iota {dimensions = array<i32: 0>} : vector<16xi32>
    %scan3A = arith.constant 0 : i32
    %scan3A_5 = arith.constant 0 : i32
    %scan3A_6 = arith.constant 156 : i32
    %scan3A_7 = arith.addi %scan3A_5, %scan3A_6 : i32
    %scan3A_8 = arith.constant 1 : i32
    scf.for %scan3A_24 = %scan3A_5 to %scan3A_7 step %scan3A_8  : i32 {
      %mul3A_25 = arith.constant 16 : i32
      %mul3A_26 = arith.muli %mul3A_25, %scan3A_24 : i32
      %add3A = arith.addi %arg1, %mul3A_26 : i32
      %mul3A_27 = arith.constant 128 : i32
      %mul3A_28 = arith.muli %add3A, %mul3A_27 : i32
      "tpu.region"() ({
        %run_scoped3A = tpu.sem_alloc : memref<!tpu.dma_semaphore, #tpu.memory_space<semaphore_mem>>
        %dma_start3A_60 = tpu.memref_slice %arg4[%mul3A_28] : memref<320000xi32, #tpu.memory_space<hbm>> -> memref<128xi32, #tpu.memory_space<hbm>>
        %dma_start3A_61 = tpu.memref_slice %arg4[%mul3A_28] : memref<320000xi32, #tpu.memory_space<hbm>> -> memref<128xi32, #tpu.memory_space<hbm>>
        tpu.enqueue_dma source(%dma_start3A_61 : memref<128xi32, #tpu.memory_space<hbm>>) target(%arg9 : memref<128xi32, #tpu.memory_space<vmem>>) target_semaphore(%run_scoped3A : memref<!tpu.dma_semaphore, #tpu.memory_space<semaphore_mem>>)
        %dma_wait3A_62 = tpu.memref_slice %arg4[%mul3A_28] : memref<320000xi32, #tpu.memory_space<hbm>> -> memref<128xi32, #tpu.memory_space<hbm>>
        %dma_wait3A_63 = tpu.memref_slice %arg4[%mul3A_28] : memref<320000xi32, #tpu.memory_space<hbm>> -> memref<128xi32, #tpu.memory_space<hbm>>
        tpu.wait_dma2 semaphore(%run_scoped3A : memref<!tpu.dma_semaphore, #tpu.memory_space<semaphore_mem>>) src(%dma_wait3A_63 : memref<128xi32, #tpu.memory_space<hbm>>) dst(%arg9 : memref<128xi32, #tpu.memory_space<vmem>>)
        tpu.yield
      }) : () -> ()
      %mul3A_29 = arith.constant 320000 : i32
      %mul3A_30 = arith.muli %arg0, %mul3A_29 : i32
      %add3A_31 = arith.addi %mul3A_30, %mul3A_28 : i32
      "tpu.region"() ({
        %run_scoped3A = tpu.sem_alloc : memref<!tpu.dma_semaphore, #tpu.memory_space<semaphore_mem>>
        %dma_start3A_60 = tpu.memref_slice %arg5[%add3A_31] : memref<640000xi32, #tpu.memory_space<hbm>> -> memref<128xi32, #tpu.memory_space<hbm>>
        %dma_start3A_61 = tpu.memref_slice %arg5[%add3A_31] : memref<640000xi32, #tpu.memory_space<hbm>> -> memref<128xi32, #tpu.memory_space<hbm>>
        tpu.enqueue_dma source(%dma_start3A_61 : memref<128xi32, #tpu.memory_space<hbm>>) target(%arg10 : memref<128xi32, #tpu.memory_space<vmem>>) target_semaphore(%run_scoped3A : memref<!tpu.dma_semaphore, #tpu.memory_space<semaphore_mem>>)
        %dma_wait3A_62 = tpu.memref_slice %arg5[%add3A_31] : memref<640000xi32, #tpu.memory_space<hbm>> -> memref<128xi32, #tpu.memory_space<hbm>>
        %dma_wait3A_63 = tpu.memref_slice %arg5[%add3A_31] : memref<640000xi32, #tpu.memory_space<hbm>> -> memref<128xi32, #tpu.memory_space<hbm>>
        tpu.wait_dma2 semaphore(%run_scoped3A : memref<!tpu.dma_semaphore, #tpu.memory_space<semaphore_mem>>) src(%dma_wait3A_63 : memref<128xi32, #tpu.memory_space<hbm>>) dst(%arg10 : memref<128xi32, #tpu.memory_space<vmem>>)
        tpu.yield
      }) : () -> ()
      "tpu.region"() ({
        %run_scoped3A = tpu.sem_alloc : memref<!tpu.dma_semaphore, #tpu.memory_space<semaphore_mem>>
        %dma_start3A_60 = tpu.memref_slice %arg6[%mul3A_28] : memref<320000xi32, #tpu.memory_space<hbm>> -> memref<128xi32, #tpu.memory_space<hbm>>
        %dma_start3A_61 = tpu.memref_slice %arg6[%mul3A_28] : memref<320000xi32, #tpu.memory_space<hbm>> -> memref<128xi32, #tpu.memory_space<hbm>>
        tpu.enqueue_dma source(%dma_start3A_61 : memref<128xi32, #tpu.memory_space<hbm>>) target(%arg11 : memref<128xi32, #tpu.memory_space<vmem>>) target_semaphore(%run_scoped3A : memref<!tpu.dma_semaphore, #tpu.memory_space<semaphore_mem>>)
        %dma_wait3A_62 = tpu.memref_slice %arg6[%mul3A_28] : memref<320000xi32, #tpu.memory_space<hbm>> -> memref<128xi32, #tpu.memory_space<hbm>>
        %dma_wait3A_63 = tpu.memref_slice %arg6[%mul3A_28] : memref<320000xi32, #tpu.memory_space<hbm>> -> memref<128xi32, #tpu.memory_space<hbm>>
        tpu.wait_dma2 semaphore(%run_scoped3A : memref<!tpu.dma_semaphore, #tpu.memory_space<semaphore_mem>>) src(%dma_wait3A_63 : memref<128xi32, #tpu.memory_space<hbm>>) dst(%arg11 : memref<128xi32, #tpu.memory_space<vmem>>)
        tpu.yield
      }) : () -> ()
      %dma_start3A = arith.constant 0 : i32
      %dma_start3A_32 = arith.constant 0 : i32
      %dma_start3A_33 = tpu.memref_slice %arg3[%dma_start3A, %dma_start3A_32] : memref<10000x8xf32, #tpu.memory_space<hbm>> -> memref<10000x8xf32, #tpu.memory_space<hbm>>
      tpu.enqueue_indirect_dma source(%dma_start3A_33 : memref<10000x8xf32, #tpu.memory_space<hbm>>) target(%arg13 : memref<128x8xf32, #tpu.memory_space<vmem>>) offsets(%arg9 : memref<128xi32, #tpu.memory_space<vmem>>) semaphore(%arg18 : memref<!tpu.dma_semaphore, #tpu.memory_space<semaphore_mem>>)
      %dma_wait3A = arith.constant 0 : i32
      %dma_wait3A_34 = arith.constant 0 : i32
      %dma_wait3A_35 = tpu.memref_slice %arg3[%dma_wait3A, %dma_wait3A_34] : memref<10000x8xf32, #tpu.memory_space<hbm>> -> memref<10000x8xf32, #tpu.memory_space<hbm>>
      tpu.wait_indirect_dma semaphore(%arg18 : memref<!tpu.dma_semaphore, #tpu.memory_space<semaphore_mem>>) src(%dma_wait3A_35 : memref<10000x8xf32, #tpu.memory_space<hbm>>) dst(%arg13 : memref<128x8xf32, #tpu.memory_space<vmem>>)
      %dma_start3A_36 = arith.constant 0 : i32
      %dma_start3A_37 = arith.constant 0 : i32
      %dma_start3A_38 = tpu.memref_slice %arg3[%dma_start3A_36, %dma_start3A_37] : memref<10000x8xf32, #tpu.memory_space<hbm>> -> memref<10000x8xf32, #tpu.memory_space<hbm>>
      tpu.enqueue_indirect_dma source(%dma_start3A_38 : memref<10000x8xf32, #tpu.memory_space<hbm>>) target(%arg14 : memref<128x8xf32, #tpu.memory_space<vmem>>) offsets(%arg11 : memref<128xi32, #tpu.memory_space<vmem>>) semaphore(%arg18 : memref<!tpu.dma_semaphore, #tpu.memory_space<semaphore_mem>>)
      %dma_wait3A_39 = arith.constant 0 : i32
      %dma_wait3A_40 = arith.constant 0 : i32
      %dma_wait3A_41 = tpu.memref_slice %arg3[%dma_wait3A_39, %dma_wait3A_40] : memref<10000x8xf32, #tpu.memory_space<hbm>> -> memref<10000x8xf32, #tpu.memory_space<hbm>>
      tpu.wait_indirect_dma semaphore(%arg18 : memref<!tpu.dma_semaphore, #tpu.memory_space<semaphore_mem>>) src(%dma_wait3A_41 : memref<10000x8xf32, #tpu.memory_space<hbm>>) dst(%arg14 : memref<128x8xf32, #tpu.memory_space<vmem>>)
      %dma_start3A_42 = arith.constant 0 : i32
      %dma_start3A_43 = arith.constant 0 : i32
      %dma_start3A_44 = tpu.memref_slice %arg2[%dma_start3A_42, %dma_start3A_43] : memref<20000x64xf32, #tpu.memory_space<hbm>> -> memref<20000x64xf32, #tpu.memory_space<hbm>>
      tpu.enqueue_indirect_dma source(%dma_start3A_44 : memref<20000x64xf32, #tpu.memory_space<hbm>>) target(%arg12 : memref<128x64xf32, #tpu.memory_space<vmem>>) offsets(%arg10 : memref<128xi32, #tpu.memory_space<vmem>>) semaphore(%arg18 : memref<!tpu.dma_semaphore, #tpu.memory_space<semaphore_mem>>)
      %dma_wait3A_45 = arith.constant 0 : i32
      %dma_wait3A_46 = arith.constant 0 : i32
      %dma_wait3A_47 = tpu.memref_slice %arg2[%dma_wait3A_45, %dma_wait3A_46] : memref<20000x64xf32, #tpu.memory_space<hbm>> -> memref<20000x64xf32, #tpu.memory_space<hbm>>
      tpu.wait_indirect_dma semaphore(%arg18 : memref<!tpu.dma_semaphore, #tpu.memory_space<semaphore_mem>>) src(%dma_wait3A_47 : memref<20000x64xf32, #tpu.memory_space<hbm>>) dst(%arg12 : memref<128x64xf32, #tpu.memory_space<vmem>>)
      %scan3A_48 = arith.constant 0 : i32
      %scan3A_49 = arith.constant 0 : i32
      %scan3A_50 = arith.constant 8 : i32
      %scan3A_51 = arith.addi %scan3A_49, %scan3A_50 : i32
      %scan3A_52 = arith.constant 1 : i32
      scf.for %scan3A_60 = %scan3A_49 to %scan3A_51 step %scan3A_52  : i32 {
        %mul3A_61 = arith.constant 16 : i32
        %mul3A_62 = arith.muli %scan3A_60, %mul3A_61 : i32
        %add3A_63 = vector.broadcast %mul3A_62 : i32 to vector<16xi32>
        %add3A_64 = arith.addi %iota3A, %add3A_63 : vector<16xi32>
        %broadcast_in_dim3A = arith.constant 0 : i32
        %broadcast_in_dim3A_65 = vector.broadcast %broadcast_in_dim3A : i32 to vector<16xi32>
        %gather3A = tpu.vector_load_idx %arg13[%add3A_64, %broadcast_in_dim3A_65] : memref<128x8xf32, #tpu.memory_space<vmem>>[vector<16xi32>, vector<16xi32>], vector<16xf32>,
        %broadcast_in_dim3A_66 = arith.constant 4 : i32
        %broadcast_in_dim3A_67 = vector.broadcast %broadcast_in_dim3A_66 : i32 to vector<16xi32>
        %gather3A_68 = tpu.vector_load_idx %arg14[%add3A_64, %broadcast_in_dim3A_67] : memref<128x8xf32, #tpu.memory_space<vmem>>[vector<16xi32>, vector<16xi32>], vector<16xf32>,
        %add3A_69 = arith.addf %gather3A, %gather3A_68 : vector<16xf32>
        %mul3A_70 = arith.constant 2.000000e-01 : f32
        %mul3A_71 = vector.broadcast %mul3A_70 : f32 to vector<16xf32>
        %mul3A_72 = arith.mulf %mul3A_71, %add3A_69 : vector<16xf32>
        %max3A = arith.maximumf %add3A_69, %mul3A_72 : vector<16xf32>
        %exp3A = math.exp %max3A : vector<16xf32>
        %mul3A_73 = arith.constant 16 : i32
        %mul3A_74 = arith.muli %scan3A_60, %mul3A_73 : i32
        %add3A_75 = arith.constant 0 : i32
        %add3A_76 = arith.addi %add3A_75, %mul3A_74 : i32
        %swap3A = arith.index_cast %add3A_76 : i32 to index
        %swap3A_77 = tpu.vector_load %arg15[%swap3A] {strides = array<i32>} : memref<512xf32, #tpu.memory_space<vmem>>, vector<16xf32>,
        tpu.vector_store %arg15[%swap3A], %exp3A {strides = array<i32>} : memref<512xf32, #tpu.memory_space<vmem>>, vector<16xf32>,
        %broadcast_in_dim3A_78 = arith.constant 1 : i32
        %broadcast_in_dim3A_79 = vector.broadcast %broadcast_in_dim3A_78 : i32 to vector<16xi32>
        %gather3A_80 = tpu.vector_load_idx %arg13[%add3A_64, %broadcast_in_dim3A_79] : memref<128x8xf32, #tpu.memory_space<vmem>>[vector<16xi32>, vector<16xi32>], vector<16xf32>,
        %broadcast_in_dim3A_81 = arith.constant 5 : i32
        %broadcast_in_dim3A_82 = vector.broadcast %broadcast_in_dim3A_81 : i32 to vector<16xi32>
        %gather3A_83 = tpu.vector_load_idx %arg14[%add3A_64, %broadcast_in_dim3A_82] : memref<128x8xf32, #tpu.memory_space<vmem>>[vector<16xi32>, vector<16xi32>], vector<16xf32>,
        %add3A_84 = arith.addf %gather3A_80, %gather3A_83 : vector<16xf32>
        %mul3A_85 = arith.constant 2.000000e-01 : f32
        %mul3A_86 = vector.broadcast %mul3A_85 : f32 to vector<16xf32>
        %mul3A_87 = arith.mulf %mul3A_86, %add3A_84 : vector<16xf32>
        %max3A_88 = arith.maximumf %add3A_84, %mul3A_87 : vector<16xf32>
        %exp3A_89 = math.exp %max3A_88 : vector<16xf32>
        %mul3A_90 = arith.constant 16 : i32
        %mul3A_91 = arith.muli %scan3A_60, %mul3A_90 : i32
        %add3A_92 = arith.constant 128 : i32
        %add3A_93 = arith.addi %add3A_92, %mul3A_91 : i32
        %swap3A_94 = arith.index_cast %add3A_93 : i32 to index
        %swap3A_95 = tpu.vector_load %arg15[%swap3A_94] {strides = array<i32>} : memref<512xf32, #tpu.memory_space<vmem>>, vector<16xf32>,
        tpu.vector_store %arg15[%swap3A_94], %exp3A_89 {strides = array<i32>} : memref<512xf32, #tpu.memory_space<vmem>>, vector<16xf32>,
        %broadcast_in_dim3A_96 = arith.constant 2 : i32
        %broadcast_in_dim3A_97 = vector.broadcast %broadcast_in_dim3A_96 : i32 to vector<16xi32>
        %gather3A_98 = tpu.vector_load_idx %arg13[%add3A_64, %broadcast_in_dim3A_97] : memref<128x8xf32, #tpu.memory_space<vmem>>[vector<16xi32>, vector<16xi32>], vector<16xf32>,
        %broadcast_in_dim3A_99 = arith.constant 6 : i32
        %broadcast_in_dim3A_100 = vector.broadcast %broadcast_in_dim3A_99 : i32 to vector<16xi32>
        %gather3A_101 = tpu.vector_load_idx %arg14[%add3A_64, %broadcast_in_dim3A_100] : memref<128x8xf32, #tpu.memory_space<vmem>>[vector<16xi32>, vector<16xi32>], vector<16xf32>,
        %add3A_102 = arith.addf %gather3A_98, %gather3A_101 : vector<16xf32>
        %mul3A_103 = arith.constant 2.000000e-01 : f32
        %mul3A_104 = vector.broadcast %mul3A_103 : f32 to vector<16xf32>
        %mul3A_105 = arith.mulf %mul3A_104, %add3A_102 : vector<16xf32>
        %max3A_106 = arith.maximumf %add3A_102, %mul3A_105 : vector<16xf32>
        %exp3A_107 = math.exp %max3A_106 : vector<16xf32>
        %mul3A_108 = arith.constant 16 : i32
        %mul3A_109 = arith.muli %scan3A_60, %mul3A_108 : i32
        %add3A_110 = arith.constant 256 : i32
        %add3A_111 = arith.addi %add3A_110, %mul3A_109 : i32
        %swap3A_112 = arith.index_cast %add3A_111 : i32 to index
        %swap3A_113 = tpu.vector_load %arg15[%swap3A_112] {strides = array<i32>} : memref<512xf32, #tpu.memory_space<vmem>>, vector<16xf32>,
        tpu.vector_store %arg15[%swap3A_112], %exp3A_107 {strides = array<i32>} : memref<512xf32, #tpu.memory_space<vmem>>, vector<16xf32>,
        %broadcast_in_dim3A_114 = arith.constant 3 : i32
        %broadcast_in_dim3A_115 = vector.broadcast %broadcast_in_dim3A_114 : i32 to vector<16xi32>
        %gather3A_116 = tpu.vector_load_idx %arg13[%add3A_64, %broadcast_in_dim3A_115] : memref<128x8xf32, #tpu.memory_space<vmem>>[vector<16xi32>, vector<16xi32>], vector<16xf32>,
        %broadcast_in_dim3A_117 = arith.constant 7 : i32
        %broadcast_in_dim3A_118 = vector.broadcast %broadcast_in_dim3A_117 : i32 to vector<16xi32>
        %gather3A_119 = tpu.vector_load_idx %arg14[%add3A_64, %broadcast_in_dim3A_118] : memref<128x8xf32, #tpu.memory_space<vmem>>[vector<16xi32>, vector<16xi32>], vector<16xf32>,
        %add3A_120 = arith.addf %gather3A_116, %gather3A_119 : vector<16xf32>
        %mul3A_121 = arith.constant 2.000000e-01 : f32
        %mul3A_122 = vector.broadcast %mul3A_121 : f32 to vector<16xf32>
        %mul3A_123 = arith.mulf %mul3A_122, %add3A_120 : vector<16xf32>
        %max3A_124 = arith.maximumf %add3A_120, %mul3A_123 : vector<16xf32>
        %exp3A_125 = math.exp %max3A_124 : vector<16xf32>
        %mul3A_126 = arith.constant 16 : i32
        %mul3A_127 = arith.muli %scan3A_60, %mul3A_126 : i32
        %add3A_128 = arith.constant 384 : i32
        %add3A_129 = arith.addi %add3A_128, %mul3A_127 : i32
        %swap3A_130 = arith.index_cast %add3A_129 : i32 to index
        %swap3A_131 = tpu.vector_load %arg15[%swap3A_130] {strides = array<i32>} : memref<512xf32, #tpu.memory_space<vmem>>, vector<16xf32>,
        tpu.vector_store %arg15[%swap3A_130], %exp3A_125 {strides = array<i32>} : memref<512xf32, #tpu.memory_space<vmem>>, vector<16xf32>,
      }
      %scan3A_53 = arith.constant 8 : i32
      %scan3A_54 = arith.constant 0 : i32
      %scan3A_55 = arith.constant 0 : i32
      %scan3A_56 = arith.constant 128 : i32
      %scan3A_57 = arith.addi %scan3A_55, %scan3A_56 : i32
      %scan3A_58 = arith.constant 1 : i32
      scf.for %scan3A_60 = %scan3A_55 to %scan3A_57 step %scan3A_58  : i32 {
        %lt3A_61 = arith.constant 4 : i32
        %lt3A_62 = vector.broadcast %lt3A_61 : i32 to vector<16xi32>
        %lt3A_63 = arith.cmpi slt, %iota3A, %lt3A_62 : vector<16xi32>
        %mul3A_64 = arith.constant 128 : i32
        %mul3A_65 = vector.broadcast %mul3A_64 : i32 to vector<16xi32>
        %mul3A_66 = arith.muli %iota3A, %mul3A_65 : vector<16xi32>
        %add3A_67 = vector.broadcast %scan3A_60 : i32 to vector<16xi32>
        %add3A_68 = arith.addi %mul3A_66, %add3A_67 : vector<16xi32>
        %jit3A = arith.constant 0 : i32
        %broadcast_in_dim3A = vector.broadcast %jit3A : i32 to vector<16xi32>
        %select_n3A = arith.select %lt3A_63, %add3A_68, %broadcast_in_dim3A : vector<16xi1>, vector<16xi32>
        %gather3A = tpu.vector_load_idx %arg15[%select_n3A] : memref<512xf32, #tpu.memory_space<vmem>>[vector<16xi32>], vector<16xf32>,
        %lt3A_69 = arith.constant 4 : i32
        %lt3A_70 = vector.broadcast %lt3A_69 : i32 to vector<16xi32>
        %lt3A_71 = arith.cmpi slt, %iota3A, %lt3A_70 : vector<16xi32>
        %jit3A_72 = arith.constant 0.000000e+00 : f32
        %broadcast_in_dim3A_73 = vector.broadcast %jit3A_72 : f32 to vector<16xf32>
        %select_n3A_74 = arith.select %lt3A_71, %gather3A, %broadcast_in_dim3A_73 : vector<16xi1>, vector<16xf32>
        %swap3A = arith.index_cast %scan3A_60 : i32 to index
        %swap3A_75 = arith.constant 64 : index
        %swap3A_76 = tpu.vector_load %arg16[%swap3A, %swap3A_75] {strides = array<i32>} : memref<128x80xf32, #tpu.memory_space<vmem>>, vector<16xf32>,
        tpu.vector_store %arg16[%swap3A, %swap3A_75], %select_n3A_74 {strides = array<i32>} : memref<128x80xf32, #tpu.memory_space<vmem>>, vector<16xf32>,
        %broadcast_in_dim3A_77 = arith.constant 0 : i32
        %broadcast_in_dim3A_78 = vector.broadcast %broadcast_in_dim3A_77 : i32 to vector<16xi32>
        %mul3A_79 = arith.constant 2 : i32
        %mul3A_80 = arith.muli %mul3A_79, %arg0 : i32
        %add3A_81 = vector.broadcast %mul3A_80 : i32 to vector<16xi32>
        %add3A_82 = arith.addi %broadcast_in_dim3A_78, %add3A_81 : vector<16xi32>
        %lt3A_83 = arith.constant 0 : i32
        %lt3A_84 = vector.broadcast %lt3A_83 : i32 to vector<16xi32>
        %lt3A_85 = arith.cmpi slt, %add3A_82, %lt3A_84 : vector<16xi32>
        %add3A_86 = arith.constant 16 : i32
        %add3A_87 = vector.broadcast %add3A_86 : i32 to vector<16xi32>
        %add3A_88 = arith.addi %add3A_82, %add3A_87 : vector<16xi32>
        %select_n3A_89 = arith.select %lt3A_85, %add3A_88, %add3A_82 : vector<16xi1>, vector<16xi32>
        %broadcast_in_dim3A_90 = vector.shape_cast %select_n3A_89 : vector<16xi32> to vector<16x1xi32>
        %gather3A_91 = vector.shape_cast %broadcast_in_dim3A_90 : vector<16x1xi32> to vector<16xi32>
        %gather3A_92 = tpu.dynamic_gather %select_n3A_74[%gather3A_91] in [0] : vector<16xf32>, vector<16xi32> -> vector<16xf32>
        %get3A = arith.index_cast %scan3A_60 : i32 to index
        %get3A_93 = arith.constant 0 : index
        %get3A_94 = tpu.vector_load %arg12[%get3A, %get3A_93] {strides = array<i32>} : memref<128x64xf32, #tpu.memory_space<vmem>>, vector<16xf32>,
        %mul3A_95 = arith.mulf %get3A_94, %gather3A_92 : vector<16xf32>
        %swap3A_96 = arith.index_cast %scan3A_60 : i32 to index
        %swap3A_97 = arith.constant 0 : index
        %swap3A_98 = tpu.vector_load %arg16[%swap3A_96, %swap3A_97] {strides = array<i32>} : memref<128x80xf32, #tpu.memory_space<vmem>>, vector<16xf32>,
        tpu.vector_store %arg16[%swap3A_96, %swap3A_97], %mul3A_95 {strides = array<i32>} : memref<128x80xf32, #tpu.memory_space<vmem>>, vector<16xf32>,
        %broadcast_in_dim3A_99 = arith.constant 0 : i32
        %broadcast_in_dim3A_100 = vector.broadcast %broadcast_in_dim3A_99 : i32 to vector<16xi32>
        %mul3A_101 = arith.constant 2 : i32
        %mul3A_102 = arith.muli %mul3A_101, %arg0 : i32
        %add3A_103 = vector.broadcast %mul3A_102 : i32 to vector<16xi32>
        %add3A_104 = arith.addi %broadcast_in_dim3A_100, %add3A_103 : vector<16xi32>
        %lt3A_105 = arith.constant 0 : i32
        %lt3A_106 = vector.broadcast %lt3A_105 : i32 to vector<16xi32>
        %lt3A_107 = arith.cmpi slt, %add3A_104, %lt3A_106 : vector<16xi32>
        %add3A_108 = arith.constant 16 : i32
        %add3A_109 = vector.broadcast %add3A_108 : i32 to vector<16xi32>
        %add3A_110 = arith.addi %add3A_104, %add3A_109 : vector<16xi32>
        %select_n3A_111 = arith.select %lt3A_107, %add3A_110, %add3A_104 : vector<16xi1>, vector<16xi32>
        %broadcast_in_dim3A_112 = vector.shape_cast %select_n3A_111 : vector<16xi32> to vector<16x1xi32>
        %gather3A_113 = vector.shape_cast %broadcast_in_dim3A_112 : vector<16x1xi32> to vector<16xi32>
        %gather3A_114 = tpu.dynamic_gather %select_n3A_74[%gather3A_113] in [0] : vector<16xf32>, vector<16xi32> -> vector<16xf32>
        %get3A_115 = arith.index_cast %scan3A_60 : i32 to index
        %get3A_116 = arith.constant 16 : index
        %get3A_117 = tpu.vector_load %arg12[%get3A_115, %get3A_116] {strides = array<i32>} : memref<128x64xf32, #tpu.memory_space<vmem>>, vector<16xf32>,
        %mul3A_118 = arith.mulf %get3A_117, %gather3A_114 : vector<16xf32>
        %swap3A_119 = arith.index_cast %scan3A_60 : i32 to index
        %swap3A_120 = arith.constant 16 : index
        %swap3A_121 = tpu.vector_load %arg16[%swap3A_119, %swap3A_120] {strides = array<i32>} : memref<128x80xf32, #tpu.memory_space<vmem>>, vector<16xf32>,
        tpu.vector_store %arg16[%swap3A_119, %swap3A_120], %mul3A_118 {strides = array<i32>} : memref<128x80xf32, #tpu.memory_space<vmem>>, vector<16xf32>,
        %broadcast_in_dim3A_122 = arith.constant 1 : i32
        %broadcast_in_dim3A_123 = vector.broadcast %broadcast_in_dim3A_122 : i32 to vector<16xi32>
        %mul3A_124 = arith.constant 2 : i32
        %mul3A_125 = arith.muli %mul3A_124, %arg0 : i32
        %add3A_126 = vector.broadcast %mul3A_125 : i32 to vector<16xi32>
        %add3A_127 = arith.addi %broadcast_in_dim3A_123, %add3A_126 : vector<16xi32>
        %lt3A_128 = arith.constant 0 : i32
        %lt3A_129 = vector.broadcast %lt3A_128 : i32 to vector<16xi32>
        %lt3A_130 = arith.cmpi slt, %add3A_127, %lt3A_129 : vector<16xi32>
        %add3A_131 = arith.constant 16 : i32
        %add3A_132 = vector.broadcast %add3A_131 : i32 to vector<16xi32>
        %add3A_133 = arith.addi %add3A_127, %add3A_132 : vector<16xi32>
        %select_n3A_134 = arith.select %lt3A_130, %add3A_133, %add3A_127 : vector<16xi1>, vector<16xi32>
        %broadcast_in_dim3A_135 = vector.shape_cast %select_n3A_134 : vector<16xi32> to vector<16x1xi32>
        %gather3A_136 = vector.shape_cast %broadcast_in_dim3A_135 : vector<16x1xi32> to vector<16xi32>
        %gather3A_137 = tpu.dynamic_gather %select_n3A_74[%gather3A_136] in [0] : vector<16xf32>, vector<16xi32> -> vector<16xf32>
        %get3A_138 = arith.index_cast %scan3A_60 : i32 to index
        %get3A_139 = arith.constant 32 : index
        %get3A_140 = tpu.vector_load %arg12[%get3A_138, %get3A_139] {strides = array<i32>} : memref<128x64xf32, #tpu.memory_space<vmem>>, vector<16xf32>,
        %mul3A_141 = arith.mulf %get3A_140, %gather3A_137 : vector<16xf32>
        %swap3A_142 = arith.index_cast %scan3A_60 : i32 to index
        %swap3A_143 = arith.constant 32 : index
        %swap3A_144 = tpu.vector_load %arg16[%swap3A_142, %swap3A_143] {strides = array<i32>} : memref<128x80xf32, #tpu.memory_space<vmem>>, vector<16xf32>,
        tpu.vector_store %arg16[%swap3A_142, %swap3A_143], %mul3A_141 {strides = array<i32>} : memref<128x80xf32, #tpu.memory_space<vmem>>, vector<16xf32>,
        %broadcast_in_dim3A_145 = arith.constant 1 : i32
        %broadcast_in_dim3A_146 = vector.broadcast %broadcast_in_dim3A_145 : i32 to vector<16xi32>
        %mul3A_147 = arith.constant 2 : i32
        %mul3A_148 = arith.muli %mul3A_147, %arg0 : i32
        %add3A_149 = vector.broadcast %mul3A_148 : i32 to vector<16xi32>
        %add3A_150 = arith.addi %broadcast_in_dim3A_146, %add3A_149 : vector<16xi32>
        %lt3A_151 = arith.constant 0 : i32
        %lt3A_152 = vector.broadcast %lt3A_151 : i32 to vector<16xi32>
        %lt3A_153 = arith.cmpi slt, %add3A_150, %lt3A_152 : vector<16xi32>
        %add3A_154 = arith.constant 16 : i32
        %add3A_155 = vector.broadcast %add3A_154 : i32 to vector<16xi32>
        %add3A_156 = arith.addi %add3A_150, %add3A_155 : vector<16xi32>
        %select_n3A_157 = arith.select %lt3A_153, %add3A_156, %add3A_150 : vector<16xi1>, vector<16xi32>
        %broadcast_in_dim3A_158 = vector.shape_cast %select_n3A_157 : vector<16xi32> to vector<16x1xi32>
        %gather3A_159 = vector.shape_cast %broadcast_in_dim3A_158 : vector<16x1xi32> to vector<16xi32>
        %gather3A_160 = tpu.dynamic_gather %select_n3A_74[%gather3A_159] in [0] : vector<16xf32>, vector<16xi32> -> vector<16xf32>
        %get3A_161 = arith.index_cast %scan3A_60 : i32 to index
        %get3A_162 = arith.constant 48 : index
        %get3A_163 = tpu.vector_load %arg12[%get3A_161, %get3A_162] {strides = array<i32>} : memref<128x64xf32, #tpu.memory_space<vmem>>, vector<16xf32>,
        %mul3A_164 = arith.mulf %get3A_163, %gather3A_160 : vector<16xf32>
        %swap3A_165 = arith.index_cast %scan3A_60 : i32 to index
        %swap3A_166 = arith.constant 48 : index
        %swap3A_167 = tpu.vector_load %arg16[%swap3A_165, %swap3A_166] {strides = array<i32>} : memref<128x80xf32, #tpu.memory_space<vmem>>, vector<16xf32>,
        tpu.vector_store %arg16[%swap3A_165, %swap3A_166], %mul3A_164 {strides = array<i32>} : memref<128x80xf32, #tpu.memory_space<vmem>>, vector<16xf32>,
      }
      %scan3A_59 = arith.constant 128 : i32
      "tpu.region"() ({
        %run_scoped3A = tpu.sem_alloc : memref<!tpu.dma_semaphore, #tpu.memory_space<semaphore_mem>>
        %dma_start3A_60 = arith.constant 0 : i32
        %dma_start3A_61 = arith.constant 0 : i32
        %dma_start3A_62 = tpu.memref_slice %arg17[%dma_start3A_60, %dma_start3A_61] : memref<10000x80xf32, #tpu.memory_space<vmem_shared>> -> memref<10000x80xf32, #tpu.memory_space<vmem_shared>>
        tpu.enqueue_indirect_dma source(%arg16 : memref<128x80xf32, #tpu.memory_space<vmem>>) target(%dma_start3A_62 : memref<10000x80xf32, #tpu.memory_space<vmem_shared>>) offsets(%arg11 : memref<128xi32, #tpu.memory_space<vmem>>) semaphore(%run_scoped3A : memref<!tpu.dma_semaphore, #tpu.memory_space<semaphore_mem>>) {add = true}
        %dma_wait3A_63 = arith.constant 0 : i32
        %dma_wait3A_64 = arith.constant 0 : i32
        %dma_wait3A_65 = tpu.memref_slice %arg17[%dma_wait3A_63, %dma_wait3A_64] : memref<10000x80xf32, #tpu.memory_space<vmem_shared>> -> memref<10000x80xf32, #tpu.memory_space<vmem_shared>>
        tpu.wait_indirect_dma semaphore(%run_scoped3A : memref<!tpu.dma_semaphore, #tpu.memory_space<semaphore_mem>>) src(%arg16 : memref<128x80xf32, #tpu.memory_space<vmem>>) dst(%dma_wait3A_65 : memref<10000x80xf32, #tpu.memory_space<vmem_shared>>)
        tpu.yield
      }) : () -> ()
    }
    %scan3A_9 = arith.constant 156 : i32
    %lt3A = arith.constant 4 : i32
    %lt3A_10 = arith.cmpi slt, %arg1, %lt3A : i32
    %convert_element_type3A_11 = arith.extui %lt3A_10 : i1 to i32
    %cond3A_12 = arith.constant 0 : i32
    %cond3A_13 = arith.cmpi ne, %convert_element_type3A_11, %cond3A_12 : i32
    scf.if %cond3A_13 {
      %add3A = arith.constant 2496 : i32
      %add3A_24 = arith.addi %add3A, %arg1 : i32
      %mul3A_25 = arith.constant 128 : i32
      %mul3A_26 = arith.muli %add3A_24, %mul3A_25 : i32
      "tpu.region"() ({
        %run_scoped3A = tpu.sem_alloc : memref<!tpu.dma_semaphore, #tpu.memory_space<semaphore_mem>>
        %dma_start3A_58 = tpu.memref_slice %arg4[%mul3A_26] : memref<320000xi32, #tpu.memory_space<hbm>> -> memref<128xi32, #tpu.memory_space<hbm>>
        %dma_start3A_59 = tpu.memref_slice %arg4[%mul3A_26] : memref<320000xi32, #tpu.memory_space<hbm>> -> memref<128xi32, #tpu.memory_space<hbm>>
        tpu.enqueue_dma source(%dma_start3A_59 : memref<128xi32, #tpu.memory_space<hbm>>) target(%arg9 : memref<128xi32, #tpu.memory_space<vmem>>) target_semaphore(%run_scoped3A : memref<!tpu.dma_semaphore, #tpu.memory_space<semaphore_mem>>)
        %dma_wait3A_60 = tpu.memref_slice %arg4[%mul3A_26] : memref<320000xi32, #tpu.memory_space<hbm>> -> memref<128xi32, #tpu.memory_space<hbm>>
        %dma_wait3A_61 = tpu.memref_slice %arg4[%mul3A_26] : memref<320000xi32, #tpu.memory_space<hbm>> -> memref<128xi32, #tpu.memory_space<hbm>>
        tpu.wait_dma2 semaphore(%run_scoped3A : memref<!tpu.dma_semaphore, #tpu.memory_space<semaphore_mem>>) src(%dma_wait3A_61 : memref<128xi32, #tpu.memory_space<hbm>>) dst(%arg9 : memref<128xi32, #tpu.memory_space<vmem>>)
        tpu.yield
      }) : () -> ()
      %mul3A_27 = arith.constant 320000 : i32
      %mul3A_28 = arith.muli %arg0, %mul3A_27 : i32
      %add3A_29 = arith.addi %mul3A_28, %mul3A_26 : i32
      "tpu.region"() ({
        %run_scoped3A = tpu.sem_alloc : memref<!tpu.dma_semaphore, #tpu.memory_space<semaphore_mem>>
        %dma_start3A_58 = tpu.memref_slice %arg5[%add3A_29] : memref<640000xi32, #tpu.memory_space<hbm>> -> memref<128xi32, #tpu.memory_space<hbm>>
        %dma_start3A_59 = tpu.memref_slice %arg5[%add3A_29] : memref<640000xi32, #tpu.memory_space<hbm>> -> memref<128xi32, #tpu.memory_space<hbm>>
        tpu.enqueue_dma source(%dma_start3A_59 : memref<128xi32, #tpu.memory_space<hbm>>) target(%arg10 : memref<128xi32, #tpu.memory_space<vmem>>) target_semaphore(%run_scoped3A : memref<!tpu.dma_semaphore, #tpu.memory_space<semaphore_mem>>)
        %dma_wait3A_60 = tpu.memref_slice %arg5[%add3A_29] : memref<640000xi32, #tpu.memory_space<hbm>> -> memref<128xi32, #tpu.memory_space<hbm>>
        %dma_wait3A_61 = tpu.memref_slice %arg5[%add3A_29] : memref<640000xi32, #tpu.memory_space<hbm>> -> memref<128xi32, #tpu.memory_space<hbm>>
        tpu.wait_dma2 semaphore(%run_scoped3A : memref<!tpu.dma_semaphore, #tpu.memory_space<semaphore_mem>>) src(%dma_wait3A_61 : memref<128xi32, #tpu.memory_space<hbm>>) dst(%arg10 : memref<128xi32, #tpu.memory_space<vmem>>)
        tpu.yield
      }) : () -> ()
      "tpu.region"() ({
        %run_scoped3A = tpu.sem_alloc : memref<!tpu.dma_semaphore, #tpu.memory_space<semaphore_mem>>
        %dma_start3A_58 = tpu.memref_slice %arg6[%mul3A_26] : memref<320000xi32, #tpu.memory_space<hbm>> -> memref<128xi32, #tpu.memory_space<hbm>>
        %dma_start3A_59 = tpu.memref_slice %arg6[%mul3A_26] : memref<320000xi32, #tpu.memory_space<hbm>> -> memref<128xi32, #tpu.memory_space<hbm>>
        tpu.enqueue_dma source(%dma_start3A_59 : memref<128xi32, #tpu.memory_space<hbm>>) target(%arg11 : memref<128xi32, #tpu.memory_space<vmem>>) target_semaphore(%run_scoped3A : memref<!tpu.dma_semaphore, #tpu.memory_space<semaphore_mem>>)
        %dma_wait3A_60 = tpu.memref_slice %arg6[%mul3A_26] : memref<320000xi32, #tpu.memory_space<hbm>> -> memref<128xi32, #tpu.memory_space<hbm>>
        %dma_wait3A_61 = tpu.memref_slice %arg6[%mul3A_26] : memref<320000xi32, #tpu.memory_space<hbm>> -> memref<128xi32, #tpu.memory_space<hbm>>
        tpu.wait_dma2 semaphore(%run_scoped3A : memref<!tpu.dma_semaphore, #tpu.memory_space<semaphore_mem>>) src(%dma_wait3A_61 : memref<128xi32, #tpu.memory_space<hbm>>) dst(%arg11 : memref<128xi32, #tpu.memory_space<vmem>>)
        tpu.yield
      }) : () -> ()
      %dma_start3A = arith.constant 0 : i32
      %dma_start3A_30 = arith.constant 0 : i32
      %dma_start3A_31 = tpu.memref_slice %arg3[%dma_start3A, %dma_start3A_30] : memref<10000x8xf32, #tpu.memory_space<hbm>> -> memref<10000x8xf32, #tpu.memory_space<hbm>>
      tpu.enqueue_indirect_dma source(%dma_start3A_31 : memref<10000x8xf32, #tpu.memory_space<hbm>>) target(%arg13 : memref<128x8xf32, #tpu.memory_space<vmem>>) offsets(%arg9 : memref<128xi32, #tpu.memory_space<vmem>>) semaphore(%arg18 : memref<!tpu.dma_semaphore, #tpu.memory_space<semaphore_mem>>)
      %dma_wait3A = arith.constant 0 : i32
      %dma_wait3A_32 = arith.constant 0 : i32
      %dma_wait3A_33 = tpu.memref_slice %arg3[%dma_wait3A, %dma_wait3A_32] : memref<10000x8xf32, #tpu.memory_space<hbm>> -> memref<10000x8xf32, #tpu.memory_space<hbm>>
      tpu.wait_indirect_dma semaphore(%arg18 : memref<!tpu.dma_semaphore, #tpu.memory_space<semaphore_mem>>) src(%dma_wait3A_33 : memref<10000x8xf32, #tpu.memory_space<hbm>>) dst(%arg13 : memref<128x8xf32, #tpu.memory_space<vmem>>)
      %dma_start3A_34 = arith.constant 0 : i32
      %dma_start3A_35 = arith.constant 0 : i32
      %dma_start3A_36 = tpu.memref_slice %arg3[%dma_start3A_34, %dma_start3A_35] : memref<10000x8xf32, #tpu.memory_space<hbm>> -> memref<10000x8xf32, #tpu.memory_space<hbm>>
      tpu.enqueue_indirect_dma source(%dma_start3A_36 : memref<10000x8xf32, #tpu.memory_space<hbm>>) target(%arg14 : memref<128x8xf32, #tpu.memory_space<vmem>>) offsets(%arg11 : memref<128xi32, #tpu.memory_space<vmem>>) semaphore(%arg18 : memref<!tpu.dma_semaphore, #tpu.memory_space<semaphore_mem>>)
      %dma_wait3A_37 = arith.constant 0 : i32
      %dma_wait3A_38 = arith.constant 0 : i32
      %dma_wait3A_39 = tpu.memref_slice %arg3[%dma_wait3A_37, %dma_wait3A_38] : memref<10000x8xf32, #tpu.memory_space<hbm>> -> memref<10000x8xf32, #tpu.memory_space<hbm>>
      tpu.wait_indirect_dma semaphore(%arg18 : memref<!tpu.dma_semaphore, #tpu.memory_space<semaphore_mem>>) src(%dma_wait3A_39 : memref<10000x8xf32, #tpu.memory_space<hbm>>) dst(%arg14 : memref<128x8xf32, #tpu.memory_space<vmem>>)
      %dma_start3A_40 = arith.constant 0 : i32
      %dma_start3A_41 = arith.constant 0 : i32
      %dma_start3A_42 = tpu.memref_slice %arg2[%dma_start3A_40, %dma_start3A_41] : memref<20000x64xf32, #tpu.memory_space<hbm>> -> memref<20000x64xf32, #tpu.memory_space<hbm>>
      tpu.enqueue_indirect_dma source(%dma_start3A_42 : memref<20000x64xf32, #tpu.memory_space<hbm>>) target(%arg12 : memref<128x64xf32, #tpu.memory_space<vmem>>) offsets(%arg10 : memref<128xi32, #tpu.memory_space<vmem>>) semaphore(%arg18 : memref<!tpu.dma_semaphore, #tpu.memory_space<semaphore_mem>>)
      %dma_wait3A_43 = arith.constant 0 : i32
      %dma_wait3A_44 = arith.constant 0 : i32
      %dma_wait3A_45 = tpu.memref_slice %arg2[%dma_wait3A_43, %dma_wait3A_44] : memref<20000x64xf32, #tpu.memory_space<hbm>> -> memref<20000x64xf32, #tpu.memory_space<hbm>>
      tpu.wait_indirect_dma semaphore(%arg18 : memref<!tpu.dma_semaphore, #tpu.memory_space<semaphore_mem>>) src(%dma_wait3A_45 : memref<20000x64xf32, #tpu.memory_space<hbm>>) dst(%arg12 : memref<128x64xf32, #tpu.memory_space<vmem>>)
      %scan3A_46 = arith.constant 0 : i32
      %scan3A_47 = arith.constant 0 : i32
      %scan3A_48 = arith.constant 8 : i32
      %scan3A_49 = arith.addi %scan3A_47, %scan3A_48 : i32
      %scan3A_50 = arith.constant 1 : i32
      scf.for %scan3A_58 = %scan3A_47 to %scan3A_49 step %scan3A_50  : i32 {
        %mul3A_59 = arith.constant 16 : i32
        %mul3A_60 = arith.muli %scan3A_58, %mul3A_59 : i32
        %add3A_61 = vector.broadcast %mul3A_60 : i32 to vector<16xi32>
        %add3A_62 = arith.addi %iota3A, %add3A_61 : vector<16xi32>
        %broadcast_in_dim3A = arith.constant 0 : i32
        %broadcast_in_dim3A_63 = vector.broadcast %broadcast_in_dim3A : i32 to vector<16xi32>
        %gather3A = tpu.vector_load_idx %arg13[%add3A_62, %broadcast_in_dim3A_63] : memref<128x8xf32, #tpu.memory_space<vmem>>[vector<16xi32>, vector<16xi32>], vector<16xf32>,
        %broadcast_in_dim3A_64 = arith.constant 4 : i32
        %broadcast_in_dim3A_65 = vector.broadcast %broadcast_in_dim3A_64 : i32 to vector<16xi32>
        %gather3A_66 = tpu.vector_load_idx %arg14[%add3A_62, %broadcast_in_dim3A_65] : memref<128x8xf32, #tpu.memory_space<vmem>>[vector<16xi32>, vector<16xi32>], vector<16xf32>,
        %add3A_67 = arith.addf %gather3A, %gather3A_66 : vector<16xf32>
        %mul3A_68 = arith.constant 2.000000e-01 : f32
        %mul3A_69 = vector.broadcast %mul3A_68 : f32 to vector<16xf32>
        %mul3A_70 = arith.mulf %mul3A_69, %add3A_67 : vector<16xf32>
        %max3A = arith.maximumf %add3A_67, %mul3A_70 : vector<16xf32>
        %exp3A = math.exp %max3A : vector<16xf32>
        %mul3A_71 = arith.constant 16 : i32
        %mul3A_72 = arith.muli %scan3A_58, %mul3A_71 : i32
        %add3A_73 = arith.constant 0 : i32
        %add3A_74 = arith.addi %add3A_73, %mul3A_72 : i32
        %swap3A = arith.index_cast %add3A_74 : i32 to index
        %swap3A_75 = tpu.vector_load %arg15[%swap3A] {strides = array<i32>} : memref<512xf32, #tpu.memory_space<vmem>>, vector<16xf32>,
        tpu.vector_store %arg15[%swap3A], %exp3A {strides = array<i32>} : memref<512xf32, #tpu.memory_space<vmem>>, vector<16xf32>,
        %broadcast_in_dim3A_76 = arith.constant 1 : i32
        %broadcast_in_dim3A_77 = vector.broadcast %broadcast_in_dim3A_76 : i32 to vector<16xi32>
        %gather3A_78 = tpu.vector_load_idx %arg13[%add3A_62, %broadcast_in_dim3A_77] : memref<128x8xf32, #tpu.memory_space<vmem>>[vector<16xi32>, vector<16xi32>], vector<16xf32>,
        %broadcast_in_dim3A_79 = arith.constant 5 : i32
        %broadcast_in_dim3A_80 = vector.broadcast %broadcast_in_dim3A_79 : i32 to vector<16xi32>
        %gather3A_81 = tpu.vector_load_idx %arg14[%add3A_62, %broadcast_in_dim3A_80] : memref<128x8xf32, #tpu.memory_space<vmem>>[vector<16xi32>, vector<16xi32>], vector<16xf32>,
        %add3A_82 = arith.addf %gather3A_78, %gather3A_81 : vector<16xf32>
        %mul3A_83 = arith.constant 2.000000e-01 : f32
        %mul3A_84 = vector.broadcast %mul3A_83 : f32 to vector<16xf32>
        %mul3A_85 = arith.mulf %mul3A_84, %add3A_82 : vector<16xf32>
        %max3A_86 = arith.maximumf %add3A_82, %mul3A_85 : vector<16xf32>
        %exp3A_87 = math.exp %max3A_86 : vector<16xf32>
        %mul3A_88 = arith.constant 16 : i32
        %mul3A_89 = arith.muli %scan3A_58, %mul3A_88 : i32
        %add3A_90 = arith.constant 128 : i32
        %add3A_91 = arith.addi %add3A_90, %mul3A_89 : i32
        %swap3A_92 = arith.index_cast %add3A_91 : i32 to index
        %swap3A_93 = tpu.vector_load %arg15[%swap3A_92] {strides = array<i32>} : memref<512xf32, #tpu.memory_space<vmem>>, vector<16xf32>,
        tpu.vector_store %arg15[%swap3A_92], %exp3A_87 {strides = array<i32>} : memref<512xf32, #tpu.memory_space<vmem>>, vector<16xf32>,
        %broadcast_in_dim3A_94 = arith.constant 2 : i32
        %broadcast_in_dim3A_95 = vector.broadcast %broadcast_in_dim3A_94 : i32 to vector<16xi32>
        %gather3A_96 = tpu.vector_load_idx %arg13[%add3A_62, %broadcast_in_dim3A_95] : memref<128x8xf32, #tpu.memory_space<vmem>>[vector<16xi32>, vector<16xi32>], vector<16xf32>,
        %broadcast_in_dim3A_97 = arith.constant 6 : i32
        %broadcast_in_dim3A_98 = vector.broadcast %broadcast_in_dim3A_97 : i32 to vector<16xi32>
        %gather3A_99 = tpu.vector_load_idx %arg14[%add3A_62, %broadcast_in_dim3A_98] : memref<128x8xf32, #tpu.memory_space<vmem>>[vector<16xi32>, vector<16xi32>], vector<16xf32>,
        %add3A_100 = arith.addf %gather3A_96, %gather3A_99 : vector<16xf32>
        %mul3A_101 = arith.constant 2.000000e-01 : f32
        %mul3A_102 = vector.broadcast %mul3A_101 : f32 to vector<16xf32>
        %mul3A_103 = arith.mulf %mul3A_102, %add3A_100 : vector<16xf32>
        %max3A_104 = arith.maximumf %add3A_100, %mul3A_103 : vector<16xf32>
        %exp3A_105 = math.exp %max3A_104 : vector<16xf32>
        %mul3A_106 = arith.constant 16 : i32
        %mul3A_107 = arith.muli %scan3A_58, %mul3A_106 : i32
        %add3A_108 = arith.constant 256 : i32
        %add3A_109 = arith.addi %add3A_108, %mul3A_107 : i32
        %swap3A_110 = arith.index_cast %add3A_109 : i32 to index
        %swap3A_111 = tpu.vector_load %arg15[%swap3A_110] {strides = array<i32>} : memref<512xf32, #tpu.memory_space<vmem>>, vector<16xf32>,
        tpu.vector_store %arg15[%swap3A_110], %exp3A_105 {strides = array<i32>} : memref<512xf32, #tpu.memory_space<vmem>>, vector<16xf32>,
        %broadcast_in_dim3A_112 = arith.constant 3 : i32
        %broadcast_in_dim3A_113 = vector.broadcast %broadcast_in_dim3A_112 : i32 to vector<16xi32>
        %gather3A_114 = tpu.vector_load_idx %arg13[%add3A_62, %broadcast_in_dim3A_113] : memref<128x8xf32, #tpu.memory_space<vmem>>[vector<16xi32>, vector<16xi32>], vector<16xf32>,
        %broadcast_in_dim3A_115 = arith.constant 7 : i32
        %broadcast_in_dim3A_116 = vector.broadcast %broadcast_in_dim3A_115 : i32 to vector<16xi32>
        %gather3A_117 = tpu.vector_load_idx %arg14[%add3A_62, %broadcast_in_dim3A_116] : memref<128x8xf32, #tpu.memory_space<vmem>>[vector<16xi32>, vector<16xi32>], vector<16xf32>,
        %add3A_118 = arith.addf %gather3A_114, %gather3A_117 : vector<16xf32>
        %mul3A_119 = arith.constant 2.000000e-01 : f32
        %mul3A_120 = vector.broadcast %mul3A_119 : f32 to vector<16xf32>
        %mul3A_121 = arith.mulf %mul3A_120, %add3A_118 : vector<16xf32>
        %max3A_122 = arith.maximumf %add3A_118, %mul3A_121 : vector<16xf32>
        %exp3A_123 = math.exp %max3A_122 : vector<16xf32>
        %mul3A_124 = arith.constant 16 : i32
        %mul3A_125 = arith.muli %scan3A_58, %mul3A_124 : i32
        %add3A_126 = arith.constant 384 : i32
        %add3A_127 = arith.addi %add3A_126, %mul3A_125 : i32
        %swap3A_128 = arith.index_cast %add3A_127 : i32 to index
        %swap3A_129 = tpu.vector_load %arg15[%swap3A_128] {strides = array<i32>} : memref<512xf32, #tpu.memory_space<vmem>>, vector<16xf32>,
        tpu.vector_store %arg15[%swap3A_128], %exp3A_123 {strides = array<i32>} : memref<512xf32, #tpu.memory_space<vmem>>, vector<16xf32>,
      }
      %scan3A_51 = arith.constant 8 : i32
      %scan3A_52 = arith.constant 0 : i32
      %scan3A_53 = arith.constant 0 : i32
      %scan3A_54 = arith.constant 128 : i32
      %scan3A_55 = arith.addi %scan3A_53, %scan3A_54 : i32
      %scan3A_56 = arith.constant 1 : i32
      scf.for %scan3A_58 = %scan3A_53 to %scan3A_55 step %scan3A_56  : i32 {
        %lt3A_59 = arith.constant 4 : i32
        %lt3A_60 = vector.broadcast %lt3A_59 : i32 to vector<16xi32>
        %lt3A_61 = arith.cmpi slt, %iota3A, %lt3A_60 : vector<16xi32>
        %mul3A_62 = arith.constant 128 : i32
        %mul3A_63 = vector.broadcast %mul3A_62 : i32 to vector<16xi32>
        %mul3A_64 = arith.muli %iota3A, %mul3A_63 : vector<16xi32>
        %add3A_65 = vector.broadcast %scan3A_58 : i32 to vector<16xi32>
        %add3A_66 = arith.addi %mul3A_64, %add3A_65 : vector<16xi32>
        %jit3A = arith.constant 0 : i32
        %broadcast_in_dim3A = vector.broadcast %jit3A : i32 to vector<16xi32>
        %select_n3A = arith.select %lt3A_61, %add3A_66, %broadcast_in_dim3A : vector<16xi1>, vector<16xi32>
        %gather3A = tpu.vector_load_idx %arg15[%select_n3A] : memref<512xf32, #tpu.memory_space<vmem>>[vector<16xi32>], vector<16xf32>,
        %lt3A_67 = arith.constant 4 : i32
        %lt3A_68 = vector.broadcast %lt3A_67 : i32 to vector<16xi32>
        %lt3A_69 = arith.cmpi slt, %iota3A, %lt3A_68 : vector<16xi32>
        %jit3A_70 = arith.constant 0.000000e+00 : f32
        %broadcast_in_dim3A_71 = vector.broadcast %jit3A_70 : f32 to vector<16xf32>
        %select_n3A_72 = arith.select %lt3A_69, %gather3A, %broadcast_in_dim3A_71 : vector<16xi1>, vector<16xf32>
        %swap3A = arith.index_cast %scan3A_58 : i32 to index
        %swap3A_73 = arith.constant 64 : index
        %swap3A_74 = tpu.vector_load %arg16[%swap3A, %swap3A_73] {strides = array<i32>} : memref<128x80xf32, #tpu.memory_space<vmem>>, vector<16xf32>,
        tpu.vector_store %arg16[%swap3A, %swap3A_73], %select_n3A_72 {strides = array<i32>} : memref<128x80xf32, #tpu.memory_space<vmem>>, vector<16xf32>,
        %broadcast_in_dim3A_75 = arith.constant 0 : i32
        %broadcast_in_dim3A_76 = vector.broadcast %broadcast_in_dim3A_75 : i32 to vector<16xi32>
        %mul3A_77 = arith.constant 2 : i32
        %mul3A_78 = arith.muli %mul3A_77, %arg0 : i32
        %add3A_79 = vector.broadcast %mul3A_78 : i32 to vector<16xi32>
        %add3A_80 = arith.addi %broadcast_in_dim3A_76, %add3A_79 : vector<16xi32>
        %lt3A_81 = arith.constant 0 : i32
        %lt3A_82 = vector.broadcast %lt3A_81 : i32 to vector<16xi32>
        %lt3A_83 = arith.cmpi slt, %add3A_80, %lt3A_82 : vector<16xi32>
        %add3A_84 = arith.constant 16 : i32
        %add3A_85 = vector.broadcast %add3A_84 : i32 to vector<16xi32>
        %add3A_86 = arith.addi %add3A_80, %add3A_85 : vector<16xi32>
        %select_n3A_87 = arith.select %lt3A_83, %add3A_86, %add3A_80 : vector<16xi1>, vector<16xi32>
        %broadcast_in_dim3A_88 = vector.shape_cast %select_n3A_87 : vector<16xi32> to vector<16x1xi32>
        %gather3A_89 = vector.shape_cast %broadcast_in_dim3A_88 : vector<16x1xi32> to vector<16xi32>
        %gather3A_90 = tpu.dynamic_gather %select_n3A_72[%gather3A_89] in [0] : vector<16xf32>, vector<16xi32> -> vector<16xf32>
        %get3A = arith.index_cast %scan3A_58 : i32 to index
        %get3A_91 = arith.constant 0 : index
        %get3A_92 = tpu.vector_load %arg12[%get3A, %get3A_91] {strides = array<i32>} : memref<128x64xf32, #tpu.memory_space<vmem>>, vector<16xf32>,
        %mul3A_93 = arith.mulf %get3A_92, %gather3A_90 : vector<16xf32>
        %swap3A_94 = arith.index_cast %scan3A_58 : i32 to index
        %swap3A_95 = arith.constant 0 : index
        %swap3A_96 = tpu.vector_load %arg16[%swap3A_94, %swap3A_95] {strides = array<i32>} : memref<128x80xf32, #tpu.memory_space<vmem>>, vector<16xf32>,
        tpu.vector_store %arg16[%swap3A_94, %swap3A_95], %mul3A_93 {strides = array<i32>} : memref<128x80xf32, #tpu.memory_space<vmem>>, vector<16xf32>,
        %broadcast_in_dim3A_97 = arith.constant 0 : i32
        %broadcast_in_dim3A_98 = vector.broadcast %broadcast_in_dim3A_97 : i32 to vector<16xi32>
        %mul3A_99 = arith.constant 2 : i32
        %mul3A_100 = arith.muli %mul3A_99, %arg0 : i32
        %add3A_101 = vector.broadcast %mul3A_100 : i32 to vector<16xi32>
        %add3A_102 = arith.addi %broadcast_in_dim3A_98, %add3A_101 : vector<16xi32>
        %lt3A_103 = arith.constant 0 : i32
        %lt3A_104 = vector.broadcast %lt3A_103 : i32 to vector<16xi32>
        %lt3A_105 = arith.cmpi slt, %add3A_102, %lt3A_104 : vector<16xi32>
        %add3A_106 = arith.constant 16 : i32
        %add3A_107 = vector.broadcast %add3A_106 : i32 to vector<16xi32>
        %add3A_108 = arith.addi %add3A_102, %add3A_107 : vector<16xi32>
        %select_n3A_109 = arith.select %lt3A_105, %add3A_108, %add3A_102 : vector<16xi1>, vector<16xi32>
        %broadcast_in_dim3A_110 = vector.shape_cast %select_n3A_109 : vector<16xi32> to vector<16x1xi32>
        %gather3A_111 = vector.shape_cast %broadcast_in_dim3A_110 : vector<16x1xi32> to vector<16xi32>
        %gather3A_112 = tpu.dynamic_gather %select_n3A_72[%gather3A_111] in [0] : vector<16xf32>, vector<16xi32> -> vector<16xf32>
        %get3A_113 = arith.index_cast %scan3A_58 : i32 to index
        %get3A_114 = arith.constant 16 : index
        %get3A_115 = tpu.vector_load %arg12[%get3A_113, %get3A_114] {strides = array<i32>} : memref<128x64xf32, #tpu.memory_space<vmem>>, vector<16xf32>,
        %mul3A_116 = arith.mulf %get3A_115, %gather3A_112 : vector<16xf32>
        %swap3A_117 = arith.index_cast %scan3A_58 : i32 to index
        %swap3A_118 = arith.constant 16 : index
        %swap3A_119 = tpu.vector_load %arg16[%swap3A_117, %swap3A_118] {strides = array<i32>} : memref<128x80xf32, #tpu.memory_space<vmem>>, vector<16xf32>,
        tpu.vector_store %arg16[%swap3A_117, %swap3A_118], %mul3A_116 {strides = array<i32>} : memref<128x80xf32, #tpu.memory_space<vmem>>, vector<16xf32>,
        %broadcast_in_dim3A_120 = arith.constant 1 : i32
        %broadcast_in_dim3A_121 = vector.broadcast %broadcast_in_dim3A_120 : i32 to vector<16xi32>
        %mul3A_122 = arith.constant 2 : i32
        %mul3A_123 = arith.muli %mul3A_122, %arg0 : i32
        %add3A_124 = vector.broadcast %mul3A_123 : i32 to vector<16xi32>
        %add3A_125 = arith.addi %broadcast_in_dim3A_121, %add3A_124 : vector<16xi32>
        %lt3A_126 = arith.constant 0 : i32
        %lt3A_127 = vector.broadcast %lt3A_126 : i32 to vector<16xi32>
        %lt3A_128 = arith.cmpi slt, %add3A_125, %lt3A_127 : vector<16xi32>
        %add3A_129 = arith.constant 16 : i32
        %add3A_130 = vector.broadcast %add3A_129 : i32 to vector<16xi32>
        %add3A_131 = arith.addi %add3A_125, %add3A_130 : vector<16xi32>
        %select_n3A_132 = arith.select %lt3A_128, %add3A_131, %add3A_125 : vector<16xi1>, vector<16xi32>
        %broadcast_in_dim3A_133 = vector.shape_cast %select_n3A_132 : vector<16xi32> to vector<16x1xi32>
        %gather3A_134 = vector.shape_cast %broadcast_in_dim3A_133 : vector<16x1xi32> to vector<16xi32>
        %gather3A_135 = tpu.dynamic_gather %select_n3A_72[%gather3A_134] in [0] : vector<16xf32>, vector<16xi32> -> vector<16xf32>
        %get3A_136 = arith.index_cast %scan3A_58 : i32 to index
        %get3A_137 = arith.constant 32 : index
        %get3A_138 = tpu.vector_load %arg12[%get3A_136, %get3A_137] {strides = array<i32>} : memref<128x64xf32, #tpu.memory_space<vmem>>, vector<16xf32>,
        %mul3A_139 = arith.mulf %get3A_138, %gather3A_135 : vector<16xf32>
        %swap3A_140 = arith.index_cast %scan3A_58 : i32 to index
        %swap3A_141 = arith.constant 32 : index
        %swap3A_142 = tpu.vector_load %arg16[%swap3A_140, %swap3A_141] {strides = array<i32>} : memref<128x80xf32, #tpu.memory_space<vmem>>, vector<16xf32>,
        tpu.vector_store %arg16[%swap3A_140, %swap3A_141], %mul3A_139 {strides = array<i32>} : memref<128x80xf32, #tpu.memory_space<vmem>>, vector<16xf32>,
        %broadcast_in_dim3A_143 = arith.constant 1 : i32
        %broadcast_in_dim3A_144 = vector.broadcast %broadcast_in_dim3A_143 : i32 to vector<16xi32>
        %mul3A_145 = arith.constant 2 : i32
        %mul3A_146 = arith.muli %mul3A_145, %arg0 : i32
        %add3A_147 = vector.broadcast %mul3A_146 : i32 to vector<16xi32>
        %add3A_148 = arith.addi %broadcast_in_dim3A_144, %add3A_147 : vector<16xi32>
        %lt3A_149 = arith.constant 0 : i32
        %lt3A_150 = vector.broadcast %lt3A_149 : i32 to vector<16xi32>
        %lt3A_151 = arith.cmpi slt, %add3A_148, %lt3A_150 : vector<16xi32>
        %add3A_152 = arith.constant 16 : i32
        %add3A_153 = vector.broadcast %add3A_152 : i32 to vector<16xi32>
        %add3A_154 = arith.addi %add3A_148, %add3A_153 : vector<16xi32>
        %select_n3A_155 = arith.select %lt3A_151, %add3A_154, %add3A_148 : vector<16xi1>, vector<16xi32>
        %broadcast_in_dim3A_156 = vector.shape_cast %select_n3A_155 : vector<16xi32> to vector<16x1xi32>
        %gather3A_157 = vector.shape_cast %broadcast_in_dim3A_156 : vector<16x1xi32> to vector<16xi32>
        %gather3A_158 = tpu.dynamic_gather %select_n3A_72[%gather3A_157] in [0] : vector<16xf32>, vector<16xi32> -> vector<16xf32>
        %get3A_159 = arith.index_cast %scan3A_58 : i32 to index
        %get3A_160 = arith.constant 48 : index
        %get3A_161 = tpu.vector_load %arg12[%get3A_159, %get3A_160] {strides = array<i32>} : memref<128x64xf32, #tpu.memory_space<vmem>>, vector<16xf32>,
        %mul3A_162 = arith.mulf %get3A_161, %gather3A_158 : vector<16xf32>
        %swap3A_163 = arith.index_cast %scan3A_58 : i32 to index
        %swap3A_164 = arith.constant 48 : index
        %swap3A_165 = tpu.vector_load %arg16[%swap3A_163, %swap3A_164] {strides = array<i32>} : memref<128x80xf32, #tpu.memory_space<vmem>>, vector<16xf32>,
        tpu.vector_store %arg16[%swap3A_163, %swap3A_164], %mul3A_162 {strides = array<i32>} : memref<128x80xf32, #tpu.memory_space<vmem>>, vector<16xf32>,
      }
      %scan3A_57 = arith.constant 128 : i32
      "tpu.region"() ({
        %run_scoped3A = tpu.sem_alloc : memref<!tpu.dma_semaphore, #tpu.memory_space<semaphore_mem>>
        %dma_start3A_58 = arith.constant 0 : i32
        %dma_start3A_59 = arith.constant 0 : i32
        %dma_start3A_60 = tpu.memref_slice %arg17[%dma_start3A_58, %dma_start3A_59] : memref<10000x80xf32, #tpu.memory_space<vmem_shared>> -> memref<10000x80xf32, #tpu.memory_space<vmem_shared>>
        tpu.enqueue_indirect_dma source(%arg16 : memref<128x80xf32, #tpu.memory_space<vmem>>) target(%dma_start3A_60 : memref<10000x80xf32, #tpu.memory_space<vmem_shared>>) offsets(%arg11 : memref<128xi32, #tpu.memory_space<vmem>>) semaphore(%run_scoped3A : memref<!tpu.dma_semaphore, #tpu.memory_space<semaphore_mem>>) {add = true}
        %dma_wait3A_61 = arith.constant 0 : i32
        %dma_wait3A_62 = arith.constant 0 : i32
        %dma_wait3A_63 = tpu.memref_slice %arg17[%dma_wait3A_61, %dma_wait3A_62] : memref<10000x80xf32, #tpu.memory_space<vmem_shared>> -> memref<10000x80xf32, #tpu.memory_space<vmem_shared>>
        tpu.wait_indirect_dma semaphore(%run_scoped3A : memref<!tpu.dma_semaphore, #tpu.memory_space<semaphore_mem>>) src(%arg16 : memref<128x80xf32, #tpu.memory_space<vmem>>) dst(%dma_wait3A_63 : memref<10000x80xf32, #tpu.memory_space<vmem_shared>>)
        tpu.yield
      }) : () -> ()
    } else {
    }
    %barrier3A_14 = arith.constant 0 : index
    tpu.barrier barrier_id(%barrier3A_14)
    %mul3A_15 = arith.constant 624 : i32
    %mul3A_16 = arith.muli %arg1, %mul3A_15 : i32
    %mul3A_17 = arith.constant 624 : i32
    %mul3A_18 = arith.muli %arg1, %mul3A_17 : i32
    "tpu.region"() ({
      %run_scoped3A = tpu.sem_alloc : memref<!tpu.dma_semaphore, #tpu.memory_space<semaphore_mem>>
      %dma_start3A = arith.constant 0 : i32
      %dma_start3A_24 = tpu.memref_slice %arg8[%arg0, %mul3A_18, %dma_start3A] : memref<2x10000x80xf32, #tpu.memory_space<hbm>> -> memref<1x624x80xf32, #tpu.memory_space<hbm>>
      %dma_start3A_25 = tpu.memref_squeeze %dma_start3A_24 : memref<1x624x80xf32, #tpu.memory_space<hbm>> -> memref<624x80xf32, #tpu.memory_space<hbm>>
      %dma_start3A_26 = arith.constant 0 : i32
      %dma_start3A_27 = tpu.memref_slice %arg17[%mul3A_16, %dma_start3A_26] : memref<10000x80xf32, #tpu.memory_space<vmem_shared>> -> memref<624x80xf32, #tpu.memory_space<vmem_shared>>
      tpu.enqueue_dma source(%dma_start3A_27 : memref<624x80xf32, #tpu.memory_space<vmem_shared>>) target(%dma_start3A_25 : memref<624x80xf32, #tpu.memory_space<hbm>>) target_semaphore(%run_scoped3A : memref<!tpu.dma_semaphore, #tpu.memory_space<semaphore_mem>>)
      %dma_wait3A = arith.constant 0 : i32
      %dma_wait3A_28 = tpu.memref_slice %arg8[%arg0, %mul3A_18, %dma_wait3A] : memref<2x10000x80xf32, #tpu.memory_space<hbm>> -> memref<1x624x80xf32, #tpu.memory_space<hbm>>
      %dma_wait3A_29 = tpu.memref_squeeze %dma_wait3A_28 : memref<1x624x80xf32, #tpu.memory_space<hbm>> -> memref<624x80xf32, #tpu.memory_space<hbm>>
      %dma_wait3A_30 = arith.constant 0 : i32
      %dma_wait3A_31 = tpu.memref_slice %arg17[%mul3A_16, %dma_wait3A_30] : memref<10000x80xf32, #tpu.memory_space<vmem_shared>> -> memref<624x80xf32, #tpu.memory_space<vmem_shared>>
      tpu.wait_dma2 semaphore(%run_scoped3A : memref<!tpu.dma_semaphore, #tpu.memory_space<semaphore_mem>>) src(%dma_wait3A_31 : memref<624x80xf32, #tpu.memory_space<vmem_shared>>) dst(%dma_wait3A_29 : memref<624x80xf32, #tpu.memory_space<hbm>>)
      tpu.yield
    }) : () -> ()
    %eq3A_19 = arith.constant 0 : i32
    %eq3A_20 = arith.cmpi eq, %arg1, %eq3A_19 : i32
    %convert_element_type3A_21 = arith.extui %eq3A_20 : i1 to i32
    %cond3A_22 = arith.constant 0 : i32
    %cond3A_23 = arith.cmpi ne, %convert_element_type3A_21, %cond3A_22 : i32
    scf.if %cond3A_23 {
      "tpu.region"() ({
        %run_scoped3A = tpu.sem_alloc : memref<!tpu.dma_semaphore, #tpu.memory_space<semaphore_mem>>
        %dma_start3A = arith.constant 9984 : i32
        %dma_start3A_24 = arith.constant 0 : i32
        %dma_start3A_25 = tpu.memref_slice %arg8[%arg0, %dma_start3A, %dma_start3A_24] : memref<2x10000x80xf32, #tpu.memory_space<hbm>> -> memref<1x16x80xf32, #tpu.memory_space<hbm>>
        %dma_start3A_26 = tpu.memref_squeeze %dma_start3A_25 : memref<1x16x80xf32, #tpu.memory_space<hbm>> -> memref<16x80xf32, #tpu.memory_space<hbm>>
        %dma_start3A_27 = arith.constant 9984 : i32
        %dma_start3A_28 = arith.constant 0 : i32
        %dma_start3A_29 = tpu.memref_slice %arg17[%dma_start3A_27, %dma_start3A_28] : memref<10000x80xf32, #tpu.memory_space<vmem_shared>> -> memref<16x80xf32, #tpu.memory_space<vmem_shared>>
        tpu.enqueue_dma source(%dma_start3A_29 : memref<16x80xf32, #tpu.memory_space<vmem_shared>>) target(%dma_start3A_26 : memref<16x80xf32, #tpu.memory_space<hbm>>) target_semaphore(%run_scoped3A : memref<!tpu.dma_semaphore, #tpu.memory_space<semaphore_mem>>)
        %dma_wait3A = arith.constant 9984 : i32
        %dma_wait3A_30 = arith.constant 0 : i32
        %dma_wait3A_31 = tpu.memref_slice %arg8[%arg0, %dma_wait3A, %dma_wait3A_30] : memref<2x10000x80xf32, #tpu.memory_space<hbm>> -> memref<1x16x80xf32, #tpu.memory_space<hbm>>
        %dma_wait3A_32 = tpu.memref_squeeze %dma_wait3A_31 : memref<1x16x80xf32, #tpu.memory_space<hbm>> -> memref<16x80xf32, #tpu.memory_space<hbm>>
        %dma_wait3A_33 = arith.constant 9984 : i32
        %dma_wait3A_34 = arith.constant 0 : i32
        %dma_wait3A_35 = tpu.memref_slice %arg17[%dma_wait3A_33, %dma_wait3A_34] : memref<10000x80xf32, #tpu.memory_space<vmem_shared>> -> memref<16x80xf32, #tpu.memory_space<vmem_shared>>
        tpu.wait_dma2 semaphore(%run_scoped3A : memref<!tpu.dma_semaphore, #tpu.memory_space<semaphore_mem>>) src(%dma_wait3A_35 : memref<16x80xf32, #tpu.memory_space<vmem_shared>>) dst(%dma_wait3A_32 : memref<16x80xf32, #tpu.memory_space<hbm>>)
        tpu.yield
      }) : () -> ()
    } else {
    }
    return
  }
}

module attributes {stable_mosaic.version = 14 : i64} {
  func.func @_d1_body(%arg0: i32, %arg1: memref<1000x128xf32, #tpu.memory_space<vmem>>, %arg2: memref<128x128xf32, #tpu.memory_space<vmem>>, %arg3: memref<128x8xf32, #tpu.memory_space<vmem>>, %arg4: memref<1000x128xf32, #tpu.memory_space<vmem>>, %arg5: memref<2x1000x64xf32, #tpu.memory_space<vmem>>, %arg6: memref<1000x8xf32, #tpu.memory_space<vmem>>) attributes {dimension_semantics = [#tpu.dimension_semantics<arbitrary>], iteration_bounds = array<i64: 10>, scalar_prefetch = 0 : i64, scratch_operands = 0 : i64, tpu.core_type = #tpu.core_type<tc>, window_params = [{transform_indices = @transform_0, window_bounds = array<i64: 1000, 128>}, {pipeline_mode = #tpu.pipeline_mode<synchronous>, transform_indices = @transform_1, window_bounds = array<i64: 128, 128>}, {pipeline_mode = #tpu.pipeline_mode<synchronous>, transform_indices = @transform_2, window_bounds = array<i64: 128, 8>}, {transform_indices = @transform_3, window_bounds = array<i64: 1000, 128>}, {transform_indices = @transform_4, window_bounds = array<i64: 2, 1000, 64>}, {transform_indices = @transform_5, window_bounds = array<i64: 1000, 8>}]} {
    %get3A = arith.constant 0 : index
    %get3A_0 = arith.constant 0 : index
    %get3A_1 = vector.load %arg1[%get3A, %get3A_0] : memref<1000x128xf32, #tpu.memory_space<vmem>>, vector<1000x128xf32>
    %get3A_2 = arith.constant 0 : index
    %get3A_3 = arith.constant 0 : index
    %get3A_4 = vector.load %arg2[%get3A_2, %get3A_3] : memref<128x128xf32, #tpu.memory_space<vmem>>, vector<128x128xf32>
    %dot_general3A = arith.constant dense<0.000000e+00> : vector<1000x128xf32>
    %dot_general3A_5 = tpu.matmul %get3A_1, %get3A_4, %dot_general3A {dimension_numbers = #tpu.dot_dimension_numbers<[1], [0], [0], [1], [0, 0, 1, 1], [], []>, transpose_lhs_hint = false} : vector<1000x128xf32>, vector<128x128xf32>, vector<1000x128xf32> -> vector<1000x128xf32>
    %swap3A = arith.constant 0 : index
    %swap3A_6 = arith.constant 0 : index
    %swap3A_7 = vector.load %arg4[%swap3A, %swap3A_6] : memref<1000x128xf32, #tpu.memory_space<vmem>>, vector<1000x128xf32>
    tpu.vector_store %arg4[%swap3A, %swap3A_6], %dot_general3A_5 {strides = array<i32>} : memref<1000x128xf32, #tpu.memory_space<vmem>>, vector<1000x128xf32>,
    %slice3A = vector.extract_strided_slice %dot_general3A_5 {offsets = [0, 0], sizes = [1000, 64], strides = [1, 1]} : vector<1000x128xf32> to vector<1000x64xf32>
    %swap3A_8 = arith.constant 0 : index
    %swap3A_9 = arith.constant 0 : index
    %swap3A_10 = arith.constant 0 : index
    %swap3A_11 = vector.load %arg5[%swap3A_8, %swap3A_9, %swap3A_10] : memref<2x1000x64xf32, #tpu.memory_space<vmem>>, vector<1x1000x64xf32>
    %swap3A_12 = vector.shape_cast %swap3A_11 : vector<1x1000x64xf32> to vector<1000x64xf32>
    %swap3A_13 = vector.shape_cast %slice3A : vector<1000x64xf32> to vector<1x1000x64xf32>
    tpu.vector_store %arg5[%swap3A_8, %swap3A_9, %swap3A_10], %swap3A_13 {strides = array<i32>} : memref<2x1000x64xf32, #tpu.memory_space<vmem>>, vector<1x1000x64xf32>,
    %slice3A_14 = vector.extract_strided_slice %dot_general3A_5 {offsets = [0, 64], sizes = [1000, 64], strides = [1, 1]} : vector<1000x128xf32> to vector<1000x64xf32>
    %swap3A_15 = arith.constant 1 : index
    %swap3A_16 = arith.constant 0 : index
    %swap3A_17 = arith.constant 0 : index
    %swap3A_18 = vector.load %arg5[%swap3A_15, %swap3A_16, %swap3A_17] : memref<2x1000x64xf32, #tpu.memory_space<vmem>>, vector<1x1000x64xf32>
    %swap3A_19 = vector.shape_cast %swap3A_18 : vector<1x1000x64xf32> to vector<1000x64xf32>
    %swap3A_20 = vector.shape_cast %slice3A_14 : vector<1000x64xf32> to vector<1x1000x64xf32>
    tpu.vector_store %arg5[%swap3A_15, %swap3A_16, %swap3A_17], %swap3A_20 {strides = array<i32>} : memref<2x1000x64xf32, #tpu.memory_space<vmem>>, vector<1x1000x64xf32>,
    %get3A_21 = arith.constant 0 : index
    %get3A_22 = arith.constant 0 : index
    %get3A_23 = vector.load %arg3[%get3A_21, %get3A_22] : memref<128x8xf32, #tpu.memory_space<vmem>>, vector<128x8xf32>
    %dot_general3A_24 = arith.constant dense<0.000000e+00> : vector<1000x8xf32>
    %dot_general3A_25 = tpu.matmul %dot_general3A_5, %get3A_23, %dot_general3A_24 {dimension_numbers = #tpu.dot_dimension_numbers<[1], [0], [0], [1], [0, 0, 1, 1], [], []>, transpose_lhs_hint = false} : vector<1000x128xf32>, vector<128x8xf32>, vector<1000x8xf32> -> vector<1000x8xf32>
    %swap3A_26 = arith.constant 0 : index
    %swap3A_27 = arith.constant 0 : index
    %swap3A_28 = vector.load %arg6[%swap3A_26, %swap3A_27] : memref<1000x8xf32, #tpu.memory_space<vmem>>, vector<1000x8xf32>
    tpu.vector_store %arg6[%swap3A_26, %swap3A_27], %dot_general3A_25 {strides = array<i32>} : memref<1000x8xf32, #tpu.memory_space<vmem>>, vector<1000x8xf32>,
    return
  }
  func.func @transform_0(%arg0: i32) -> (i32, i32) {
    %c0_i32 = arith.constant 0 : i32
    %c0_i32_0 = arith.constant 0 : i32
    return %arg0, %c0_i32 : i32, i32
  }
  func.func @transform_1(%arg0: i32) -> (i32, i32) {
    %c0_i32 = arith.constant 0 : i32
    %c0_i32_0 = arith.constant 0 : i32
    %c0_i32_1 = arith.constant 0 : i32
    return %c0_i32, %c0_i32_0 : i32, i32
  }
  func.func @transform_2(%arg0: i32) -> (i32, i32) {
    %c0_i32 = arith.constant 0 : i32
    %c0_i32_0 = arith.constant 0 : i32
    %c0_i32_1 = arith.constant 0 : i32
    return %c0_i32, %c0_i32_0 : i32, i32
  }
  func.func @transform_3(%arg0: i32) -> (i32, i32) {
    %c0_i32 = arith.constant 0 : i32
    %c0_i32_0 = arith.constant 0 : i32
    return %arg0, %c0_i32 : i32, i32
  }
  func.func @transform_4(%arg0: i32) -> (i32, i32, i32) {
    %c0_i32 = arith.constant 0 : i32
    %c0_i32_0 = arith.constant 0 : i32
    %c0_i32_1 = arith.constant 0 : i32
    return %c0_i32, %arg0, %c0_i32_0 : i32, i32, i32
  }
  func.func @transform_5(%arg0: i32) -> (i32, i32) {
    %c0_i32 = arith.constant 0 : i32
    %c0_i32_0 = arith.constant 0 : i32
    return %arg0, %c0_i32 : i32, i32
  }
}

module attributes {stable_mosaic.version = 14 : i64} {
  func.func @_d2_body(%arg0: i32, %arg1: memref<1000x80xf32, #tpu.memory_space<vmem>>, %arg2: memref<1000x80xf32, #tpu.memory_space<vmem>>, %arg3: memref<1000x128xf32, #tpu.memory_space<vmem>>, %arg4: memref<1000x8xf32, #tpu.memory_space<vmem>>, %arg5: memref<128x128xf32, #tpu.memory_space<vmem>>, %arg6: memref<128x8xf32, #tpu.memory_space<vmem>>, %arg7: memref<80x128xf32, #tpu.memory_space<vmem>>, %arg8: memref<80x128xf32, #tpu.memory_space<vmem>>, %arg9: memref<80x128xf32, #tpu.memory_space<vmem>>, %arg10: memref<8x128xf32, #tpu.memory_space<vmem>>, %arg11: memref<1x128xf32, #tpu.memory_space<vmem>>, %arg12: memref<1000x128xf32, #tpu.memory_space<vmem>>, %arg13: memref<2x1000x64xf32, #tpu.memory_space<vmem>>, %arg14: memref<1000x8xf32, #tpu.memory_space<vmem>>) attributes {dimension_semantics = [#tpu.dimension_semantics<arbitrary>], iteration_bounds = array<i64: 10>, scalar_prefetch = 0 : i64, scratch_operands = 0 : i64, tpu.core_type = #tpu.core_type<tc>, window_params = [{transform_indices = @transform_0, window_bounds = array<i64: 1000, 80>}, {transform_indices = @transform_1, window_bounds = array<i64: 1000, 80>}, {transform_indices = @transform_2, window_bounds = array<i64: 1000, 128>}, {transform_indices = @transform_3, window_bounds = array<i64: 1000, 8>}, {pipeline_mode = #tpu.pipeline_mode<synchronous>, transform_indices = @transform_4, window_bounds = array<i64: 128, 128>}, {pipeline_mode = #tpu.pipeline_mode<synchronous>, transform_indices = @transform_5, window_bounds = array<i64: 128, 8>}, {pipeline_mode = #tpu.pipeline_mode<synchronous>, transform_indices = @transform_6, window_bounds = array<i64: 80, 128>}, {pipeline_mode = #tpu.pipeline_mode<synchronous>, transform_indices = @transform_7, window_bounds = array<i64: 80, 128>}, {pipeline_mode = #tpu.pipeline_mode<synchronous>, transform_indices = @transform_8, window_bounds = array<i64: 80, 128>}, {pipeline_mode = #tpu.pipeline_mode<synchronous>, transform_indices = @transform_9, window_bounds = array<i64: 8, 128>}, {pipeline_mode = #tpu.pipeline_mode<synchronous>, transform_indices = @transform_10, window_bounds = array<i64: 1, 128>}, {transform_indices = @transform_11, window_bounds = array<i64: 1000, 128>}, {transform_indices = @transform_12, window_bounds = array<i64: 2, 1000, 64>}, {transform_indices = @transform_13, window_bounds = array<i64: 1000, 8>}]} {
    %get3A = arith.constant 0 : index
    %get3A_0 = arith.constant 0 : index
    %get3A_1 = vector.load %arg1[%get3A, %get3A_0] : memref<1000x80xf32, #tpu.memory_space<vmem>>, vector<1000x80xf32>
    %get3A_2 = arith.constant 0 : index
    %get3A_3 = arith.constant 0 : index
    %get3A_4 = vector.load %arg2[%get3A_2, %get3A_3] : memref<1000x80xf32, #tpu.memory_space<vmem>>, vector<1000x80xf32>
    %get3A_5 = arith.constant 0 : index
    %get3A_6 = arith.constant 0 : index
    %get3A_7 = vector.load %arg7[%get3A_5, %get3A_6] : memref<80x128xf32, #tpu.memory_space<vmem>>, vector<80x128xf32>
    %dot_general3A = arith.constant dense<0.000000e+00> : vector<1000x128xf32>
    %dot_general3A_8 = tpu.matmul %get3A_1, %get3A_7, %dot_general3A {dimension_numbers = #tpu.dot_dimension_numbers<[1], [0], [0], [1], [0, 0, 1, 1], [], []>, transpose_lhs_hint = false} : vector<1000x80xf32>, vector<80x128xf32>, vector<1000x128xf32> -> vector<1000x128xf32>
    %get3A_9 = arith.constant 0 : index
    %get3A_10 = arith.constant 0 : index
    %get3A_11 = vector.load %arg8[%get3A_9, %get3A_10] : memref<80x128xf32, #tpu.memory_space<vmem>>, vector<80x128xf32>
    %dot_general3A_12 = arith.constant dense<0.000000e+00> : vector<1000x128xf32>
    %dot_general3A_13 = tpu.matmul %get3A_4, %get3A_11, %dot_general3A_12 {dimension_numbers = #tpu.dot_dimension_numbers<[1], [0], [0], [1], [0, 0, 1, 1], [], []>, transpose_lhs_hint = false} : vector<1000x80xf32>, vector<80x128xf32>, vector<1000x128xf32> -> vector<1000x128xf32>
    %add3A = arith.addf %dot_general3A_8, %dot_general3A_13 : vector<1000x128xf32>
    %get3A_14 = arith.constant 0 : index
    %get3A_15 = arith.constant 0 : index
    %get3A_16 = vector.load %arg9[%get3A_14, %get3A_15] : memref<80x128xf32, #tpu.memory_space<vmem>>, vector<80x128xf32>
    %dot_general3A_17 = arith.constant dense<0.000000e+00> : vector<1000x128xf32>
    %dot_general3A_18 = tpu.matmul %get3A_1, %get3A_16, %dot_general3A_17 {dimension_numbers = #tpu.dot_dimension_numbers<[1], [0], [0], [1], [0, 0, 1, 1], [], []>, transpose_lhs_hint = false} : vector<1000x80xf32>, vector<80x128xf32>, vector<1000x128xf32> -> vector<1000x128xf32>
    %get3A_19 = arith.constant 0 : index
    %get3A_20 = arith.constant 0 : index
    %get3A_21 = vector.load %arg4[%get3A_19, %get3A_20] : memref<1000x8xf32, #tpu.memory_space<vmem>>, vector<1000x8xf32>
    %get3A_22 = arith.constant 0 : index
    %get3A_23 = arith.constant 0 : index
    %get3A_24 = vector.load %arg10[%get3A_22, %get3A_23] : memref<8x128xf32, #tpu.memory_space<vmem>>, vector<8x128xf32>
    %dot_general3A_25 = arith.constant dense<0.000000e+00> : vector<1000x128xf32>
    %dot_general3A_26 = tpu.matmul %get3A_21, %get3A_24, %dot_general3A_25 {dimension_numbers = #tpu.dot_dimension_numbers<[1], [0], [0], [1], [0, 0, 1, 1], [], []>, transpose_lhs_hint = false} : vector<1000x8xf32>, vector<8x128xf32>, vector<1000x128xf32> -> vector<1000x128xf32>
    %mul3A = arith.constant 2.000000e-01 : f32
    %mul3A_27 = vector.broadcast %mul3A : f32 to vector<1000x128xf32>
    %mul3A_28 = arith.mulf %mul3A_27, %dot_general3A_26 : vector<1000x128xf32>
    %max3A = arith.maximumf %dot_general3A_26, %mul3A_28 : vector<1000x128xf32>
    %exp3A = math.exp %max3A : vector<1000x128xf32>
    %get3A_29 = arith.constant 0 : index
    %get3A_30 = arith.constant 0 : index
    %get3A_31 = vector.load %arg3[%get3A_29, %get3A_30] : memref<1000x128xf32, #tpu.memory_space<vmem>>, vector<1000x128xf32>
    %mul3A_32 = arith.mulf %exp3A, %get3A_31 : vector<1000x128xf32>
    %add3A_33 = arith.addf %add3A, %mul3A_32 : vector<1000x128xf32>
    %add3A_34 = arith.addf %dot_general3A_18, %exp3A : vector<1000x128xf32>
    %add3A_35 = arith.constant 1.000000e-16 : f32
    %add3A_36 = vector.broadcast %add3A_35 : f32 to vector<1000x128xf32>
    %add3A_37 = arith.addf %add3A_34, %add3A_36 : vector<1000x128xf32>
    %div3A = arith.divf %add3A_33, %add3A_37 : vector<1000x128xf32>
    %get3A_38 = arith.constant 0 : index
    %get3A_39 = arith.constant 0 : index
    %get3A_40 = vector.load %arg11[%get3A_38, %get3A_39] : memref<1x128xf32, #tpu.memory_space<vmem>>, vector<1x128xf32>
    %add3A_41 = vector.broadcast %get3A_40 : vector<1x128xf32> to vector<1000x128xf32>
    %add3A_42 = arith.addf %div3A, %add3A_41 : vector<1000x128xf32>
    %max3A_43 = arith.constant 0.000000e+00 : f32
    %max3A_44 = vector.broadcast %max3A_43 : f32 to vector<1000x128xf32>
    %max3A_45 = arith.maximumf %add3A_42, %max3A_44 : vector<1000x128xf32>
    %get3A_46 = arith.constant 0 : index
    %get3A_47 = arith.constant 0 : index
    %get3A_48 = vector.load %arg5[%get3A_46, %get3A_47] : memref<128x128xf32, #tpu.memory_space<vmem>>, vector<128x128xf32>
    %dot_general3A_49 = arith.constant dense<0.000000e+00> : vector<1000x128xf32>
    %dot_general3A_50 = tpu.matmul %max3A_45, %get3A_48, %dot_general3A_49 {dimension_numbers = #tpu.dot_dimension_numbers<[1], [0], [0], [1], [0, 0, 1, 1], [], []>, transpose_lhs_hint = false} : vector<1000x128xf32>, vector<128x128xf32>, vector<1000x128xf32> -> vector<1000x128xf32>
    %swap3A = arith.constant 0 : index
    %swap3A_51 = arith.constant 0 : index
    %swap3A_52 = vector.load %arg12[%swap3A, %swap3A_51] : memref<1000x128xf32, #tpu.memory_space<vmem>>, vector<1000x128xf32>
    tpu.vector_store %arg12[%swap3A, %swap3A_51], %dot_general3A_50 {strides = array<i32>} : memref<1000x128xf32, #tpu.memory_space<vmem>>, vector<1000x128xf32>,
    %slice3A = vector.extract_strided_slice %dot_general3A_50 {offsets = [0, 0], sizes = [1000, 64], strides = [1, 1]} : vector<1000x128xf32> to vector<1000x64xf32>
    %swap3A_53 = arith.constant 0 : index
    %swap3A_54 = arith.constant 0 : index
    %swap3A_55 = arith.constant 0 : index
    %swap3A_56 = vector.load %arg13[%swap3A_53, %swap3A_54, %swap3A_55] : memref<2x1000x64xf32, #tpu.memory_space<vmem>>, vector<1x1000x64xf32>
    %swap3A_57 = vector.shape_cast %swap3A_56 : vector<1x1000x64xf32> to vector<1000x64xf32>
    %swap3A_58 = vector.shape_cast %slice3A : vector<1000x64xf32> to vector<1x1000x64xf32>
    tpu.vector_store %arg13[%swap3A_53, %swap3A_54, %swap3A_55], %swap3A_58 {strides = array<i32>} : memref<2x1000x64xf32, #tpu.memory_space<vmem>>, vector<1x1000x64xf32>,
    %slice3A_59 = vector.extract_strided_slice %dot_general3A_50 {offsets = [0, 64], sizes = [1000, 64], strides = [1, 1]} : vector<1000x128xf32> to vector<1000x64xf32>
    %swap3A_60 = arith.constant 1 : index
    %swap3A_61 = arith.constant 0 : index
    %swap3A_62 = arith.constant 0 : index
    %swap3A_63 = vector.load %arg13[%swap3A_60, %swap3A_61, %swap3A_62] : memref<2x1000x64xf32, #tpu.memory_space<vmem>>, vector<1x1000x64xf32>
    %swap3A_64 = vector.shape_cast %swap3A_63 : vector<1x1000x64xf32> to vector<1000x64xf32>
    %swap3A_65 = vector.shape_cast %slice3A_59 : vector<1000x64xf32> to vector<1x1000x64xf32>
    tpu.vector_store %arg13[%swap3A_60, %swap3A_61, %swap3A_62], %swap3A_65 {strides = array<i32>} : memref<2x1000x64xf32, #tpu.memory_space<vmem>>, vector<1x1000x64xf32>,
    %get3A_66 = arith.constant 0 : index
    %get3A_67 = arith.constant 0 : index
    %get3A_68 = vector.load %arg6[%get3A_66, %get3A_67] : memref<128x8xf32, #tpu.memory_space<vmem>>, vector<128x8xf32>
    %dot_general3A_69 = arith.constant dense<0.000000e+00> : vector<1000x8xf32>
    %dot_general3A_70 = tpu.matmul %dot_general3A_50, %get3A_68, %dot_general3A_69 {dimension_numbers = #tpu.dot_dimension_numbers<[1], [0], [0], [1], [0, 0, 1, 1], [], []>, transpose_lhs_hint = false} : vector<1000x128xf32>, vector<128x8xf32>, vector<1000x8xf32> -> vector<1000x8xf32>
    %swap3A_71 = arith.constant 0 : index
    %swap3A_72 = arith.constant 0 : index
    %swap3A_73 = vector.load %arg14[%swap3A_71, %swap3A_72] : memref<1000x8xf32, #tpu.memory_space<vmem>>, vector<1000x8xf32>
    tpu.vector_store %arg14[%swap3A_71, %swap3A_72], %dot_general3A_70 {strides = array<i32>} : memref<1000x8xf32, #tpu.memory_space<vmem>>, vector<1000x8xf32>,
    return
  }
  func.func @transform_0(%arg0: i32) -> (i32, i32) {
    %c0_i32 = arith.constant 0 : i32
    %c0_i32_0 = arith.constant 0 : i32
    return %arg0, %c0_i32 : i32, i32
  }
  func.func @transform_1(%arg0: i32) -> (i32, i32) {
    %c0_i32 = arith.constant 0 : i32
    %c0_i32_0 = arith.constant 0 : i32
    return %arg0, %c0_i32 : i32, i32
  }
  func.func @transform_2(%arg0: i32) -> (i32, i32) {
    %c0_i32 = arith.constant 0 : i32
    %c0_i32_0 = arith.constant 0 : i32
    return %arg0, %c0_i32 : i32, i32
  }
  func.func @transform_3(%arg0: i32) -> (i32, i32) {
    %c0_i32 = arith.constant 0 : i32
    %c0_i32_0 = arith.constant 0 : i32
    return %arg0, %c0_i32 : i32, i32
  }
  func.func @transform_4(%arg0: i32) -> (i32, i32) {
    %c0_i32 = arith.constant 0 : i32
    %c0_i32_0 = arith.constant 0 : i32
    %c0_i32_1 = arith.constant 0 : i32
    return %c0_i32, %c0_i32_0 : i32, i32
  }
  func.func @transform_5(%arg0: i32) -> (i32, i32) {
    %c0_i32 = arith.constant 0 : i32
    %c0_i32_0 = arith.constant 0 : i32
    %c0_i32_1 = arith.constant 0 : i32
    return %c0_i32, %c0_i32_0 : i32, i32
  }
  func.func @transform_6(%arg0: i32) -> (i32, i32) {
    %c0_i32 = arith.constant 0 : i32
    %c0_i32_0 = arith.constant 0 : i32
    %c0_i32_1 = arith.constant 0 : i32
    return %c0_i32, %c0_i32_0 : i32, i32
  }
  func.func @transform_7(%arg0: i32) -> (i32, i32) {
    %c0_i32 = arith.constant 0 : i32
    %c0_i32_0 = arith.constant 0 : i32
    %c0_i32_1 = arith.constant 0 : i32
    return %c0_i32, %c0_i32_0 : i32, i32
  }
  func.func @transform_8(%arg0: i32) -> (i32, i32) {
    %c0_i32 = arith.constant 0 : i32
    %c0_i32_0 = arith.constant 0 : i32
    %c0_i32_1 = arith.constant 0 : i32
    return %c0_i32, %c0_i32_0 : i32, i32
  }
  func.func @transform_9(%arg0: i32) -> (i32, i32) {
    %c0_i32 = arith.constant 0 : i32
    %c0_i32_0 = arith.constant 0 : i32
    %c0_i32_1 = arith.constant 0 : i32
    return %c0_i32, %c0_i32_0 : i32, i32
  }
  func.func @transform_10(%arg0: i32) -> (i32, i32) {
    %c0_i32 = arith.constant 0 : i32
    %c0_i32_0 = arith.constant 0 : i32
    %c0_i32_1 = arith.constant 0 : i32
    return %c0_i32, %c0_i32_0 : i32, i32
  }
  func.func @transform_11(%arg0: i32) -> (i32, i32) {
    %c0_i32 = arith.constant 0 : i32
    %c0_i32_0 = arith.constant 0 : i32
    return %arg0, %c0_i32 : i32, i32
  }
  func.func @transform_12(%arg0: i32) -> (i32, i32, i32) {
    %c0_i32 = arith.constant 0 : i32
    %c0_i32_0 = arith.constant 0 : i32
    %c0_i32_1 = arith.constant 0 : i32
    return %c0_i32, %arg0, %c0_i32_0 : i32, i32, i32
  }
  func.func @transform_13(%arg0: i32) -> (i32, i32) {
    %c0_i32 = arith.constant 0 : i32
    %c0_i32_0 = arith.constant 0 : i32
    return %arg0, %c0_i32 : i32, i32
  }
}

module attributes {stable_mosaic.version = 14 : i64} {
  func.func @_d3_body(%arg0: i32, %arg1: memref<1000x80xf32, #tpu.memory_space<vmem>>, %arg2: memref<1000x80xf32, #tpu.memory_space<vmem>>, %arg3: memref<1000x128xf32, #tpu.memory_space<vmem>>, %arg4: memref<1000x8xf32, #tpu.memory_space<vmem>>, %arg5: memref<80x128xf32, #tpu.memory_space<vmem>>, %arg6: memref<80x128xf32, #tpu.memory_space<vmem>>, %arg7: memref<80x128xf32, #tpu.memory_space<vmem>>, %arg8: memref<8x128xf32, #tpu.memory_space<vmem>>, %arg9: memref<1x128xf32, #tpu.memory_space<vmem>>, %arg10: memref<1x128xf32, #tpu.memory_space<vmem>>, %arg11: memref<1x128xf32, #tpu.memory_space<vmem>>, %arg12: memref<1x128xf32, #tpu.memory_space<vmem>>) attributes {dimension_semantics = [#tpu.dimension_semantics<arbitrary>], iteration_bounds = array<i64: 10>, scalar_prefetch = 0 : i64, scratch_operands = 0 : i64, tpu.core_type = #tpu.core_type<tc>, window_params = [{transform_indices = @transform_0, window_bounds = array<i64: 1000, 80>}, {transform_indices = @transform_1, window_bounds = array<i64: 1000, 80>}, {transform_indices = @transform_2, window_bounds = array<i64: 1000, 128>}, {transform_indices = @transform_3, window_bounds = array<i64: 1000, 8>}, {pipeline_mode = #tpu.pipeline_mode<synchronous>, transform_indices = @transform_4, window_bounds = array<i64: 80, 128>}, {pipeline_mode = #tpu.pipeline_mode<synchronous>, transform_indices = @transform_5, window_bounds = array<i64: 80, 128>}, {pipeline_mode = #tpu.pipeline_mode<synchronous>, transform_indices = @transform_6, window_bounds = array<i64: 80, 128>}, {pipeline_mode = #tpu.pipeline_mode<synchronous>, transform_indices = @transform_7, window_bounds = array<i64: 8, 128>}, {pipeline_mode = #tpu.pipeline_mode<synchronous>, transform_indices = @transform_8, window_bounds = array<i64: 1, 128>}, {pipeline_mode = #tpu.pipeline_mode<synchronous>, transform_indices = @transform_9, window_bounds = array<i64: 1, 128>}, {pipeline_mode = #tpu.pipeline_mode<synchronous>, transform_indices = @transform_10, window_bounds = array<i64: 1, 128>}, {pipeline_mode = #tpu.pipeline_mode<synchronous>, transform_indices = @transform_11, window_bounds = array<i64: 1, 128>}]} {
    %get3A = arith.constant 0 : index
    %get3A_0 = arith.constant 0 : index
    %get3A_1 = vector.load %arg1[%get3A, %get3A_0] : memref<1000x80xf32, #tpu.memory_space<vmem>>, vector<1000x80xf32>
    %get3A_2 = arith.constant 0 : index
    %get3A_3 = arith.constant 0 : index
    %get3A_4 = vector.load %arg2[%get3A_2, %get3A_3] : memref<1000x80xf32, #tpu.memory_space<vmem>>, vector<1000x80xf32>
    %get3A_5 = arith.constant 0 : index
    %get3A_6 = arith.constant 0 : index
    %get3A_7 = vector.load %arg5[%get3A_5, %get3A_6] : memref<80x128xf32, #tpu.memory_space<vmem>>, vector<80x128xf32>
    %dot_general3A = arith.constant dense<0.000000e+00> : vector<1000x128xf32>
    %dot_general3A_8 = tpu.matmul %get3A_1, %get3A_7, %dot_general3A {dimension_numbers = #tpu.dot_dimension_numbers<[1], [0], [0], [1], [0, 0, 1, 1], [], []>, transpose_lhs_hint = false} : vector<1000x80xf32>, vector<80x128xf32>, vector<1000x128xf32> -> vector<1000x128xf32>
    %get3A_9 = arith.constant 0 : index
    %get3A_10 = arith.constant 0 : index
    %get3A_11 = vector.load %arg6[%get3A_9, %get3A_10] : memref<80x128xf32, #tpu.memory_space<vmem>>, vector<80x128xf32>
    %dot_general3A_12 = arith.constant dense<0.000000e+00> : vector<1000x128xf32>
    %dot_general3A_13 = tpu.matmul %get3A_4, %get3A_11, %dot_general3A_12 {dimension_numbers = #tpu.dot_dimension_numbers<[1], [0], [0], [1], [0, 0, 1, 1], [], []>, transpose_lhs_hint = false} : vector<1000x80xf32>, vector<80x128xf32>, vector<1000x128xf32> -> vector<1000x128xf32>
    %add3A = arith.addf %dot_general3A_8, %dot_general3A_13 : vector<1000x128xf32>
    %get3A_14 = arith.constant 0 : index
    %get3A_15 = arith.constant 0 : index
    %get3A_16 = vector.load %arg7[%get3A_14, %get3A_15] : memref<80x128xf32, #tpu.memory_space<vmem>>, vector<80x128xf32>
    %dot_general3A_17 = arith.constant dense<0.000000e+00> : vector<1000x128xf32>
    %dot_general3A_18 = tpu.matmul %get3A_1, %get3A_16, %dot_general3A_17 {dimension_numbers = #tpu.dot_dimension_numbers<[1], [0], [0], [1], [0, 0, 1, 1], [], []>, transpose_lhs_hint = false} : vector<1000x80xf32>, vector<80x128xf32>, vector<1000x128xf32> -> vector<1000x128xf32>
    %get3A_19 = arith.constant 0 : index
    %get3A_20 = arith.constant 0 : index
    %get3A_21 = vector.load %arg4[%get3A_19, %get3A_20] : memref<1000x8xf32, #tpu.memory_space<vmem>>, vector<1000x8xf32>
    %get3A_22 = arith.constant 0 : index
    %get3A_23 = arith.constant 0 : index
    %get3A_24 = vector.load %arg8[%get3A_22, %get3A_23] : memref<8x128xf32, #tpu.memory_space<vmem>>, vector<8x128xf32>
    %dot_general3A_25 = arith.constant dense<0.000000e+00> : vector<1000x128xf32>
    %dot_general3A_26 = tpu.matmul %get3A_21, %get3A_24, %dot_general3A_25 {dimension_numbers = #tpu.dot_dimension_numbers<[1], [0], [0], [1], [0, 0, 1, 1], [], []>, transpose_lhs_hint = false} : vector<1000x8xf32>, vector<8x128xf32>, vector<1000x128xf32> -> vector<1000x128xf32>
    %mul3A = arith.constant 2.000000e-01 : f32
    %mul3A_27 = vector.broadcast %mul3A : f32 to vector<1000x128xf32>
    %mul3A_28 = arith.mulf %mul3A_27, %dot_general3A_26 : vector<1000x128xf32>
    %max3A = arith.maximumf %dot_general3A_26, %mul3A_28 : vector<1000x128xf32>
    %exp3A = math.exp %max3A : vector<1000x128xf32>
    %get3A_29 = arith.constant 0 : index
    %get3A_30 = arith.constant 0 : index
    %get3A_31 = vector.load %arg3[%get3A_29, %get3A_30] : memref<1000x128xf32, #tpu.memory_space<vmem>>, vector<1000x128xf32>
    %mul3A_32 = arith.mulf %exp3A, %get3A_31 : vector<1000x128xf32>
    %add3A_33 = arith.addf %add3A, %mul3A_32 : vector<1000x128xf32>
    %add3A_34 = arith.addf %dot_general3A_18, %exp3A : vector<1000x128xf32>
    %add3A_35 = arith.constant 1.000000e-16 : f32
    %add3A_36 = vector.broadcast %add3A_35 : f32 to vector<1000x128xf32>
    %add3A_37 = arith.addf %add3A_34, %add3A_36 : vector<1000x128xf32>
    %div3A = arith.divf %add3A_33, %add3A_37 : vector<1000x128xf32>
    %get3A_38 = arith.constant 0 : index
    %get3A_39 = arith.constant 0 : index
    %get3A_40 = vector.load %arg9[%get3A_38, %get3A_39] : memref<1x128xf32, #tpu.memory_space<vmem>>, vector<1x128xf32>
    %add3A_41 = vector.broadcast %get3A_40 : vector<1x128xf32> to vector<1000x128xf32>
    %add3A_42 = arith.addf %div3A, %add3A_41 : vector<1000x128xf32>
    %reduce_sum3A = arith.constant dense<0.000000e+00> : vector<1000xf32>
    %reduce_sum3A_43 = vector.multi_reduction <add>, %add3A_42, %reduce_sum3A [1] : vector<1000x128xf32> to vector<1000xf32>
    %broadcast_in_dim3A = vector.shape_cast %reduce_sum3A_43 : vector<1000xf32> to vector<1000x1xf32>
    %div3A_44 = arith.constant 1.280000e+02 : f32
    %div3A_45 = vector.broadcast %div3A_44 : f32 to vector<1000x1xf32>
    %div3A_46 = arith.divf %broadcast_in_dim3A, %div3A_45 : vector<1000x1xf32>
    %sub3A = vector.broadcast %div3A_46 : vector<1000x1xf32> to vector<1000x128xf32>
    %sub3A_47 = arith.subf %add3A_42, %sub3A : vector<1000x128xf32>
    %integer_pow3A = arith.mulf %sub3A_47, %sub3A_47 : vector<1000x128xf32>
    %reduce_sum3A_48 = arith.constant dense<0.000000e+00> : vector<1000xf32>
    %reduce_sum3A_49 = vector.multi_reduction <add>, %integer_pow3A, %reduce_sum3A_48 [1] : vector<1000x128xf32> to vector<1000xf32>
    %broadcast_in_dim3A_50 = vector.shape_cast %reduce_sum3A_49 : vector<1000xf32> to vector<1000x1xf32>
    %div3A_51 = arith.constant 1.280000e+02 : f32
    %div3A_52 = vector.broadcast %div3A_51 : f32 to vector<1000x1xf32>
    %div3A_53 = arith.divf %broadcast_in_dim3A_50, %div3A_52 : vector<1000x1xf32>
    %sub3A_54 = vector.broadcast %div3A_46 : vector<1000x1xf32> to vector<1000x128xf32>
    %sub3A_55 = arith.subf %add3A_42, %sub3A_54 : vector<1000x128xf32>
    %add3A_56 = arith.constant 9.99999974E-6 : f32
    %add3A_57 = vector.broadcast %add3A_56 : f32 to vector<1000x1xf32>
    %add3A_58 = arith.addf %div3A_53, %add3A_57 : vector<1000x1xf32>
    %sqrt3A = math.sqrt %add3A_58 : vector<1000x1xf32>
    %div3A_59 = vector.broadcast %sqrt3A : vector<1000x1xf32> to vector<1000x128xf32>
    %div3A_60 = arith.divf %sub3A_55, %div3A_59 : vector<1000x128xf32>
    %get3A_61 = arith.constant 0 : index
    %get3A_62 = arith.constant 0 : index
    %get3A_63 = vector.load %arg10[%get3A_61, %get3A_62] : memref<1x128xf32, #tpu.memory_space<vmem>>, vector<1x128xf32>
    %mul3A_64 = vector.broadcast %get3A_63 : vector<1x128xf32> to vector<1000x128xf32>
    %mul3A_65 = arith.mulf %div3A_60, %mul3A_64 : vector<1000x128xf32>
    %get3A_66 = arith.constant 0 : index
    %get3A_67 = arith.constant 0 : index
    %get3A_68 = vector.load %arg11[%get3A_66, %get3A_67] : memref<1x128xf32, #tpu.memory_space<vmem>>, vector<1x128xf32>
    %add3A_69 = vector.broadcast %get3A_68 : vector<1x128xf32> to vector<1000x128xf32>
    %add3A_70 = arith.addf %mul3A_65, %add3A_69 : vector<1000x128xf32>
    %reduce_sum3A_71 = arith.constant dense<0.000000e+00> : vector<128xf32>
    %reduce_sum3A_72 = vector.multi_reduction <add>, %add3A_70, %reduce_sum3A_71 [0] : vector<1000x128xf32> to vector<128xf32>
    %broadcast_in_dim3A_73 = vector.shape_cast %reduce_sum3A_72 : vector<128xf32> to vector<1x128xf32>
    %mul3A_74 = arith.constant 9.99999974E-5 : f32
    %mul3A_75 = vector.broadcast %mul3A_74 : f32 to vector<1x128xf32>
    %mul3A_76 = arith.mulf %broadcast_in_dim3A_73, %mul3A_75 : vector<1x128xf32>
    %eq3A = arith.constant 0 : i32
    %eq3A_77 = arith.cmpi eq, %arg0, %eq3A : i32
    %convert_element_type3A = arith.extui %eq3A_77 : i1 to i32
    %cond3A = arith.constant 0 : i32
    %cond3A_78 = arith.cmpi ne, %convert_element_type3A, %cond3A : i32
    scf.if %cond3A_78 {
      %swap3A = arith.constant 0 : index
      %swap3A_83 = arith.constant 0 : index
      %swap3A_84 = vector.load %arg12[%swap3A, %swap3A_83] : memref<1x128xf32, #tpu.memory_space<vmem>>, vector<1x128xf32>
      tpu.vector_store %arg12[%swap3A, %swap3A_83], %mul3A_76 {strides = array<i32>} : memref<1x128xf32, #tpu.memory_space<vmem>>, vector<1x128xf32>,
    } else {
    }
    %ne3A = arith.constant 0 : i32
    %ne3A_79 = arith.cmpi ne, %arg0, %ne3A : i32
    %convert_element_type3A_80 = arith.extui %ne3A_79 : i1 to i32
    %cond3A_81 = arith.constant 0 : i32
    %cond3A_82 = arith.cmpi ne, %convert_element_type3A_80, %cond3A_81 : i32
    scf.if %cond3A_82 {
      %get3A_83 = arith.constant 0 : index
      %get3A_84 = arith.constant 0 : index
      %get3A_85 = vector.load %arg12[%get3A_83, %get3A_84] : memref<1x128xf32, #tpu.memory_space<vmem>>, vector<1x128xf32>
      %add3A_86 = arith.addf %get3A_85, %mul3A_76 : vector<1x128xf32>
      %swap3A = arith.constant 0 : index
      %swap3A_87 = arith.constant 0 : index
      %swap3A_88 = vector.load %arg12[%swap3A, %swap3A_87] : memref<1x128xf32, #tpu.memory_space<vmem>>, vector<1x128xf32>
      tpu.vector_store %arg12[%swap3A, %swap3A_87], %add3A_86 {strides = array<i32>} : memref<1x128xf32, #tpu.memory_space<vmem>>, vector<1x128xf32>,
    } else {
    }
    return
  }
  func.func @transform_0(%arg0: i32) -> (i32, i32) {
    %c0_i32 = arith.constant 0 : i32
    %c0_i32_0 = arith.constant 0 : i32
    return %arg0, %c0_i32 : i32, i32
  }
  func.func @transform_1(%arg0: i32) -> (i32, i32) {
    %c0_i32 = arith.constant 0 : i32
    %c0_i32_0 = arith.constant 0 : i32
    return %arg0, %c0_i32 : i32, i32
  }
  func.func @transform_2(%arg0: i32) -> (i32, i32) {
    %c0_i32 = arith.constant 0 : i32
    %c0_i32_0 = arith.constant 0 : i32
    return %arg0, %c0_i32 : i32, i32
  }
  func.func @transform_3(%arg0: i32) -> (i32, i32) {
    %c0_i32 = arith.constant 0 : i32
    %c0_i32_0 = arith.constant 0 : i32
    return %arg0, %c0_i32 : i32, i32
  }
  func.func @transform_4(%arg0: i32) -> (i32, i32) {
    %c0_i32 = arith.constant 0 : i32
    %c0_i32_0 = arith.constant 0 : i32
    %c0_i32_1 = arith.constant 0 : i32
    return %c0_i32, %c0_i32_0 : i32, i32
  }
  func.func @transform_5(%arg0: i32) -> (i32, i32) {
    %c0_i32 = arith.constant 0 : i32
    %c0_i32_0 = arith.constant 0 : i32
    %c0_i32_1 = arith.constant 0 : i32
    return %c0_i32, %c0_i32_0 : i32, i32
  }
  func.func @transform_6(%arg0: i32) -> (i32, i32) {
    %c0_i32 = arith.constant 0 : i32
    %c0_i32_0 = arith.constant 0 : i32
    %c0_i32_1 = arith.constant 0 : i32
    return %c0_i32, %c0_i32_0 : i32, i32
  }
  func.func @transform_7(%arg0: i32) -> (i32, i32) {
    %c0_i32 = arith.constant 0 : i32
    %c0_i32_0 = arith.constant 0 : i32
    %c0_i32_1 = arith.constant 0 : i32
    return %c0_i32, %c0_i32_0 : i32, i32
  }
  func.func @transform_8(%arg0: i32) -> (i32, i32) {
    %c0_i32 = arith.constant 0 : i32
    %c0_i32_0 = arith.constant 0 : i32
    %c0_i32_1 = arith.constant 0 : i32
    return %c0_i32, %c0_i32_0 : i32, i32
  }
  func.func @transform_9(%arg0: i32) -> (i32, i32) {
    %c0_i32 = arith.constant 0 : i32
    %c0_i32_0 = arith.constant 0 : i32
    %c0_i32_1 = arith.constant 0 : i32
    return %c0_i32, %c0_i32_0 : i32, i32
  }
  func.func @transform_10(%arg0: i32) -> (i32, i32) {
    %c0_i32 = arith.constant 0 : i32
    %c0_i32_0 = arith.constant 0 : i32
    %c0_i32_1 = arith.constant 0 : i32
    return %c0_i32, %c0_i32_0 : i32, i32
  }
  func.func @transform_11(%arg0: i32) -> (i32, i32) {
    %c0_i32 = arith.constant 0 : i32
    %c0_i32_0 = arith.constant 0 : i32
    %c0_i32_1 = arith.constant 0 : i32
    return %c0_i32, %c0_i32_0 : i32, i32
  }
}

</mosaic_0001>

<sc_bundles>
// kernel: kernel.10.cloned.1.call-start
scs
__scs_entry_jumppad:
0x0: {  	(pc) =	sbr.rel $0x88, $3  }
0x1: {  	(tag) =	ssettag $0x0;
	lr =	simm.s32 $0x1  }
0x2: {  	[smem:$0x3F95] =	sst lr;
	_ =	strace $0xD0000000  }
0x3: {  	_ = 	snop  }
0x4: {  	_ = 	snop  }
0x5: {  	_ = 	snop  }
0x6: {  	_ = 	snop  }
0x7: {  	_ = 	snop  }
__scs_overlays_trampoline_lowered:
0x8: {  	[smem:$0x3FA4] =	sst s0  }
0x9: {  	[smem:$0x3FA5] =	sst s1  }
0xa: {  	[smem:$0x3FA6] =	sst s2  }
0xb: {  	[smem:$0x3FA7] =	sst s3  }
0xc: {  	[smem:$0x3FA8] =	sst s4  }
0xd: {  	[smem:$0x3FA9] =	sst s5  }
0xe: {  	[smem:$0x3FAA] =	sst s6  }
0xf: {  	[smem:$0x3FAB] =	sst s7  }
0x10: {  	[smem:$0x3FAC] =	sst s8  }
0x11: {  	[smem:$0x3FAD] =	sst s9;
	s0 =	simm.s32 @!p0 $0x0  }
0x12: {  	s1 =	sld [smem:$0x3F93];
	s0 =	simm.s32 @p0 $0x1  }
0x13: {  	[smem:$0x3FAE] =	sst s0;
	s0 =	simm.s32 @!p1 $0x0  }
0x14: {  	s2 =	sld [smem:$0x3F92];
	s0 =	simm.s32 @p1 $0x1  }
0x15: {  	[smem:$0x3FAF] =	sst s0;
	s0 =	simm.s32 @!p2 $0x0  }
0x16: {  	s3 =	sld [smem:$0x3FDB];
	s0 =	simm.s32 @p2 $0x1  }
0x17: {  	s4 =	simm.s32 $0x1BF5;
	[smem:$0x3FB1] =	sst s0  }
0x18: {  	s0 =	sld [smem:$0x3F94];
	_ =	swait.ge [sflag:s4], $0x0  }
0x19: {  	s7 =	sld [smem:$0x3F95]  }
0x1a: {  	s8 =	sadd.s32 $0xFFFFE003, lr  }
0x1b: {  	s9 =	sadd.s32 $0xFFFFFEF7, lr;
	s5 =	simm.s32 $0xFFFFFFFF;
	p2 =	slt.u32 s8, $0xFFFFF086  }
0x1c: {  	p1 =	slt.u32 s9, $0xF7A;
	s5 =	simm.s32 @!p2 $0x0  }
0x1d: {  	s5 =	simm.s32 @p1 $0x1;
	p0 =	seq.s32 s7, s2  }
0x1e: {  	s7 =	smul.u32 @!p0 $0xF7A, s2;
	p2 =	seq.s32 @!p0 s5, $0x0  }
0x1f: {  	s9 =	smul.u32 $0xF7A, s1;
	s8 =	simm.s32 @!p0 $0x1BF5;
	p2 =	por !p2, p0  }
0x20: {  	[sflag:s8] =	ssyncset.s32 @!p0 $0xFFFFF086;
	s6 =	sadd.s32 @!p0 s3, s7;
	s7 =	simm.s32 @!p0 $0x108  }
0x21: {  	s3 =	sadd.s32 s3, s9;
	s6 =	sadd.s32 @!p0 $0x88, s6;
	s7 =	simm.s32 @p2 $0x1082  }
0x22: {  	[simem:s7], [sflag:s8] =	dma.local @!p0 [hbm:s6], $0xF7A  }
0x23: {  	s9 =	sor.u32 $0xD0000000, s2;
	s6 =	simm.s32 $0x108;
	_ =	swait.ge @!p0 [sflag:s8], $0x0  }
0x24: {  	s3 =	sadd.s32 $0x88, s3;
	s6 =	simm.s32 @!p1 $0x1082;
	[sflag:s4] =	ssyncset.s32 $0xFFFFF086  }
0x25: {  	[simem:s6], [sflag:s4] =	dma.local [hbm:s3], $0xF7A  }
0x26: {  	[smem:$0x3F95] =	sst s1;
	(tag) =	ssettag s2;
	_ =	strace s9  }
0x27: {  	s1 =	sld [smem:$0x3FA5]  }
0x28: {  	s2 =	sld [smem:$0x3FA6]  }
0x29: {  	s4 =	sld [smem:$0x3FA8]  }
0x2a: {  	p0 =	seq.s32 s5, $0x0;
	s5 =	sld [smem:$0x3FA9]  }
0x2b: {  	s6 =	sld [smem:$0x3FAA]  }
0x2c: {  	s7 =	sld [smem:$0x3FAB]  }
0x2d: {  	s3 =	simm.s32 $0x108;
	s8 =	sld [smem:$0x3FAC]  }
0x2e: {  	s3 =	simm.s32 @!p0 $0x1082;
	s9 =	sld [smem:$0x3FAD]  }
0x2f: {  	lr =	sadd.s32 s0, s3;
	s0 =	sld [smem:$0x3FA4]  }
0x30: {  	s3 =	sld [smem:$0x3FA7]  }
0x31: {  	[smem:$0x3FB0] =	sst s10  }
0x32: {  	s10 =	sld [smem:$0x3FAE];
	_ =	sdelay $0x3  }
0x33: {  	p0 =	seq.s32 s10, $0x1;
	s10 =	sld [smem:$0x3FB0];
	_ =	sdelay $0x3  }
0x34: {  	[smem:$0x3FB0] =	sst s10  }
0x35: {  	s10 =	sld [smem:$0x3FAF];
	_ =	sdelay $0x3  }
0x36: {  	p1 =	seq.s32 s10, $0x1;
	s10 =	sld [smem:$0x3FB0];
	_ =	sdelay $0x3  }
0x37: {  	[smem:$0x3FB0] =	sst s10  }
0x38: {  	s10 =	sld [smem:$0x3FB1]  }
0x39: {  	_ = 	snop;
	(pc) =	sbr.ind lr, $3  }
0x3a: {  	_ = 	snop  }
0x3b: {  	_ = 	snop  }
0x3c: {  	p2 =	seq.s32 s10, $0x1;
	s10 =	sld [smem:$0x3FB0]  }
0x3d: {  	_ =	shalt  }
0x3e: {  	_ =	shalt  }
0x3f: {  	_ =	shalt  }
0x40: {  	_ =	shalt  }
0x41: {  	_ =	shalt  }
0x42: {  	_ =	shalt  }
0x43: {  	_ =	shalt  }
0x44: {  	_ =	shalt  }
0x45: {  	_ =	shalt  }
0x46: {  	_ =	shalt  }
0x47: {  	_ =	shalt  }
0x48: {  	_ =	shalt  }
0x49: {  	_ =	shalt  }
0x4a: {  	_ =	shalt  }
0x4b: {  	_ =	shalt  }
0x4c: {  	_ =	shalt  }
0x4d: {  	_ =	shalt  }
0x4e: {  	_ =	shalt  }
0x4f: {  	_ =	shalt  }
0x50: {  	_ =	shalt  }
0x51: {  	_ =	shalt  }
0x52: {  	_ =	shalt  }
0x53: {  	_ =	shalt  }
0x54: {  	_ =	shalt  }
0x55: {  	_ =	shalt  }
0x56: {  	_ =	shalt  }
0x57: {  	_ =	shalt  }
0x58: {  	_ =	shalt  }
0x59: {  	_ =	shalt  }
0x5a: {  	_ =	shalt  }
0x5b: {  	_ =	shalt  }
0x5c: {  	_ =	shalt  }
0x5d: {  	_ =	shalt  }
0x5e: {  	_ =	shalt  }
0x5f: {  	_ =	shalt  }
0x60: {  	_ =	shalt  }
0x61: {  	_ =	shalt  }
0x62: {  	_ =	shalt  }
0x63: {  	_ =	shalt  }
0x64: {  	_ =	shalt  }
0x65: {  	_ =	shalt  }
0x66: {  	_ =	shalt  }
0x67: {  	_ =	shalt  }
0x68: {  	_ =	shalt  }
0x69: {  	_ =	shalt  }
0x6a: {  	_ =	shalt  }
0x6b: {  	_ =	shalt  }
0x6c: {  	_ =	shalt  }
0x6d: {  	_ =	shalt  }
0x6e: {  	_ =	shalt  }
0x6f: {  	_ =	shalt  }
0x70: {  	_ =	shalt  }
0x71: {  	_ =	shalt  }
0x72: {  	_ =	shalt  }
0x73: {  	_ =	shalt  }
0x74: {  	_ =	shalt  }
0x75: {  	_ =	shalt  }
0x76: {  	_ =	shalt  }
0x77: {  	_ =	shalt  }
0x78: {  	_ =	shalt  }
0x79: {  	_ =	shalt  }
0x7a: {  	_ =	shalt  }
0x7b: {  	_ =	shalt  }
0x7c: {  	_ =	shalt  }
0x7d: {  	_ =	shalt  }
0x7e: {  	_ =	shalt  }
0x7f: {  	_ =	shalt  }
0x80: {  	_ =	shalt  }
0x81: {  	_ =	shalt  }
0x82: {  	_ =	shalt  }
0x83: {  	_ =	shalt  }
0x84: {  	_ =	shalt  }
0x85: {  	_ =	shalt  }
0x86: {  	_ =	shalt  }
0x87: {  	_ =	shalt  }
.Lfunc_end0:
.L_simem_size_0:
called_computation.1_lowered:
.L_overlay_start_0:
0x88: {  	s2 =	sld [smem:$0x3FD9]  }
0x89: {  	s3 =	sld [smem:$0x3FFE];
	_ =	sdelay $0x1  }
0x8a: {  	s1 =	srdreg.scid  }
0x8b: {  	s0 =	sand.u32 $0x1, s1  }
0x8c: {  	s16 =	sshll.u32 s0, $0xA;
	s2 =	sadd.s32 s3, s2  }
0x8d: {  	s2 =	sadd.s32 s2, s16  }
0x8e: {  	[smem:$0x3FBC] =	sst s2  }
0x8f: {  	_ = 	snop  }
0x90: {  	(tm) =	ssettm $0x1  }
0x91: {  	s17 =	sld [smem:$0x3FFB];
	_ =	sdelay $0x3  }
0x92: {  	_ =	strace s17  }
0x93: {  	s2 =	sld [smem:$0x3FFC];
	_ =	sdelay $0x3  }
0x94: {  	_ =	strace s2  }
0x95: {  	s2 =	sld [smem:$0x3FFD];
	_ =	sdelay $0x3  }
0x96: {  	_ =	strace s2  }
0x97: {  	_ =	strace $0x8FFFFFFF  }
0x98: {  	s18 =	sld [smem:$0x3FDB];
	_ =	sdelay $0x1  }
0x99: {  	s19 =	simm.s32 $_scs_section_size  }
0x9a: {  	s4 =	simm.s32 $_size__tile_overlayer_lowered;
	s5 =	simm.s32 $_tile_overlayer_lowered  }
0x9b: {  	s22 =	simm.s32 $0x1BFF;
	s21 =	sshll.u32 s5, $0x1;
	s2 =	sadd.s32 s19, s18  }
0x9c: {  	s6 =	simm.s32 $0x0;
	s20 =	sshll.u32 s4, $0x1;
	s4 =	sadd.s32 s21, s2  }
0x9d: {  	[timem:s6], [sflag:s22] =	dma.local [hbm:s4], s20  }
0x9e: {  	_ =	swait.ge [sflag:s22], s20  }
0x9f: {  	s3 =	ssub.s32 $0x0, s20;
	[sflag:s22] =	ssyncset.done $0x0  }
0xa0: {  	[sflag:s22] =	ssyncadd.s32 s3;
	_ =	sdelay $0x1  }
0xa1: {  	s23 =	simm.s32 $0x1B8B  }
0xa2: {  	_ =	swait.ge [sflag:s23], $0x1  }
0xa3: {  	[sflag:s23] =	ssyncset.done $0x0  }
0xa4: {  	s25 =	simm.s32 $0x1B8E;
	s24 =	sld [smem:$0x3FFE];
	[sflag:s23] =	ssyncadd.s32 $0xFFFFFFFF  }
0xa5: {  	s26 =	simm.s32 $execute0_lowered;
	[smem:$0x3FD2] =	sst s25  }
0xa6: {  	s4 =	sshll.u32 s26, $0x1;
	_ =	strace $0x80000049;
	[dreg:$0x1] =	wrdreg $0xFFFFFFFF  }
0xa7: {  	s28 =	simm.s32 $_size_execute0_lowered;
	s2 =	sadd.s32 s2, s4;
	[dreg:$0x0] =	wrdreg $0x0  }
0xa8: {  	s4 =	sshll.u32 s28, $0x1;
	[dreg:$0x2] =	wrdreg s2  }
0xa9: {  	[dreg:$0x3] =	wrdreg s4  }
0xaa: {  	[dreg:$0x4] =	wrdreg $0xC0  }
0xab: {  	_ =	task [dreg:s6], $0x5FFFF  }
0xac: {  	[dreg:$0x1] =	wrdreg $0xFFFFFFFF  }
0xad: {  	[dreg:$0x0] =	wrdreg $0x60  }
0xae: {  	[dreg:$0x2] =	wrdreg s24  }
0xaf: {  	[dreg:$0x3] =	wrdreg $0x53800  }
0xb0: {  	[dreg:$0x4] =	wrdreg $0x9  }
0xb1: {  	_ =	task.clear_ibuf [dreg:s6], $0x5FFFF;
	_ =	strace $0x90000049  }
0xb2: {  	s29 =	simm.s32 $0x9;
	_ =	strace $0x8000004B  }
0xb3: {  	_ =	swait.ge [sflag:s29], $0x1  }
0xb4: {  	[sflag:s29] =	ssyncadd.s32 $0xFFFFFFFF  }
0xb5: {  	_ =	strace $0x9000004B  }
0xb6: {  	_ =	sfence  }
0xb7: {  	s30 =	sld [smem:$0x0];
	_ =	sdelay $0x2  }
0xb8: {  	s31 =	sshll.u32 s1, $0xD;
	s1 =	sshrl.u32 s1, $0x2  }
0xb9: {  	s3 =	sand.u32 $0x4000, s31;
	s1 =	sadd.s32 s1, s30  }
0xba: {  	s0 =	sor.u32 s3, s0;
	s1 =	sshll.u32 s1, $0x11  }
0xbb: {  	s0 =	sor.u32 s1, s0  }
0xbc: {  	s0 =	sadd.s32 $0x8F2B, s0  }
0xbd: {  	[sflag:s0] =	ssyncadd.remote.s32 $0x1  }
0xbe: {  	_ =	sfence.sel $0xFFFF  }
0xbf: {  	[dreg:$0x0] =	wrdreg $0xFFFFFFFF;
	(pc) =	sbr.abs _section_cstart, $3  }
0xc0: {  	[dreg:$0x1] =	wrdreg $0xFFFFFFFF  }
0xc1: {  	_ =	task.clear_ibuf [dreg:s6], $0x2FFFF;
	_ =	strace $0x9FFFFFFF  }
0xc2: {  	(tm) =	ssettm $0x7FFFFFFF  }
0xc3: {  	_ =	shalt  }
tec
execute0_lowered:
.L_overlay_start_1:
0x0: {  	(tag) =	ssettag $0x1  }
0x1: {  	s0 =	rddreg [dreg:$0x0]  }
0x2: {  	s1 =	rddreg [dreg:$0x1]  }
0x3: {  	s2 =	simm.s32 $0x0;
	s8 =	stileid.u32;
	s5 =	srdreg.scid  }
0x4: {  	s21 =	simm.s32 $0x2;
	s22 =	simm.s32 $0x80;
	s28 =	simm.s32 $0x180  }
0x5: {  	s29 =	simm.s32 $0x2980;
	s30 =	simm.s32 $0x2B80;
	[smem:$0x7FF] =	sst s2  }
0x6: {  	s3 =	sadd.s32 $0x45A00, s0;
	s4 =	sadd.s32 $0x2AA00, s0;
	s12 =	smul.u32 $0xC300, s8  }
0x7: {  	s14 =	sand.u32 $0x1, s5;
	s5 =	sadd.s32 $0xD200, s0;
	s6 =	sadd.s32 $0x17000, s0  }
0x8: {  	s7 =	sadd.s32 $0x3400, s0;
	s15 =	sadd.s32 $0x6CC00, s0;
	s24 =	sshll.u32 s8, $0x6  }
0x9: {  	s13 =	sadd.s32 $0xC3000, s1;
	p0 =	sne.s32 s8, $0x0;
	p1 =	sgt.u32 s8, $0x3  }
0xa: {  	_ =	strace $0x8000004A;
	s9 =	ssub.s32 $0x2, s14;
	[dreg:$0x4] =	wrdreg s13  }
0xb: {  	s13 =	sadd.s32 $0x45800, s0;
	s18 =	smul.u32 $0xC3500, s14;
	s10 =	sshrl.u32 s12, $0x3  }
0xc: {  	s11 =	sshrl.u32 s9, $0x1;
	s20 =	sadd.s32 s12, s1;
	s10 =	sadd.s32 s10, s0  }
0xd: {  	s16 =	ssub.s32 s9, s11;
	s9 =	sor.u32 $0x1C02, s24;
	s11 =	smul.u32 $0x4E200, s14  }
0xe: {  	s14 =	sshll.u32 s14, $0x1;
	s26 =	sadd.s32 s12, s18;
	s31 =	sshrl.u32 s18, $0x3  }
0xf: {  	s20 =	sshrl.u32 s20, $0x3;
	s23 =	sadd.s32 $0x2D200, s10;
	s10 =	sshll.u32 s8, $0x7  }
0x10: {  	s24 =	simm.s32 $0x2180;
	s12 =	sadd.s32 s15, s31;
	s25 =	sor.u32 $0x4E000, s10  }
0x11: {  	[dreg:$0x3] =	wrdreg s23;
	s18 =	sadd.s32 $0x18600, s12;
	s17 =	sshrl.u32 s25, $0x3  }
.Ltmp0:
0x12: {  	s0 =	sadd.s32 s11, s25;
	s19 =	sadd.s32 s5, s17;
	(pc) =	sbr.rel .LBB2_1-.Ltmp0, $4  }
0x13: {  	s0 =	sshrl.u32 s0, $0x3;
	s17 =	sadd.s32 s7, s17;
	[dreg:$0x5] =	wrdreg s19  }
0x14: {  	s23 =	simm.s32 $0x100;
	s0 =	sadd.s32 s6, s0;
	[dreg:$0x7] =	wrdreg s17  }
0x15: {  	v3 =	vlaneseq.u32;
	vm0 =	vmmov $0xf;
	v0 =	vmov s14;
	s25 =	simm.s32 $0x1;
	[dreg:$0x6] =	wrdreg s0;
	s0 =	sshrl.u32 s26, $0x3  }
0x16: {  	v2 =	vmul.u32 $0x8, v3;
	v3 =	vmul.u32 $0x80, v3;
	v1 =	vor.u32 $0x1, v0;
	s19 =	smax.u32 s16, $0x1;
	s26 =	simm.s32 $0x2580;
	s17 =	sadd.s32 s15, s0  }
.LBB2_13:
0x17: {  	[bflag:$0x0] =	sbarrier.arrive $0xFFFF  }
0x18: {  	[hbm:s17], [sflag:s9] =	dma.local [spmem:s20], $0x1860  }
0x19: {  	s2 =	sadd.s32 $0x1, s2;
	_ =	swait.ge [sflag:s21], $0x1860  }
0x1a: {  	p2 =	sne.s32 s2, s19;
	[sflag:s21] =	ssyncset.done $0x0  }
.Ltmp1:
0x1b: {  	s0 =	simm.s32 @!p0 $0x2;
	[sflag:s21] =	ssyncadd.s32 $0xFFFFE7A0;
	(pc) =	sbr.rel @!p2 .LBB2_14-.Ltmp1, $4  }
0x1c: {  	[hbm:s18], [sflag:s9] =	dma.local @!p0 [spmem:s31], $0xA0  }
0x1d: {  	_ =	swait.ge @!p0 [sflag:s0], $0xA0  }
0x1e: {  	[sflag:s0] =	ssyncset.done @!p0 $0x0  }
0x1f: {  	[sflag:s0] =	ssyncadd.s32 @!p0 $0xFFFFFF60  }
.LBB2_1:
0x20: {  	s0 =	rddreg [dreg:$0x3]  }
0x21: {  	[spmem:s20], [sflag:s9] =	dma.local [hbm:s0], $0x1860  }
0x22: {  	_ =	swait.ge [sflag:s21], $0x1860  }
0x23: {  	[sflag:s21] =	ssyncset.done $0x0;
	s0 =	rddreg [dreg:$0x4]  }
0x24: {  	[sflag:s21] =	ssyncadd.s32 $0xFFFFE7A0;
	s31 =	sshrl.u32 @!p0 s0, $0x3;
	s0 =	simm.s32 @!p0 $0x2  }
0x25: {  	[spmem:s31], [sflag:s9] =	dma.local @!p0 [hbm:s13], $0xA0  }
0x26: {  	_ =	swait.ge @!p0 [sflag:s0], $0xA0  }
0x27: {  	[sflag:s0] =	ssyncset.done @!p0 $0x0  }
0x28: {  	[sflag:s0] =	ssyncadd.s32 @!p0 $0xFFFFFF60  }
0x29: {  	s0 =	simm.s32 $0x0;
	[bflag:$0x0] =	sbarrier.arrive $0xFFFF  }
.LBB2_2:
0x2a: {  	s8 =	sshll.u32 s0, $0xB  }
0x2b: {  	s8 =	sor.u32 s10, s8  }
0x2c: {  	s12 =	sshrl.u32 s8, $0x3  }
0x2d: {  	s14 =	simm.s32 $0x0;
	s15 =	sadd.s32 s5, s12  }
0x2e: {  	[tilespmem:s14], [sflag:$0x2] =	stream.linear.gather [hbm4b:s15+s14], $0x80, $0x38;
	[tilespmem:$0x116D0] =	vst v63  }
0x2f: {  	s8 =	sadd.s32 s11, s8;
	_ =	swait.ge [sflag:s21], $0x80  }
0x30: {  	s8 =	sshrl.u32 s8, $0x3;
	[sflag:s21] =	ssyncset.done $0x0  }
0x31: {  	s8 =	sadd.s32 s6, s8;
	[sflag:s21] =	ssyncadd.s32 $0xFFFFFF80  }
0x32: {  	[tilespmem:s22], [sflag:$0x2] =	stream.linear.gather [hbm4b:s8+s14], $0x80, $0x38;
	[tilespmem:$0x116D0] =	vst v63  }
0x33: {  	_ =	swait.ge [sflag:s21], $0x80  }
0x34: {  	[sflag:s21] =	ssyncset.done $0x0  }
0x35: {  	s15 =	sadd.s32 s7, s12;
	[sflag:s21] =	ssyncadd.s32 $0xFFFFFF80  }
0x36: {  	[tilespmem:s23], [sflag:$0x2] =	stream.linear.gather [hbm4b:s15+s14], $0x80, $0x38;
	[tilespmem:$0x116D0] =	vst v63  }
0x37: {  	_ =	swait.ge [sflag:s21], $0x80  }
0x38: {  	[sflag:s21] =	ssyncset.done $0x0  }
0x39: {  	[sflag:s21] =	ssyncadd.s32 $0xFFFFFF80  }
0x3a: {  	[tilespmem:s24], [sflag:$0x1] =	stream.indirect.gather [hbm4b:s4+s22], $0x8, s14, s22, $0xb8;
	[tilespmem:$0x116D0] =	vst v63  }
0x3b: {  	_ =	swait.ge [sflag:s25], $0x400  }
0x3c: {  	[sflag:s25] =	ssyncset.done $0x0  }
0x3d: {  	[sflag:s25] =	ssyncadd.s32 $0xFFFFFC00  }
0x3e: {  	[tilespmem:s26], [sflag:$0x1] =	stream.indirect.gather [hbm4b:s4+s22], $0x8, s23, s22, $0xb8;
	[tilespmem:$0x116D0] =	vst v63  }
0x3f: {  	v4 =	vmov s14;
	_ =	swait.ge [sflag:s25], $0x400  }
0x40: {  	v4 =	vshll.u32 v4, $0x3;
	[sflag:s25] =	ssyncset.done $0x0  }
0x41: {  	v4 =	vor.u32 v2, v4;
	[sflag:s25] =	ssyncadd.s32 $0xFFFFFC00  }
0x42: {  	v5 =	vor.u32 $0x4, v4;
	[tilespmem:s28], [sflag:$0x1] =	stream.indirect.gather [hbm4b:s3+s22], $0x40, s22, s22, $0xb8;
	[tilespmem:$0x116D0] =	vst v63  }
0x43: {  	_ =	swait.ge [sflag:s25], $0x2000  }
0x44: {  	[sflag:s25] =	ssyncset.done $0x0  }
0x45: {  	[sflag:s25] =	ssyncadd.s32 $0xFFFFE000  }
0x46: {  	v6 =	vld.idx.msk [tilespmem:v4+s24+$0x0], $0xffff  }
0x47: {  	v5 =	vld.idx.msk [tilespmem:v5+s26+$0x0], $0xffff;
	_ =	sdelay $0x4  }
0x48: {  	v5 =	vadd.f32 v5, v6;
	_ =	sdelay $0x1  }
0x49: {  	v6 =	vmul.f32 $2.000000030e-01, v5;
	_ =	sdelay $0x1  }
0x4a: {  	v5 =	vmax.f32 v5, v6  }
0x4b: {  	v5 =	vmul.f32 $1.442695020e+00, v5;
	_ =	sdelay $0x1  }
0x4c: {  	(erf) = vpow2.f32 v5;
	_ =	sdelay $0x5  }
0x4d: {  	v5 =	vor.u32 $0x1, v4  }
0x4e: {  	v6 =	vor.u32 $0x5, v4;
	_ =	sdelay $0x1  }
0x4f: {  	s15 =	simm.s32 $0x2A80;
	v7 =	vpop (erf)  }
0x50: {  	[tilespmem:s15+$0xFFFFFF00] =	vst v7  }
0x51: {  	v5 =	vld.idx.msk [tilespmem:v5+s24+$0x0], $0xffff  }
0x52: {  	v6 =	vld.idx.msk [tilespmem:v6+s26+$0x0], $0xffff;
	_ =	sdelay $0x4  }
0x53: {  	v5 =	vadd.f32 v6, v5;
	_ =	sdelay $0x1  }
0x54: {  	v6 =	vmul.f32 $2.000000030e-01, v5;
	_ =	sdelay $0x1  }
0x55: {  	v5 =	vmax.f32 v5, v6  }
0x56: {  	v5 =	vmul.f32 $1.442695020e+00, v5;
	_ =	sdelay $0x1  }
0x57: {  	(erf) = vpow2.f32 v5;
	_ =	sdelay $0x5  }
0x58: {  	v5 =	vor.u32 $0x2, v4  }
0x59: {  	v6 =	vor.u32 $0x6, v4;
	_ =	sdelay $0x1  }
0x5a: {  	v7 =	vpop (erf)  }
0x5b: {  	[tilespmem:s15+$0xFFFFFF80] =	vst v7  }
0x5c: {  	v5 =	vld.idx.msk [tilespmem:v5+s24+$0x0], $0xffff  }
0x5d: {  	v6 =	vld.idx.msk [tilespmem:v6+s26+$0x0], $0xffff;
	_ =	sdelay $0x4  }
0x5e: {  	v5 =	vadd.f32 v6, v5;
	_ =	sdelay $0x1  }
0x5f: {  	v6 =	vmul.f32 $2.000000030e-01, v5;
	_ =	sdelay $0x1  }
0x60: {  	v5 =	vmax.f32 v5, v6  }
0x61: {  	v5 =	vmul.f32 $1.442695020e+00, v5;
	_ =	sdelay $0x1  }
0x62: {  	(erf) = vpow2.f32 v5;
	_ =	sdelay $0x5  }
0x63: {  	v5 =	vor.u32 $0x3, v4  }
0x64: {  	v4 =	vor.u32 $0x7, v4;
	_ =	sdelay $0x1  }
0x65: {  	v6 =	vpop (erf)  }
0x66: {  	[tilespmem:s15+$0x0] =	vst v6  }
0x67: {  	v5 =	vld.idx.msk [tilespmem:v5+s24+$0x0], $0xffff  }
0x68: {  	v4 =	vld.idx.msk [tilespmem:v4+s26+$0x0], $0xffff;
	_ =	sdelay $0x4  }
0x69: {  	v4 =	vadd.f32 v4, v5;
	_ =	sdelay $0x1  }
0x6a: {  	v5 =	vmul.f32 $2.000000030e-01, v4;
	_ =	sdelay $0x1  }
0x6b: {  	v4 =	vmax.f32 v4, v5  }
0x6c: {  	v4 =	vmul.f32 $1.442695020e+00, v4;
	_ =	sdelay $0x1  }
0x6d: {  	(erf) = vpow2.f32 v4;
	_ =	sdelay $0x1  }
0x6e: {  	s16 =	simm.s32 $0x10  }
0x6f: {  	v5 =	vmov s16  }
0x70: {  	v5 =	vshll.u32 v5, $0x3  }
0x71: {  	s8 =	simm.s32 $0x2A80;
	s16 =	simm.s32 $0x20;
	v4 =	vor.u32 v2, v5  }
.LBB2_3:
0x72: {  	p2 =	sne.s32 s16, $0x70  }
0x73: {  	v5 =	vor.u32 $0x4, v4;
	s15 =	sadd.s32 $0x10, s15;
	s12 =	smov.u32 s16;
	s16 =	sadd.s32 $0x10, s16  }
0x74: {  	_ = 	snop  }
0x75: {  	v6 =	vpop (erf)  }
0x76: {  	[tilespmem:s8+$0x80] =	vst v6;
	s8 =	smov.u32 s15  }
0x77: {  	v6 =	vld.idx.msk [tilespmem:v4+s24+$0x0], $0xffff  }
0x78: {  	v5 =	vld.idx.msk [tilespmem:v5+s26+$0x0], $0xffff;
	_ =	sdelay $0x5  }
0x79: {  	v5 =	vadd.f32 v5, v6;
	_ =	sdelay $0x1  }
0x7a: {  	v6 =	vmul.f32 $2.000000030e-01, v5;
	_ =	sdelay $0x1  }
0x7b: {  	v5 =	vmax.f32 v5, v6  }
0x7c: {  	v5 =	vmul.f32 $1.442695020e+00, v5;
	_ =	sdelay $0x1  }
0x7d: {  	(erf) = vpow2.f32 v5;
	_ =	sdelay $0x5  }
0x7e: {  	v6 =	vor.u32 $0x5, v4;
	v5 =	vor.u32 $0x1, v4;
	_ =	sdelay $0x2  }
0x7f: {  	v7 =	vpop (erf)  }
0x80: {  	[tilespmem:s15+$0xFFFFFF00] =	vst v7  }
0x81: {  	v5 =	vld.idx.msk [tilespmem:v5+s24+$0x0], $0xffff  }
0x82: {  	v6 =	vld.idx.msk [tilespmem:v6+s26+$0x0], $0xffff;
	_ =	sdelay $0x5  }
0x83: {  	v5 =	vadd.f32 v6, v5;
	_ =	sdelay $0x1  }
0x84: {  	v6 =	vmul.f32 $2.000000030e-01, v5;
	_ =	sdelay $0x1  }
0x85: {  	v5 =	vmax.f32 v5, v6  }
0x86: {  	v5 =	vmul.f32 $1.442695020e+00, v5;
	_ =	sdelay $0x1  }
0x87: {  	(erf) = vpow2.f32 v5;
	_ =	sdelay $0x5  }
0x88: {  	v6 =	vor.u32 $0x6, v4;
	v5 =	vor.u32 $0x2, v4;
	_ =	sdelay $0x2  }
0x89: {  	v7 =	vpop (erf)  }
0x8a: {  	[tilespmem:s15+$0xFFFFFF80] =	vst v7  }
0x8b: {  	v5 =	vld.idx.msk [tilespmem:v5+s24+$0x0], $0xffff  }
0x8c: {  	v6 =	vld.idx.msk [tilespmem:v6+s26+$0x0], $0xffff;
	_ =	sdelay $0x5  }
0x8d: {  	v5 =	vadd.f32 v6, v5;
	_ =	sdelay $0x1  }
0x8e: {  	v6 =	vmul.f32 $2.000000030e-01, v5;
	_ =	sdelay $0x1  }
0x8f: {  	v5 =	vmax.f32 v5, v6  }
0x90: {  	v5 =	vmul.f32 $1.442695020e+00, v5;
	_ =	sdelay $0x1  }
0x91: {  	(erf) = vpow2.f32 v5;
	_ =	sdelay $0x5  }
0x92: {  	v5 =	vor.u32 $0x3, v4;
	v4 =	vor.u32 $0x7, v4;
	_ =	sdelay $0x2  }
0x93: {  	v6 =	vpop (erf)  }
0x94: {  	[tilespmem:s15+$0x0] =	vst v6  }
0x95: {  	v5 =	vld.idx.msk [tilespmem:v5+s24+$0x0], $0xffff  }
0x96: {  	v4 =	vld.idx.msk [tilespmem:v4+s26+$0x0], $0xffff;
	_ =	sdelay $0x5  }
0x97: {  	v4 =	vadd.f32 v4, v5;
	_ =	sdelay $0x1  }
0x98: {  	v5 =	vmul.f32 $2.000000030e-01, v4;
	_ =	sdelay $0x1  }
0x99: {  	v4 =	vmax.f32 v4, v5  }
0x9a: {  	v4 =	vmul.f32 $1.442695020e+00, v4;
	_ =	sdelay $0x1  }
0x9b: {  	(erf) = vpow2.f32 v4;
	_ =	sdelay $0x1  }
.Ltmp2:
0x9c: {  	(pc) =	sbr.rel @p2 .LBB2_3-.Ltmp2, $4  }
0x9d: {  	_ = 	snop  }
0x9e: {  	v4 =	vmov s12  }
0x9f: {  	v4 =	vshll.u32 v4, $0x3  }
0xa0: {  	v4 =	vor.u32 v2, v4  }
0xa1: {  	v5 =	vor.u32 $0x4, v4;
	_ =	sdelay $0x1  }
0xa2: {  	v6 =	vpop (erf)  }
0xa3: {  	[tilespmem:s8+$0x80] =	vst v6  }
0xa4: {  	v6 =	vld.idx.msk [tilespmem:v4+s24+$0x0], $0xffff  }
0xa5: {  	v5 =	vld.idx.msk [tilespmem:v5+s26+$0x0], $0xffff;
	_ =	sdelay $0x4  }
0xa6: {  	v5 =	vadd.f32 v5, v6;
	_ =	sdelay $0x1  }
0xa7: {  	v6 =	vmul.f32 $2.000000030e-01, v5;
	_ =	sdelay $0x1  }
0xa8: {  	v5 =	vmax.f32 v5, v6  }
0xa9: {  	v5 =	vmul.f32 $1.442695020e+00, v5;
	_ =	sdelay $0x1  }
0xaa: {  	(erf) = vpow2.f32 v5;
	_ =	sdelay $0x5  }
0xab: {  	v5 =	vor.u32 $0x1, v4  }
0xac: {  	v6 =	vor.u32 $0x5, v4;
	_ =	sdelay $0x1  }
0xad: {  	s15 =	sadd.s32 $0x10, s15;
	v7 =	vpop (erf)  }
0xae: {  	[tilespmem:s15+$0xFFFFFF00] =	vst v7  }
0xaf: {  	v5 =	vld.idx.msk [tilespmem:v5+s24+$0x0], $0xffff  }
0xb0: {  	v6 =	vld.idx.msk [tilespmem:v6+s26+$0x0], $0xffff;
	_ =	sdelay $0x4  }
0xb1: {  	v5 =	vadd.f32 v6, v5;
	_ =	sdelay $0x1  }
0xb2: {  	v6 =	vmul.f32 $2.000000030e-01, v5;
	_ =	sdelay $0x1  }
0xb3: {  	v5 =	vmax.f32 v5, v6  }
0xb4: {  	v5 =	vmul.f32 $1.442695020e+00, v5;
	_ =	sdelay $0x1  }
0xb5: {  	(erf) = vpow2.f32 v5;
	_ =	sdelay $0x5  }
0xb6: {  	v5 =	vor.u32 $0x2, v4  }
0xb7: {  	v6 =	vor.u32 $0x6, v4;
	_ =	sdelay $0x1  }
0xb8: {  	v7 =	vpop (erf)  }
0xb9: {  	[tilespmem:s15+$0xFFFFFF80] =	vst v7  }
0xba: {  	v5 =	vld.idx.msk [tilespmem:v5+s24+$0x0], $0xffff  }
0xbb: {  	v6 =	vld.idx.msk [tilespmem:v6+s26+$0x0], $0xffff;
	_ =	sdelay $0x4  }
0xbc: {  	v5 =	vadd.f32 v6, v5;
	_ =	sdelay $0x1  }
0xbd: {  	v6 =	vmul.f32 $2.000000030e-01, v5;
	_ =	sdelay $0x1  }
0xbe: {  	v5 =	vmax.f32 v5, v6  }
0xbf: {  	v5 =	vmul.f32 $1.442695020e+00, v5;
	_ =	sdelay $0x1  }
0xc0: {  	(erf) = vpow2.f32 v5;
	_ =	sdelay $0x5  }
0xc1: {  	v5 =	vor.u32 $0x3, v4  }
0xc2: {  	v4 =	vor.u32 $0x7, v4;
	_ =	sdelay $0x1  }
0xc3: {  	v6 =	vpop (erf)  }
0xc4: {  	[tilespmem:s15+$0x0] =	vst v6  }
0xc5: {  	v5 =	vld.idx.msk [tilespmem:v5+s24+$0x0], $0xffff  }
0xc6: {  	v4 =	vld.idx.msk [tilespmem:v4+s26+$0x0], $0xffff;
	_ =	sdelay $0x4  }
0xc7: {  	v4 =	vadd.f32 v4, v5;
	_ =	sdelay $0x1  }
0xc8: {  	v5 =	vmul.f32 $2.000000030e-01, v4;
	_ =	sdelay $0x1  }
0xc9: {  	v4 =	vmax.f32 v4, v5  }
0xca: {  	v4 =	vmul.f32 $1.442695020e+00, v4;
	_ =	sdelay $0x1  }
0xcb: {  	(erf) = vpow2.f32 v4;
	_ =	sdelay $0x4  }
0xcc: {  	v4 =	vor.u32 s14, v3  }
0xcd: {  	v4 =	vnsel vm0, $0x0, v4;
	_ =	sdelay $0x2  }
0xce: {  	v5 =	vpop (erf)  }
0xcf: {  	[tilespmem:s15+$0x80] =	vst v5  }
0xd0: {  	v4 =	vld.idx.msk [tilespmem:v4+s29+$0x0], $0xffff;
	_ =	sdelay $0x4  }
0xd1: {  	s8 =	simm.s32 $0x2BA0;
	v4 =	vnsel vm0, $0x0, v4  }
0xd2: {  	s12 =	simm.s32 $0x1A0;
	[tilespmem:s8+$0x20] =	vst v4  }
0xd3: {  	v5 =	vld [tilespmem:s12+$0xFFFFFFE0];
	_ =	sdelay $0x2  }
0xd4: {  	v6 =	vperm.xlane v4, v0;
	_ =	sdelay $0x1  }
0xd5: {  	v5 =	vmul.f32 v5, v6;
	_ =	sdelay $0x1  }
0xd6: {  	[tilespmem:s8+$0xFFFFFFE0] =	vst v5  }
0xd7: {  	v5 =	vld [tilespmem:s12+$0xFFFFFFF0];
	_ =	sdelay $0x4  }
0xd8: {  	v5 =	vmul.f32 v5, v6;
	_ =	sdelay $0x1  }
0xd9: {  	[tilespmem:s8+$0xFFFFFFF0] =	vst v5  }
0xda: {  	v5 =	vld [tilespmem:s12+$0x0];
	_ =	sdelay $0x2  }
0xdb: {  	v4 =	vperm.xlane v4, v1;
	_ =	sdelay $0x1  }
0xdc: {  	v5 =	vmul.f32 v5, v4;
	_ =	sdelay $0x1  }
0xdd: {  	[tilespmem:s8+$0x0] =	vst v5  }
0xde: {  	v5 =	vld [tilespmem:s12+$0x10]  }
0xdf: {  	s16 =	simm.s32 $0x1  }
0xe0: {  	s14 =	simm.s32 $0x2;
	v6 =	vor.u32 s16, v3  }
.LBB2_5:
0xe1: {  	p2 =	sne.s32 s14, $0x7F;
	v6 =	vnsel vm0, $0x0, v6;
	_ =	sdelay $0x1  }
0xe2: {  	v4 =	vmul.f32 v5, v4;
	_ =	sdelay $0x1  }
0xe3: {  	[tilespmem:s8+$0x10] =	vst v4  }
0xe4: {  	v4 =	vld.idx.msk [tilespmem:v6+s29+$0x0], $0xffff;
	_ =	sdelay $0x5  }
0xe5: {  	s8 =	sadd.s32 $0x50, s8;
	v4 =	vnsel vm0, $0x0, v4  }
0xe6: {  	s12 =	sadd.s32 $0x40, s12;
	[tilespmem:s8+$0x20] =	vst v4  }
0xe7: {  	v5 =	vld [tilespmem:s12+$0xFFFFFFE0];
	_ =	sdelay $0x2  }
0xe8: {  	v6 =	vperm.xlane v4, v0;
	_ =	sdelay $0x1  }
0xe9: {  	v5 =	vmul.f32 v5, v6;
	_ =	sdelay $0x1  }
0xea: {  	[tilespmem:s8+$0xFFFFFFE0] =	vst v5  }
0xeb: {  	v5 =	vld [tilespmem:s12+$0xFFFFFFF0];
	_ =	sdelay $0x4  }
0xec: {  	v5 =	vmul.f32 v5, v6;
	_ =	sdelay $0x1  }
0xed: {  	[tilespmem:s8+$0xFFFFFFF0] =	vst v5  }
0xee: {  	v5 =	vld [tilespmem:s12+$0x0];
	_ =	sdelay $0x2  }
0xef: {  	v4 =	vperm.xlane v4, v1;
	_ =	sdelay $0x1  }
0xf0: {  	v5 =	vmul.f32 v5, v4  }
.Ltmp3:
0xf1: {  	(pc) =	sbr.rel @p2 .LBB2_5-.Ltmp3, $3  }
0xf2: {  	[tilespmem:s8+$0x0] =	vst v5  }
0xf3: {  	v5 =	vld [tilespmem:s12+$0x10];
	_ =	sdelay $0x1  }
0xf4: {  	v6 =	vor.u32 s14, v3;
	s14 =	sadd.s32 $0x1, s14  }
0xf5: {  	v6 =	vnsel vm0, $0x0, v6;
	_ =	sdelay $0x1  }
0xf6: {  	v4 =	vmul.f32 v5, v4;
	_ =	sdelay $0x1  }
0xf7: {  	[tilespmem:s8+$0x10] =	vst v4  }
0xf8: {  	v4 =	vld.idx.msk [tilespmem:v6+s29+$0x0], $0xffff;
	_ =	sdelay $0x4  }
0xf9: {  	s16 =	sadd.s32 $0x50, s8;
	v4 =	vnsel vm0, $0x0, v4  }
0xfa: {  	s12 =	sadd.s32 $0x40, s12;
	[tilespmem:s16+$0x20] =	vst v4  }
0xfb: {  	v5 =	vld [tilespmem:s12+$0xFFFFFFE0];
	_ =	sdelay $0x2  }
0xfc: {  	v63 =	vperm.xlane v4, v0;
	_ =	sdelay $0x1  }
0xfd: {  	v5 =	vmul.f32 v5, v63;
	_ =	sdelay $0x1  }
0xfe: {  	[tilespmem:s16+$0xFFFFFFE0] =	vst v5  }
0xff: {  	v5 =	vld [tilespmem:s12+$0xFFFFFFF0];
	_ =	sdelay $0x4  }
0x100: {  	v5 =	vmul.f32 v5, v63;
	_ =	sdelay $0x1  }
0x101: {  	[tilespmem:s16+$0xFFFFFFF0] =	vst v5  }
0x102: {  	v5 =	vld [tilespmem:s12+$0x0];
	_ =	sdelay $0x2  }
0x103: {  	v4 =	vperm.xlane v4, v1;
	_ =	sdelay $0x1  }
0x104: {  	v5 =	vmul.f32 v5, v4;
	_ =	sdelay $0x1  }
0x105: {  	[tilespmem:s16+$0x0] =	vst v5  }
0x106: {  	v5 =	vld [tilespmem:s12+$0x10];
	_ =	sdelay $0x4  }
0x107: {  	s0 =	sadd.s32 $0x1, s0;
	v4 =	vmul.f32 v5, v4  }
0x108: {  	p2 =	sne.s32 s0, $0x9C  }
.Ltmp4:
0x109: {  	[tilespmem:s16+$0x10] =	vst v4;
	(pc) =	sbr.rel @p2 .LBB2_2-.Ltmp4, $4  }
0x10a: {  	[spmem:s1] =	stream.indirect.scatter.add.f32 [tilespmem:s30], [sflag:$0x2], $0x50, s23, s22, $0xb8;
	[tilespmem:$0x116D0] =	vst v63  }
0x10b: {  	_ =	swait.ge [sflag:s21], $0x2800  }
0x10c: {  	[sflag:s21] =	ssyncset.done $0x0  }
0x10d: {  	[sflag:s21] =	ssyncadd.s32 $0xFFFFD800  }
.Ltmp5:
0x10e: {  	(pc) =	sbr.rel @p1 .LBB2_13-.Ltmp5, $1  }
0x10f: {  	_ =	sdelay $0x3  }
0x110: {  	s0 =	simm.s32 $0x0;
	s8 =	rddreg [dreg:$0x5]  }
0x111: {  	[tilespmem:s0], [sflag:$0x2] =	stream.linear.gather [hbm4b:s8+s0], $0x80, $0x38;
	[tilespmem:$0x116D0] =	vst v63  }
0x112: {  	_ =	swait.ge [sflag:s21], $0x80  }
0x113: {  	[sflag:s21] =	ssyncset.done $0x0  }
0x114: {  	s14 =	rddreg [dreg:$0x6];
	[sflag:s21] =	ssyncadd.s32 $0xFFFFFF80  }
0x115: {  	[tilespmem:s22], [sflag:$0x2] =	stream.linear.gather [hbm4b:s14+s0], $0x80, $0x38;
	[tilespmem:$0x116D0] =	vst v63  }
0x116: {  	_ =	swait.ge [sflag:s21], $0x80  }
0x117: {  	[sflag:s21] =	ssyncset.done $0x0  }
0x118: {  	s15 =	rddreg [dreg:$0x7];
	[sflag:s21] =	ssyncadd.s32 $0xFFFFFF80  }
0x119: {  	[tilespmem:s23], [sflag:$0x2] =	stream.linear.gather [hbm4b:s15+s0], $0x80, $0x38;
	[tilespmem:$0x116D0] =	vst v63  }
0x11a: {  	_ =	swait.ge [sflag:s21], $0x80  }
0x11b: {  	[sflag:s21] =	ssyncset.done $0x0  }
0x11c: {  	[sflag:s21] =	ssyncadd.s32 $0xFFFFFF80  }
0x11d: {  	[tilespmem:s24], [sflag:$0x1] =	stream.indirect.gather [hbm4b:s4+s22], $0x8, s0, s22, $0xb8;
	[tilespmem:$0x116D0] =	vst v63  }
0x11e: {  	_ =	swait.ge [sflag:s25], $0x400  }
0x11f: {  	[sflag:s25] =	ssyncset.done $0x0  }
0x120: {  	[sflag:s25] =	ssyncadd.s32 $0xFFFFFC00  }
0x121: {  	[tilespmem:s26], [sflag:$0x1] =	stream.indirect.gather [hbm4b:s4+s22], $0x8, s23, s22, $0xb8;
	[tilespmem:$0x116D0] =	vst v63  }
0x122: {  	v4 =	vmov s0;
	_ =	swait.ge [sflag:s25], $0x400  }
0x123: {  	v4 =	vshll.u32 v4, $0x3;
	[sflag:s25] =	ssyncset.done $0x0  }
0x124: {  	v4 =	vor.u32 v2, v4;
	[sflag:s25] =	ssyncadd.s32 $0xFFFFFC00  }
0x125: {  	v5 =	vor.u32 $0x4, v4;
	[tilespmem:s28], [sflag:$0x1] =	stream.indirect.gather [hbm4b:s3+s22], $0x40, s22, s22, $0xb8;
	[tilespmem:$0x116D0] =	vst v63  }
0x126: {  	_ =	swait.ge [sflag:s25], $0x2000  }
0x127: {  	[sflag:s25] =	ssyncset.done $0x0  }
0x128: {  	[sflag:s25] =	ssyncadd.s32 $0xFFFFE000  }
0x129: {  	v6 =	vld.idx.msk [tilespmem:v4+s24+$0x0], $0xffff  }
0x12a: {  	v5 =	vld.idx.msk [tilespmem:v5+s26+$0x0], $0xffff;
	_ =	sdelay $0x4  }
0x12b: {  	v5 =	vadd.f32 v5, v6;
	_ =	sdelay $0x1  }
0x12c: {  	v6 =	vmul.f32 $2.000000030e-01, v5;
	_ =	sdelay $0x1  }
0x12d: {  	v5 =	vmax.f32 v5, v6  }
0x12e: {  	v5 =	vmul.f32 $1.442695020e+00, v5;
	_ =	sdelay $0x1  }
0x12f: {  	(erf) = vpow2.f32 v5;
	_ =	sdelay $0x5  }
0x130: {  	v5 =	vor.u32 $0x1, v4  }
0x131: {  	v6 =	vor.u32 $0x5, v4;
	_ =	sdelay $0x1  }
0x132: {  	s14 =	simm.s32 $0x2A80;
	v7 =	vpop (erf)  }
0x133: {  	[tilespmem:s14+$0xFFFFFF00] =	vst v7  }
0x134: {  	v5 =	vld.idx.msk [tilespmem:v5+s24+$0x0], $0xffff  }
0x135: {  	v6 =	vld.idx.msk [tilespmem:v6+s26+$0x0], $0xffff;
	_ =	sdelay $0x4  }
0x136: {  	v5 =	vadd.f32 v6, v5;
	_ =	sdelay $0x1  }
0x137: {  	v6 =	vmul.f32 $2.000000030e-01, v5;
	_ =	sdelay $0x1  }
0x138: {  	v5 =	vmax.f32 v5, v6  }
0x139: {  	v5 =	vmul.f32 $1.442695020e+00, v5;
	_ =	sdelay $0x1  }
0x13a: {  	(erf) = vpow2.f32 v5;
	_ =	sdelay $0x5  }
0x13b: {  	v5 =	vor.u32 $0x2, v4  }
0x13c: {  	v6 =	vor.u32 $0x6, v4;
	_ =	sdelay $0x1  }
0x13d: {  	v7 =	vpop (erf)  }
0x13e: {  	[tilespmem:s14+$0xFFFFFF80] =	vst v7  }
0x13f: {  	v5 =	vld.idx.msk [tilespmem:v5+s24+$0x0], $0xffff  }
0x140: {  	v6 =	vld.idx.msk [tilespmem:v6+s26+$0x0], $0xffff;
	_ =	sdelay $0x4  }
0x141: {  	v5 =	vadd.f32 v6, v5;
	_ =	sdelay $0x1  }
0x142: {  	v6 =	vmul.f32 $2.000000030e-01, v5;
	_ =	sdelay $0x1  }
0x143: {  	v5 =	vmax.f32 v5, v6  }
0x144: {  	v5 =	vmul.f32 $1.442695020e+00, v5;
	_ =	sdelay $0x1  }
0x145: {  	(erf) = vpow2.f32 v5;
	_ =	sdelay $0x5  }
0x146: {  	v5 =	vor.u32 $0x3, v4  }
0x147: {  	v4 =	vor.u32 $0x7, v4;
	_ =	sdelay $0x1  }
0x148: {  	v6 =	vpop (erf)  }
0x149: {  	[tilespmem:s14+$0x0] =	vst v6  }
0x14a: {  	v5 =	vld.idx.msk [tilespmem:v5+s24+$0x0], $0xffff  }
0x14b: {  	v4 =	vld.idx.msk [tilespmem:v4+s26+$0x0], $0xffff;
	_ =	sdelay $0x4  }
0x14c: {  	v4 =	vadd.f32 v4, v5;
	_ =	sdelay $0x1  }
0x14d: {  	v5 =	vmul.f32 $2.000000030e-01, v4;
	_ =	sdelay $0x1  }
0x14e: {  	v4 =	vmax.f32 v4, v5  }
0x14f: {  	v4 =	vmul.f32 $1.442695020e+00, v4;
	_ =	sdelay $0x1  }
0x150: {  	(erf) = vpow2.f32 v4;
	_ =	sdelay $0x1  }
0x151: {  	s16 =	simm.s32 $0x10  }
0x152: {  	v5 =	vmov s16  }
0x153: {  	v5 =	vshll.u32 v5, $0x3  }
0x154: {  	s8 =	simm.s32 $0x2A80;
	s15 =	simm.s32 $0x20;
	v4 =	vor.u32 v2, v5  }
.LBB2_9:
0x155: {  	p2 =	sne.s32 s15, $0x70  }
0x156: {  	v5 =	vor.u32 $0x4, v4;
	s14 =	sadd.s32 $0x10, s14;
	s12 =	smov.u32 s15;
	s15 =	sadd.s32 $0x10, s15  }
0x157: {  	_ = 	snop  }
0x158: {  	v6 =	vpop (erf)  }
0x159: {  	[tilespmem:s8+$0x80] =	vst v6;
	s8 =	smov.u32 s14  }
0x15a: {  	v6 =	vld.idx.msk [tilespmem:v4+s24+$0x0], $0xffff  }
0x15b: {  	v5 =	vld.idx.msk [tilespmem:v5+s26+$0x0], $0xffff;
	_ =	sdelay $0x5  }
0x15c: {  	v5 =	vadd.f32 v5, v6;
	_ =	sdelay $0x1  }
0x15d: {  	v6 =	vmul.f32 $2.000000030e-01, v5;
	_ =	sdelay $0x1  }
0x15e: {  	v5 =	vmax.f32 v5, v6  }
0x15f: {  	v5 =	vmul.f32 $1.442695020e+00, v5;
	_ =	sdelay $0x1  }
0x160: {  	(erf) = vpow2.f32 v5;
	_ =	sdelay $0x5  }
0x161: {  	v6 =	vor.u32 $0x5, v4;
	v5 =	vor.u32 $0x1, v4;
	_ =	sdelay $0x2  }
0x162: {  	v7 =	vpop (erf)  }
0x163: {  	[tilespmem:s14+$0xFFFFFF00] =	vst v7  }
0x164: {  	v5 =	vld.idx.msk [tilespmem:v5+s24+$0x0], $0xffff  }
0x165: {  	v6 =	vld.idx.msk [tilespmem:v6+s26+$0x0], $0xffff;
	_ =	sdelay $0x5  }
0x166: {  	v5 =	vadd.f32 v6, v5;
	_ =	sdelay $0x1  }
0x167: {  	v6 =	vmul.f32 $2.000000030e-01, v5;
	_ =	sdelay $0x1  }
0x168: {  	v5 =	vmax.f32 v5, v6  }
0x169: {  	v5 =	vmul.f32 $1.442695020e+00, v5;
	_ =	sdelay $0x1  }
0x16a: {  	(erf) = vpow2.f32 v5;
	_ =	sdelay $0x5  }
0x16b: {  	v6 =	vor.u32 $0x6, v4;
	v5 =	vor.u32 $0x2, v4;
	_ =	sdelay $0x2  }
0x16c: {  	v7 =	vpop (erf)  }
0x16d: {  	[tilespmem:s14+$0xFFFFFF80] =	vst v7  }
0x16e: {  	v5 =	vld.idx.msk [tilespmem:v5+s24+$0x0], $0xffff  }
0x16f: {  	v6 =	vld.idx.msk [tilespmem:v6+s26+$0x0], $0xffff;
	_ =	sdelay $0x5  }
0x170: {  	v5 =	vadd.f32 v6, v5;
	_ =	sdelay $0x1  }
0x171: {  	v6 =	vmul.f32 $2.000000030e-01, v5;
	_ =	sdelay $0x1  }
0x172: {  	v5 =	vmax.f32 v5, v6  }
0x173: {  	v5 =	vmul.f32 $1.442695020e+00, v5;
	_ =	sdelay $0x1  }
0x174: {  	(erf) = vpow2.f32 v5;
	_ =	sdelay $0x5  }
0x175: {  	v5 =	vor.u32 $0x3, v4;
	v4 =	vor.u32 $0x7, v4;
	_ =	sdelay $0x2  }
0x176: {  	v6 =	vpop (erf)  }
0x177: {  	[tilespmem:s14+$0x0] =	vst v6  }
0x178: {  	v5 =	vld.idx.msk [tilespmem:v5+s24+$0x0], $0xffff  }
0x179: {  	v4 =	vld.idx.msk [tilespmem:v4+s26+$0x0], $0xffff;
	_ =	sdelay $0x5  }
0x17a: {  	v4 =	vadd.f32 v4, v5;
	_ =	sdelay $0x1  }
0x17b: {  	v5 =	vmul.f32 $2.000000030e-01, v4;
	_ =	sdelay $0x1  }
0x17c: {  	v4 =	vmax.f32 v4, v5  }
0x17d: {  	v4 =	vmul.f32 $1.442695020e+00, v4;
	_ =	sdelay $0x1  }
0x17e: {  	(erf) = vpow2.f32 v4;
	_ =	sdelay $0x1  }
.Ltmp6:
0x17f: {  	(pc) =	sbr.rel @p2 .LBB2_9-.Ltmp6, $4  }
0x180: {  	_ = 	snop  }
0x181: {  	v4 =	vmov s12  }
0x182: {  	v4 =	vshll.u32 v4, $0x3  }
0x183: {  	v4 =	vor.u32 v2, v4  }
0x184: {  	v5 =	vor.u32 $0x4, v4;
	_ =	sdelay $0x1  }
0x185: {  	v6 =	vpop (erf)  }
0x186: {  	[tilespmem:s8+$0x80] =	vst v6  }
0x187: {  	v6 =	vld.idx.msk [tilespmem:v4+s24+$0x0], $0xffff  }
0x188: {  	v5 =	vld.idx.msk [tilespmem:v5+s26+$0x0], $0xffff;
	_ =	sdelay $0x4  }
0x189: {  	v5 =	vadd.f32 v5, v6;
	_ =	sdelay $0x1  }
0x18a: {  	v6 =	vmul.f32 $2.000000030e-01, v5;
	_ =	sdelay $0x1  }
0x18b: {  	v5 =	vmax.f32 v5, v6  }
0x18c: {  	v5 =	vmul.f32 $1.442695020e+00, v5;
	_ =	sdelay $0x1  }
0x18d: {  	(erf) = vpow2.f32 v5;
	_ =	sdelay $0x5  }
0x18e: {  	v5 =	vor.u32 $0x1, v4  }
0x18f: {  	v6 =	vor.u32 $0x5, v4;
	_ =	sdelay $0x1  }
0x190: {  	s16 =	sadd.s32 $0x10, s14;
	v7 =	vpop (erf)  }
0x191: {  	[tilespmem:s16+$0xFFFFFF00] =	vst v7  }
0x192: {  	v5 =	vld.idx.msk [tilespmem:v5+s24+$0x0], $0xffff  }
0x193: {  	v6 =	vld.idx.msk [tilespmem:v6+s26+$0x0], $0xffff;
	_ =	sdelay $0x4  }
0x194: {  	v5 =	vadd.f32 v6, v5;
	_ =	sdelay $0x1  }
0x195: {  	v6 =	vmul.f32 $2.000000030e-01, v5;
	_ =	sdelay $0x1  }
0x196: {  	v5 =	vmax.f32 v5, v6  }
0x197: {  	v5 =	vmul.f32 $1.442695020e+00, v5;
	_ =	sdelay $0x1  }
0x198: {  	(erf) = vpow2.f32 v5;
	_ =	sdelay $0x5  }
0x199: {  	v5 =	vor.u32 $0x2, v4  }
0x19a: {  	v6 =	vor.u32 $0x6, v4;
	_ =	sdelay $0x1  }
0x19b: {  	v7 =	vpop (erf)  }
0x19c: {  	[tilespmem:s16+$0xFFFFFF80] =	vst v7  }
0x19d: {  	v5 =	vld.idx.msk [tilespmem:v5+s24+$0x0], $0xffff  }
0x19e: {  	v6 =	vld.idx.msk [tilespmem:v6+s26+$0x0], $0xffff;
	_ =	sdelay $0x4  }
0x19f: {  	v5 =	vadd.f32 v6, v5;
	_ =	sdelay $0x1  }
0x1a0: {  	v6 =	vmul.f32 $2.000000030e-01, v5;
	_ =	sdelay $0x1  }
0x1a1: {  	v5 =	vmax.f32 v5, v6  }
0x1a2: {  	v5 =	vmul.f32 $1.442695020e+00, v5;
	_ =	sdelay $0x1  }
0x1a3: {  	(erf) = vpow2.f32 v5;
	_ =	sdelay $0x5  }
0x1a4: {  	v5 =	vor.u32 $0x3, v4  }
0x1a5: {  	v4 =	vor.u32 $0x7, v4;
	_ =	sdelay $0x1  }
0x1a6: {  	v6 =	vpop (erf)  }
0x1a7: {  	[tilespmem:s16+$0x0] =	vst v6  }
0x1a8: {  	v5 =	vld.idx.msk [tilespmem:v5+s24+$0x0], $0xffff  }
0x1a9: {  	v4 =	vld.idx.msk [tilespmem:v4+s26+$0x0], $0xffff;
	_ =	sdelay $0x4  }
0x1aa: {  	v4 =	vadd.f32 v4, v5;
	_ =	sdelay $0x1  }
0x1ab: {  	v5 =	vmul.f32 $2.000000030e-01, v4;
	_ =	sdelay $0x1  }
0x1ac: {  	v4 =	vmax.f32 v4, v5  }
0x1ad: {  	v4 =	vmul.f32 $1.442695020e+00, v4;
	_ =	sdelay $0x1  }
0x1ae: {  	(erf) = vpow2.f32 v4;
	_ =	sdelay $0x4  }
0x1af: {  	v4 =	vor.u32 s0, v3  }
0x1b0: {  	v4 =	vnsel vm0, $0x0, v4;
	_ =	sdelay $0x2  }
0x1b1: {  	v5 =	vpop (erf)  }
0x1b2: {  	[tilespmem:s16+$0x80] =	vst v5  }
0x1b3: {  	v4 =	vld.idx.msk [tilespmem:v4+s29+$0x0], $0xffff;
	_ =	sdelay $0x4  }
0x1b4: {  	s0 =	simm.s32 $0x2BA0;
	v4 =	vnsel vm0, $0x0, v4  }
0x1b5: {  	s8 =	simm.s32 $0x1A0;
	[tilespmem:s0+$0x20] =	vst v4  }
0x1b6: {  	v5 =	vld [tilespmem:s8+$0xFFFFFFE0];
	_ =	sdelay $0x2  }
0x1b7: {  	v6 =	vperm.xlane v4, v0;
	_ =	sdelay $0x1  }
0x1b8: {  	v5 =	vmul.f32 v5, v6;
	_ =	sdelay $0x1  }
0x1b9: {  	[tilespmem:s0+$0xFFFFFFE0] =	vst v5  }
0x1ba: {  	v5 =	vld [tilespmem:s8+$0xFFFFFFF0];
	_ =	sdelay $0x4  }
0x1bb: {  	v5 =	vmul.f32 v5, v6;
	_ =	sdelay $0x1  }
0x1bc: {  	[tilespmem:s0+$0xFFFFFFF0] =	vst v5  }
0x1bd: {  	v5 =	vld [tilespmem:s8+$0x0];
	_ =	sdelay $0x2  }
0x1be: {  	v4 =	vperm.xlane v4, v1;
	_ =	sdelay $0x1  }
0x1bf: {  	v5 =	vmul.f32 v5, v4;
	_ =	sdelay $0x1  }
0x1c0: {  	[tilespmem:s0+$0x0] =	vst v5  }
0x1c1: {  	v5 =	vld [tilespmem:s8+$0x10]  }
0x1c2: {  	s12 =	simm.s32 $0x1  }
0x1c3: {  	v6 =	vor.u32 s12, v3;
	s12 =	simm.s32 $0x2  }
.LBB2_11:
0x1c4: {  	p2 =	sne.s32 s12, $0x7F;
	v6 =	vnsel vm0, $0x0, v6;
	_ =	sdelay $0x1  }
0x1c5: {  	v4 =	vmul.f32 v5, v4;
	_ =	sdelay $0x1  }
0x1c6: {  	[tilespmem:s0+$0x10] =	vst v4  }
0x1c7: {  	v4 =	vld.idx.msk [tilespmem:v6+s29+$0x0], $0xffff;
	_ =	sdelay $0x5  }
0x1c8: {  	s0 =	sadd.s32 $0x50, s0;
	v4 =	vnsel vm0, $0x0, v4  }
0x1c9: {  	s8 =	sadd.s32 $0x40, s8;
	[tilespmem:s0+$0x20] =	vst v4  }
0x1ca: {  	v5 =	vld [tilespmem:s8+$0xFFFFFFE0];
	_ =	sdelay $0x2  }
0x1cb: {  	v6 =	vperm.xlane v4, v0;
	_ =	sdelay $0x1  }
0x1cc: {  	v5 =	vmul.f32 v5, v6;
	_ =	sdelay $0x1  }
0x1cd: {  	[tilespmem:s0+$0xFFFFFFE0] =	vst v5  }
0x1ce: {  	v5 =	vld [tilespmem:s8+$0xFFFFFFF0];
	_ =	sdelay $0x4  }
0x1cf: {  	v5 =	vmul.f32 v5, v6;
	_ =	sdelay $0x1  }
0x1d0: {  	[tilespmem:s0+$0xFFFFFFF0] =	vst v5  }
0x1d1: {  	v5 =	vld [tilespmem:s8+$0x0];
	_ =	sdelay $0x2  }
0x1d2: {  	v4 =	vperm.xlane v4, v1;
	_ =	sdelay $0x1  }
0x1d3: {  	v5 =	vmul.f32 v5, v4  }
.Ltmp7:
0x1d4: {  	(pc) =	sbr.rel @p2 .LBB2_11-.Ltmp7, $3  }
0x1d5: {  	[tilespmem:s0+$0x0] =	vst v5  }
0x1d6: {  	v5 =	vld [tilespmem:s8+$0x10];
	_ =	sdelay $0x1  }
0x1d7: {  	v6 =	vor.u32 s12, v3;
	s12 =	sadd.s32 $0x1, s12  }
0x1d8: {  	v6 =	vnsel vm0, $0x0, v6;
	_ =	sdelay $0x1  }
0x1d9: {  	v4 =	vmul.f32 v5, v4;
	_ =	sdelay $0x1  }
0x1da: {  	[tilespmem:s0+$0x10] =	vst v4  }
0x1db: {  	v4 =	vld.idx.msk [tilespmem:v6+s29+$0x0], $0xffff;
	_ =	sdelay $0x4  }
0x1dc: {  	s16 =	sadd.s32 $0x50, s0;
	v4 =	vnsel vm0, $0x0, v4  }
0x1dd: {  	s8 =	sadd.s32 $0x40, s8;
	[tilespmem:s16+$0x20] =	vst v4  }
0x1de: {  	v5 =	vld [tilespmem:s8+$0xFFFFFFE0];
	_ =	sdelay $0x2  }
0x1df: {  	v63 =	vperm.xlane v4, v0;
	_ =	sdelay $0x1  }
0x1e0: {  	v5 =	vmul.f32 v5, v63;
	_ =	sdelay $0x1  }
0x1e1: {  	[tilespmem:s16+$0xFFFFFFE0] =	vst v5  }
0x1e2: {  	v5 =	vld [tilespmem:s8+$0xFFFFFFF0];
	_ =	sdelay $0x4  }
0x1e3: {  	v5 =	vmul.f32 v5, v63;
	_ =	sdelay $0x1  }
0x1e4: {  	[tilespmem:s16+$0xFFFFFFF0] =	vst v5  }
0x1e5: {  	v5 =	vld [tilespmem:s8+$0x0];
	_ =	sdelay $0x2  }
0x1e6: {  	v4 =	vperm.xlane v4, v1;
	_ =	sdelay $0x1  }
0x1e7: {  	v5 =	vmul.f32 v5, v4;
	_ =	sdelay $0x1  }
0x1e8: {  	[tilespmem:s16+$0x0] =	vst v5  }
0x1e9: {  	v5 =	vld [tilespmem:s8+$0x10];
	_ =	sdelay $0x4  }
0x1ea: {  	v4 =	vmul.f32 v5, v4;
	_ =	sdelay $0x1  }
.Ltmp8:
0x1eb: {  	[tilespmem:s16+$0x10] =	vst v4;
	(pc) =	sbr.rel .LBB2_13-.Ltmp8, $4  }
0x1ec: {  	[spmem:s1] =	stream.indirect.scatter.add.f32 [tilespmem:s30], [sflag:$0x2], $0x50, s23, s22, $0xb8;
	[tilespmem:$0x116D0] =	vst v63  }
0x1ed: {  	_ =	swait.ge [sflag:s21], $0x2800  }
0x1ee: {  	[sflag:s21] =	ssyncset.done $0x0  }
0x1ef: {  	[sflag:s21] =	ssyncadd.s32 $0xFFFFD800  }
.LBB2_14:
0x1f0: {  	_ =	sfence.sel $0x180000  }
0x1f1: {  	[bflag:$0x0] =	sbarrier.arrive $0xFFFF  }
0x1f2: {  	_ =	strace $0x9000004A  }
0x1f3: {  	[bflag:$0x2] =	sbarrier.arrive $0xFFFF  }
0x1f4: {  	s0 =	rddreg [dreg:$0x2]  }
0x1f5: {  	s0 =	sadd.s32 @!p0 $0x100000, s0  }
0x1f6: {  	[sflag:s0] =	ssyncadd.tile.s32 @!p0 $0x1;
	_ =	shalt  }
.Lfunc_end2:
_tile_overlayer_lowered:
.L_overlay_start_2:
0x1f7: {  	(tag) =	ssettag $0x2  }
0x1f8: {  	s0 =	rddreg [dreg:$0x0];
	s2 =	stileid.u32  }
0x1f9: {  	s1 =	rddreg [dreg:$0x1];
	p0 =	sne.s32 s2, $0x0  }
0x1fa: {  	s3 =	rddreg [dreg:$0x2];
	[bflag:$0x3] =	sbarrier.arrive $0xFFFF;
	s2 =	simm.s32 @!p0 $0x1C02  }
0x1fb: {  	[timem:s3], [sflag:s2] =	dma.local @!p0 [hbm:s0], s1  }
0x1fc: {  	s0 =	simm.s32 @!p0 $0x2  }
0x1fd: {  	_ =	swait.ge @!p0 [sflag:s0], s1  }
0x1fe: {  	s1 =	ssub.s32 @!p0 $0x0, s1;
	[sflag:s0] =	ssyncset.done @!p0 $0x0  }
0x1ff: {  	[sflag:s0] =	ssyncadd.s32 @!p0 s1  }
0x200: {  	[bflag:$0x3] =	sbarrier.arrive $0xFFFF  }
0x201: {  	_ =	shalt  }

// kernel: kernel.7.cloned.1.call-start
scs
__scs_entry_jumppad:
0x0: {  	(pc) =	sbr.rel $0x88, $3  }
0x1: {  	(tag) =	ssettag $0x0;
	lr =	simm.s32 $0x1  }
0x2: {  	[smem:$0x3F95] =	sst lr;
	_ =	strace $0xD0000000  }
0x3: {  	_ = 	snop  }
0x4: {  	_ = 	snop  }
0x5: {  	_ = 	snop  }
0x6: {  	_ = 	snop  }
0x7: {  	_ = 	snop  }
__scs_overlays_trampoline_lowered:
0x8: {  	[smem:$0x3FA4] =	sst s0  }
0x9: {  	[smem:$0x3FA5] =	sst s1  }
0xa: {  	[smem:$0x3FA6] =	sst s2  }
0xb: {  	[smem:$0x3FA7] =	sst s3  }
0xc: {  	[smem:$0x3FA8] =	sst s4  }
0xd: {  	[smem:$0x3FA9] =	sst s5  }
0xe: {  	[smem:$0x3FAA] =	sst s6  }
0xf: {  	[smem:$0x3FAB] =	sst s7  }
0x10: {  	[smem:$0x3FAC] =	sst s8  }
0x11: {  	[smem:$0x3FAD] =	sst s9;
	s0 =	simm.s32 @!p0 $0x0  }
0x12: {  	s1 =	sld [smem:$0x3F93];
	s0 =	simm.s32 @p0 $0x1  }
0x13: {  	[smem:$0x3FAE] =	sst s0;
	s0 =	simm.s32 @!p1 $0x0  }
0x14: {  	s2 =	sld [smem:$0x3F92];
	s0 =	simm.s32 @p1 $0x1  }
0x15: {  	[smem:$0x3FAF] =	sst s0;
	s0 =	simm.s32 @!p2 $0x0  }
0x16: {  	s3 =	sld [smem:$0x3FDB];
	s0 =	simm.s32 @p2 $0x1  }
0x17: {  	s4 =	simm.s32 $0x1BF5;
	[smem:$0x3FB1] =	sst s0  }
0x18: {  	s0 =	sld [smem:$0x3F94];
	_ =	swait.ge [sflag:s4], $0x0  }
0x19: {  	s7 =	sld [smem:$0x3F95]  }
0x1a: {  	s8 =	sadd.s32 $0xFFFFE003, lr  }
0x1b: {  	s9 =	sadd.s32 $0xFFFFFEF7, lr;
	s5 =	simm.s32 $0xFFFFFFFF;
	p2 =	slt.u32 s8, $0xFFFFF086  }
0x1c: {  	p1 =	slt.u32 s9, $0xF7A;
	s5 =	simm.s32 @!p2 $0x0  }
0x1d: {  	s5 =	simm.s32 @p1 $0x1;
	p0 =	seq.s32 s7, s2  }
0x1e: {  	s7 =	smul.u32 @!p0 $0xF7A, s2;
	p2 =	seq.s32 @!p0 s5, $0x0  }
0x1f: {  	s9 =	smul.u32 $0xF7A, s1;
	s8 =	simm.s32 @!p0 $0x1BF5;
	p2 =	por !p2, p0  }
0x20: {  	[sflag:s8] =	ssyncset.s32 @!p0 $0xFFFFF086;
	s6 =	sadd.s32 @!p0 s3, s7;
	s7 =	simm.s32 @!p0 $0x108  }
0x21: {  	s3 =	sadd.s32 s3, s9;
	s6 =	sadd.s32 @!p0 $0x88, s6;
	s7 =	simm.s32 @p2 $0x1082  }
0x22: {  	[simem:s7], [sflag:s8] =	dma.local @!p0 [hbm:s6], $0xF7A  }
0x23: {  	s9 =	sor.u32 $0xD0000000, s2;
	s6 =	simm.s32 $0x108;
	_ =	swait.ge @!p0 [sflag:s8], $0x0  }
0x24: {  	s3 =	sadd.s32 $0x88, s3;
	s6 =	simm.s32 @!p1 $0x1082;
	[sflag:s4] =	ssyncset.s32 $0xFFFFF086  }
0x25: {  	[simem:s6], [sflag:s4] =	dma.local [hbm:s3], $0xF7A  }
0x26: {  	[smem:$0x3F95] =	sst s1;
	(tag) =	ssettag s2;
	_ =	strace s9  }
0x27: {  	s1 =	sld [smem:$0x3FA5]  }
0x28: {  	s2 =	sld [smem:$0x3FA6]  }
0x29: {  	s4 =	sld [smem:$0x3FA8]  }
0x2a: {  	p0 =	seq.s32 s5, $0x0;
	s5 =	sld [smem:$0x3FA9]  }
0x2b: {  	s6 =	sld [smem:$0x3FAA]  }
0x2c: {  	s7 =	sld [smem:$0x3FAB]  }
0x2d: {  	s3 =	simm.s32 $0x108;
	s8 =	sld [smem:$0x3FAC]  }
0x2e: {  	s3 =	simm.s32 @!p0 $0x1082;
	s9 =	sld [smem:$0x3FAD]  }
0x2f: {  	lr =	sadd.s32 s0, s3;
	s0 =	sld [smem:$0x3FA4]  }
0x30: {  	s3 =	sld [smem:$0x3FA7]  }
0x31: {  	[smem:$0x3FB0] =	sst s10  }
0x32: {  	s10 =	sld [smem:$0x3FAE];
	_ =	sdelay $0x3  }
0x33: {  	p0 =	seq.s32 s10, $0x1;
	s10 =	sld [smem:$0x3FB0];
	_ =	sdelay $0x3  }
0x34: {  	[smem:$0x3FB0] =	sst s10  }
0x35: {  	s10 =	sld [smem:$0x3FAF];
	_ =	sdelay $0x3  }
0x36: {  	p1 =	seq.s32 s10, $0x1;
	s10 =	sld [smem:$0x3FB0];
	_ =	sdelay $0x3  }
0x37: {  	[smem:$0x3FB0] =	sst s10  }
0x38: {  	s10 =	sld [smem:$0x3FB1]  }
0x39: {  	_ = 	snop;
	(pc) =	sbr.ind lr, $3  }
0x3a: {  	_ = 	snop  }
0x3b: {  	_ = 	snop  }
0x3c: {  	p2 =	seq.s32 s10, $0x1;
	s10 =	sld [smem:$0x3FB0]  }
0x3d: {  	_ =	shalt  }
0x3e: {  	_ =	shalt  }
0x3f: {  	_ =	shalt  }
0x40: {  	_ =	shalt  }
0x41: {  	_ =	shalt  }
0x42: {  	_ =	shalt  }
0x43: {  	_ =	shalt  }
0x44: {  	_ =	shalt  }
0x45: {  	_ =	shalt  }
0x46: {  	_ =	shalt  }
0x47: {  	_ =	shalt  }
0x48: {  	_ =	shalt  }
0x49: {  	_ =	shalt  }
0x4a: {  	_ =	shalt  }
0x4b: {  	_ =	shalt  }
0x4c: {  	_ =	shalt  }
0x4d: {  	_ =	shalt  }
0x4e: {  	_ =	shalt  }
0x4f: {  	_ =	shalt  }
0x50: {  	_ =	shalt  }
0x51: {  	_ =	shalt  }
0x52: {  	_ =	shalt  }
0x53: {  	_ =	shalt  }
0x54: {  	_ =	shalt  }
0x55: {  	_ =	shalt  }
0x56: {  	_ =	shalt  }
0x57: {  	_ =	shalt  }
0x58: {  	_ =	shalt  }
0x59: {  	_ =	shalt  }
0x5a: {  	_ =	shalt  }
0x5b: {  	_ =	shalt  }
0x5c: {  	_ =	shalt  }
0x5d: {  	_ =	shalt  }
0x5e: {  	_ =	shalt  }
0x5f: {  	_ =	shalt  }
0x60: {  	_ =	shalt  }
0x61: {  	_ =	shalt  }
0x62: {  	_ =	shalt  }
0x63: {  	_ =	shalt  }
0x64: {  	_ =	shalt  }
0x65: {  	_ =	shalt  }
0x66: {  	_ =	shalt  }
0x67: {  	_ =	shalt  }
0x68: {  	_ =	shalt  }
0x69: {  	_ =	shalt  }
0x6a: {  	_ =	shalt  }
0x6b: {  	_ =	shalt  }
0x6c: {  	_ =	shalt  }
0x6d: {  	_ =	shalt  }
0x6e: {  	_ =	shalt  }
0x6f: {  	_ =	shalt  }
0x70: {  	_ =	shalt  }
0x71: {  	_ =	shalt  }
0x72: {  	_ =	shalt  }
0x73: {  	_ =	shalt  }
0x74: {  	_ =	shalt  }
0x75: {  	_ =	shalt  }
0x76: {  	_ =	shalt  }
0x77: {  	_ =	shalt  }
0x78: {  	_ =	shalt  }
0x79: {  	_ =	shalt  }
0x7a: {  	_ =	shalt  }
0x7b: {  	_ =	shalt  }
0x7c: {  	_ =	shalt  }
0x7d: {  	_ =	shalt  }
0x7e: {  	_ =	shalt  }
0x7f: {  	_ =	shalt  }
0x80: {  	_ =	shalt  }
0x81: {  	_ =	shalt  }
0x82: {  	_ =	shalt  }
0x83: {  	_ =	shalt  }
0x84: {  	_ =	shalt  }
0x85: {  	_ =	shalt  }
0x86: {  	_ =	shalt  }
0x87: {  	_ =	shalt  }
.Lfunc_end0:
.L_simem_size_0:
called_computation_lowered:
.L_overlay_start_0:
0x88: {  	s2 =	sld [smem:$0x3FD9]  }
0x89: {  	s3 =	sld [smem:$0x3FFE];
	_ =	sdelay $0x1  }
0x8a: {  	s1 =	srdreg.scid  }
0x8b: {  	s0 =	sand.u32 $0x1, s1  }
0x8c: {  	s16 =	sshll.u32 s0, $0xA;
	s2 =	sadd.s32 s3, s2  }
0x8d: {  	s2 =	sadd.s32 s2, s16  }
0x8e: {  	[smem:$0x3FBC] =	sst s2  }
0x8f: {  	_ = 	snop  }
0x90: {  	(tm) =	ssettm $0x1  }
0x91: {  	s17 =	sld [smem:$0x3FFB];
	_ =	sdelay $0x3  }
0x92: {  	_ =	strace s17  }
0x93: {  	s2 =	sld [smem:$0x3FFC];
	_ =	sdelay $0x3  }
0x94: {  	_ =	strace s2  }
0x95: {  	s2 =	sld [smem:$0x3FFD];
	_ =	sdelay $0x3  }
0x96: {  	_ =	strace s2  }
0x97: {  	_ =	strace $0x8FFFFFFF  }
0x98: {  	s18 =	sld [smem:$0x3FDB];
	_ =	sdelay $0x1  }
0x99: {  	s19 =	simm.s32 $_scs_section_size  }
0x9a: {  	s4 =	simm.s32 $_size__tile_overlayer_lowered;
	s5 =	simm.s32 $_tile_overlayer_lowered  }
0x9b: {  	s22 =	simm.s32 $0x1BFF;
	s21 =	sshll.u32 s5, $0x1;
	s2 =	sadd.s32 s19, s18  }
0x9c: {  	s6 =	simm.s32 $0x0;
	s20 =	sshll.u32 s4, $0x1;
	s4 =	sadd.s32 s21, s2  }
0x9d: {  	[timem:s6], [sflag:s22] =	dma.local [hbm:s4], s20  }
0x9e: {  	_ =	swait.ge [sflag:s22], s20  }
0x9f: {  	s3 =	ssub.s32 $0x0, s20;
	[sflag:s22] =	ssyncset.done $0x0  }
0xa0: {  	[sflag:s22] =	ssyncadd.s32 s3;
	_ =	sdelay $0x1  }
0xa1: {  	s23 =	simm.s32 $0x1B8B  }
0xa2: {  	_ =	swait.ge [sflag:s23], $0x1  }
0xa3: {  	[sflag:s23] =	ssyncset.done $0x0  }
0xa4: {  	s25 =	simm.s32 $0x1B8E;
	s24 =	sld [smem:$0x3FFE];
	[sflag:s23] =	ssyncadd.s32 $0xFFFFFFFF  }
0xa5: {  	s26 =	simm.s32 $execute0_lowered;
	[smem:$0x3FD2] =	sst s25  }
0xa6: {  	s4 =	sshll.u32 s26, $0x1;
	_ =	strace $0x80000046;
	[dreg:$0x1] =	wrdreg $0xFFFFFFFF  }
0xa7: {  	s28 =	simm.s32 $_size_execute0_lowered;
	s2 =	sadd.s32 s2, s4;
	[dreg:$0x0] =	wrdreg $0x0  }
0xa8: {  	s4 =	sshll.u32 s28, $0x1;
	[dreg:$0x2] =	wrdreg s2  }
0xa9: {  	[dreg:$0x3] =	wrdreg s4  }
0xaa: {  	[dreg:$0x4] =	wrdreg $0xC0  }
0xab: {  	_ =	task [dreg:s6], $0x5FFFF  }
0xac: {  	[dreg:$0x1] =	wrdreg $0xFFFFFFFF  }
0xad: {  	[dreg:$0x0] =	wrdreg $0x60  }
0xae: {  	[dreg:$0x2] =	wrdreg s24  }
0xaf: {  	[dreg:$0x3] =	wrdreg $0x53800  }
0xb0: {  	[dreg:$0x4] =	wrdreg $0x9  }
0xb1: {  	_ =	task.clear_ibuf [dreg:s6], $0x5FFFF;
	_ =	strace $0x90000046  }
0xb2: {  	s29 =	simm.s32 $0x9;
	_ =	strace $0x80000048  }
0xb3: {  	_ =	swait.ge [sflag:s29], $0x1  }
0xb4: {  	[sflag:s29] =	ssyncadd.s32 $0xFFFFFFFF  }
0xb5: {  	_ =	strace $0x90000048  }
0xb6: {  	_ =	sfence  }
0xb7: {  	s30 =	sld [smem:$0x0];
	_ =	sdelay $0x2  }
0xb8: {  	s31 =	sshll.u32 s1, $0xD;
	s1 =	sshrl.u32 s1, $0x2  }
0xb9: {  	s3 =	sand.u32 $0x4000, s31;
	s1 =	sadd.s32 s1, s30  }
0xba: {  	s0 =	sor.u32 s3, s0;
	s1 =	sshll.u32 s1, $0x11  }
0xbb: {  	s0 =	sor.u32 s1, s0  }
0xbc: {  	s0 =	sadd.s32 $0x8F2B, s0  }
0xbd: {  	[sflag:s0] =	ssyncadd.remote.s32 $0x1  }
0xbe: {  	_ =	sfence.sel $0xFFFF  }
0xbf: {  	[dreg:$0x0] =	wrdreg $0xFFFFFFFF;
	(pc) =	sbr.abs _section_cstart, $3  }
0xc0: {  	[dreg:$0x1] =	wrdreg $0xFFFFFFFF  }
0xc1: {  	_ =	task.clear_ibuf [dreg:s6], $0x2FFFF;
	_ =	strace $0x9FFFFFFF  }
0xc2: {  	(tm) =	ssettm $0x7FFFFFFF  }
0xc3: {  	_ =	shalt  }
tec
execute0_lowered:
.L_overlay_start_1:
0x0: {  	(tag) =	ssettag $0x1  }
0x1: {  	s0 =	rddreg [dreg:$0x0]  }
0x2: {  	s1 =	rddreg [dreg:$0x1]  }
0x3: {  	s2 =	simm.s32 $0x0;
	s8 =	stileid.u32;
	s5 =	srdreg.scid  }
0x4: {  	s21 =	simm.s32 $0x2;
	s22 =	simm.s32 $0x80;
	s28 =	simm.s32 $0x180  }
0x5: {  	s29 =	simm.s32 $0x2980;
	s30 =	simm.s32 $0x2B80;
	[smem:$0x7FF] =	sst s2  }
0x6: {  	s3 =	sadd.s32 $0xC7000, s0;
	s4 =	sadd.s32 $0x2AA00, s0;
	s12 =	smul.u32 $0xC300, s8  }
0x7: {  	s14 =	sand.u32 $0x1, s5;
	s5 =	sadd.s32 $0xD200, s0;
	s6 =	sadd.s32 $0x17000, s0  }
0x8: {  	s7 =	sadd.s32 $0x3400, s0;
	s15 =	sadd.s32 $0x45A00, s0;
	s24 =	sshll.u32 s8, $0x6  }
0x9: {  	s13 =	sadd.s32 $0xC3000, s1;
	p0 =	sne.s32 s8, $0x0;
	p1 =	sgt.u32 s8, $0x3  }
0xa: {  	_ =	strace $0x80000047;
	s9 =	ssub.s32 $0x2, s14;
	[dreg:$0x4] =	wrdreg s13  }
0xb: {  	s13 =	sadd.s32 $0x45800, s0;
	s18 =	smul.u32 $0xC3500, s14;
	s10 =	sshrl.u32 s12, $0x3  }
0xc: {  	s11 =	sshrl.u32 s9, $0x1;
	s20 =	sadd.s32 s12, s1;
	s10 =	sadd.s32 s10, s0  }
0xd: {  	s16 =	ssub.s32 s9, s11;
	s9 =	sor.u32 $0x1C02, s24;
	s11 =	smul.u32 $0x4E200, s14  }
0xe: {  	s14 =	sshll.u32 s14, $0x1;
	s26 =	sadd.s32 s12, s18;
	s31 =	sshrl.u32 s18, $0x3  }
0xf: {  	s20 =	sshrl.u32 s20, $0x3;
	s23 =	sadd.s32 $0x2D200, s10;
	s10 =	sshll.u32 s8, $0x7  }
0x10: {  	s24 =	simm.s32 $0x2180;
	s12 =	sadd.s32 s15, s31;
	s25 =	sor.u32 $0x4E000, s10  }
0x11: {  	[dreg:$0x3] =	wrdreg s23;
	s18 =	sadd.s32 $0x18600, s12;
	s17 =	sshrl.u32 s25, $0x3  }
.Ltmp0:
0x12: {  	s0 =	sadd.s32 s11, s25;
	s19 =	sadd.s32 s5, s17;
	(pc) =	sbr.rel .LBB2_1-.Ltmp0, $4  }
0x13: {  	s0 =	sshrl.u32 s0, $0x3;
	s17 =	sadd.s32 s7, s17;
	[dreg:$0x5] =	wrdreg s19  }
0x14: {  	s23 =	simm.s32 $0x100;
	s0 =	sadd.s32 s6, s0;
	[dreg:$0x7] =	wrdreg s17  }
0x15: {  	v3 =	vlaneseq.u32;
	vm0 =	vmmov $0xf;
	v0 =	vmov s14;
	s25 =	simm.s32 $0x1;
	[dreg:$0x6] =	wrdreg s0;
	s0 =	sshrl.u32 s26, $0x3  }
0x16: {  	v2 =	vmul.u32 $0x8, v3;
	v3 =	vmul.u32 $0x80, v3;
	v1 =	vor.u32 $0x1, v0;
	s19 =	smax.u32 s16, $0x1;
	s26 =	simm.s32 $0x2580;
	s17 =	sadd.s32 s15, s0  }
.LBB2_13:
0x17: {  	[bflag:$0x0] =	sbarrier.arrive $0xFFFF  }
0x18: {  	[hbm:s17], [sflag:s9] =	dma.local [spmem:s20], $0x1860  }
0x19: {  	s2 =	sadd.s32 $0x1, s2;
	_ =	swait.ge [sflag:s21], $0x1860  }
0x1a: {  	p2 =	sne.s32 s2, s19;
	[sflag:s21] =	ssyncset.done $0x0  }
.Ltmp1:
0x1b: {  	s0 =	simm.s32 @!p0 $0x2;
	[sflag:s21] =	ssyncadd.s32 $0xFFFFE7A0;
	(pc) =	sbr.rel @!p2 .LBB2_14-.Ltmp1, $4  }
0x1c: {  	[hbm:s18], [sflag:s9] =	dma.local @!p0 [spmem:s31], $0xA0  }
0x1d: {  	_ =	swait.ge @!p0 [sflag:s0], $0xA0  }
0x1e: {  	[sflag:s0] =	ssyncset.done @!p0 $0x0  }
0x1f: {  	[sflag:s0] =	ssyncadd.s32 @!p0 $0xFFFFFF60  }
.LBB2_1:
0x20: {  	s0 =	rddreg [dreg:$0x3]  }
0x21: {  	[spmem:s20], [sflag:s9] =	dma.local [hbm:s0], $0x1860  }
0x22: {  	_ =	swait.ge [sflag:s21], $0x1860  }
0x23: {  	[sflag:s21] =	ssyncset.done $0x0;
	s0 =	rddreg [dreg:$0x4]  }
0x24: {  	[sflag:s21] =	ssyncadd.s32 $0xFFFFE7A0;
	s31 =	sshrl.u32 @!p0 s0, $0x3;
	s0 =	simm.s32 @!p0 $0x2  }
0x25: {  	[spmem:s31], [sflag:s9] =	dma.local @!p0 [hbm:s13], $0xA0  }
0x26: {  	_ =	swait.ge @!p0 [sflag:s0], $0xA0  }
0x27: {  	[sflag:s0] =	ssyncset.done @!p0 $0x0  }
0x28: {  	[sflag:s0] =	ssyncadd.s32 @!p0 $0xFFFFFF60  }
0x29: {  	s0 =	simm.s32 $0x0;
	[bflag:$0x0] =	sbarrier.arrive $0xFFFF  }
.LBB2_2:
0x2a: {  	s8 =	sshll.u32 s0, $0xB  }
0x2b: {  	s8 =	sor.u32 s10, s8  }
0x2c: {  	s12 =	sshrl.u32 s8, $0x3  }
0x2d: {  	s14 =	simm.s32 $0x0;
	s15 =	sadd.s32 s5, s12  }
0x2e: {  	[tilespmem:s14], [sflag:$0x2] =	stream.linear.gather [hbm4b:s15+s14], $0x80, $0x38;
	[tilespmem:$0x116D0] =	vst v63  }
0x2f: {  	s8 =	sadd.s32 s11, s8;
	_ =	swait.ge [sflag:s21], $0x80  }
0x30: {  	s8 =	sshrl.u32 s8, $0x3;
	[sflag:s21] =	ssyncset.done $0x0  }
0x31: {  	s8 =	sadd.s32 s6, s8;
	[sflag:s21] =	ssyncadd.s32 $0xFFFFFF80  }
0x32: {  	[tilespmem:s22], [sflag:$0x2] =	stream.linear.gather [hbm4b:s8+s14], $0x80, $0x38;
	[tilespmem:$0x116D0] =	vst v63  }
0x33: {  	_ =	swait.ge [sflag:s21], $0x80  }
0x34: {  	[sflag:s21] =	ssyncset.done $0x0  }
0x35: {  	s15 =	sadd.s32 s7, s12;
	[sflag:s21] =	ssyncadd.s32 $0xFFFFFF80  }
0x36: {  	[tilespmem:s23], [sflag:$0x2] =	stream.linear.gather [hbm4b:s15+s14], $0x80, $0x38;
	[tilespmem:$0x116D0] =	vst v63  }
0x37: {  	_ =	swait.ge [sflag:s21], $0x80  }
0x38: {  	[sflag:s21] =	ssyncset.done $0x0  }
0x39: {  	[sflag:s21] =	ssyncadd.s32 $0xFFFFFF80  }
0x3a: {  	[tilespmem:s24], [sflag:$0x1] =	stream.indirect.gather [hbm4b:s4+s22], $0x8, s14, s22, $0xb8;
	[tilespmem:$0x116D0] =	vst v63  }
0x3b: {  	_ =	swait.ge [sflag:s25], $0x400  }
0x3c: {  	[sflag:s25] =	ssyncset.done $0x0  }
0x3d: {  	[sflag:s25] =	ssyncadd.s32 $0xFFFFFC00  }
0x3e: {  	[tilespmem:s26], [sflag:$0x1] =	stream.indirect.gather [hbm4b:s4+s22], $0x8, s23, s22, $0xb8;
	[tilespmem:$0x116D0] =	vst v63  }
0x3f: {  	v4 =	vmov s14;
	_ =	swait.ge [sflag:s25], $0x400  }
0x40: {  	v4 =	vshll.u32 v4, $0x3;
	[sflag:s25] =	ssyncset.done $0x0  }
0x41: {  	v4 =	vor.u32 v2, v4;
	[sflag:s25] =	ssyncadd.s32 $0xFFFFFC00  }
0x42: {  	v5 =	vor.u32 $0x4, v4;
	[tilespmem:s28], [sflag:$0x1] =	stream.indirect.gather [hbm4b:s3+s22], $0x40, s22, s22, $0xb8;
	[tilespmem:$0x116D0] =	vst v63  }
0x43: {  	_ =	swait.ge [sflag:s25], $0x2000  }
0x44: {  	[sflag:s25] =	ssyncset.done $0x0  }
0x45: {  	[sflag:s25] =	ssyncadd.s32 $0xFFFFE000  }
0x46: {  	v6 =	vld.idx.msk [tilespmem:v4+s24+$0x0], $0xffff  }
0x47: {  	v5 =	vld.idx.msk [tilespmem:v5+s26+$0x0], $0xffff;
	_ =	sdelay $0x4  }
0x48: {  	v5 =	vadd.f32 v5, v6;
	_ =	sdelay $0x1  }
0x49: {  	v6 =	vmul.f32 $2.000000030e-01, v5;
	_ =	sdelay $0x1  }
0x4a: {  	v5 =	vmax.f32 v5, v6  }
0x4b: {  	v5 =	vmul.f32 $1.442695020e+00, v5;
	_ =	sdelay $0x1  }
0x4c: {  	(erf) = vpow2.f32 v5;
	_ =	sdelay $0x5  }
0x4d: {  	v5 =	vor.u32 $0x1, v4  }
0x4e: {  	v6 =	vor.u32 $0x5, v4;
	_ =	sdelay $0x1  }
0x4f: {  	s15 =	simm.s32 $0x2A80;
	v7 =	vpop (erf)  }
0x50: {  	[tilespmem:s15+$0xFFFFFF00] =	vst v7  }
0x51: {  	v5 =	vld.idx.msk [tilespmem:v5+s24+$0x0], $0xffff  }
0x52: {  	v6 =	vld.idx.msk [tilespmem:v6+s26+$0x0], $0xffff;
	_ =	sdelay $0x4  }
0x53: {  	v5 =	vadd.f32 v6, v5;
	_ =	sdelay $0x1  }
0x54: {  	v6 =	vmul.f32 $2.000000030e-01, v5;
	_ =	sdelay $0x1  }
0x55: {  	v5 =	vmax.f32 v5, v6  }
0x56: {  	v5 =	vmul.f32 $1.442695020e+00, v5;
	_ =	sdelay $0x1  }
0x57: {  	(erf) = vpow2.f32 v5;
	_ =	sdelay $0x5  }
0x58: {  	v5 =	vor.u32 $0x2, v4  }
0x59: {  	v6 =	vor.u32 $0x6, v4;
	_ =	sdelay $0x1  }
0x5a: {  	v7 =	vpop (erf)  }
0x5b: {  	[tilespmem:s15+$0xFFFFFF80] =	vst v7  }
0x5c: {  	v5 =	vld.idx.msk [tilespmem:v5+s24+$0x0], $0xffff  }
0x5d: {  	v6 =	vld.idx.msk [tilespmem:v6+s26+$0x0], $0xffff;
	_ =	sdelay $0x4  }
0x5e: {  	v5 =	vadd.f32 v6, v5;
	_ =	sdelay $0x1  }
0x5f: {  	v6 =	vmul.f32 $2.000000030e-01, v5;
	_ =	sdelay $0x1  }
0x60: {  	v5 =	vmax.f32 v5, v6  }
0x61: {  	v5 =	vmul.f32 $1.442695020e+00, v5;
	_ =	sdelay $0x1  }
0x62: {  	(erf) = vpow2.f32 v5;
	_ =	sdelay $0x5  }
0x63: {  	v5 =	vor.u32 $0x3, v4  }
0x64: {  	v4 =	vor.u32 $0x7, v4;
	_ =	sdelay $0x1  }
0x65: {  	v6 =	vpop (erf)  }
0x66: {  	[tilespmem:s15+$0x0] =	vst v6  }
0x67: {  	v5 =	vld.idx.msk [tilespmem:v5+s24+$0x0], $0xffff  }
0x68: {  	v4 =	vld.idx.msk [tilespmem:v4+s26+$0x0], $0xffff;
	_ =	sdelay $0x4  }
0x69: {  	v4 =	vadd.f32 v4, v5;
	_ =	sdelay $0x1  }
0x6a: {  	v5 =	vmul.f32 $2.000000030e-01, v4;
	_ =	sdelay $0x1  }
0x6b: {  	v4 =	vmax.f32 v4, v5  }
0x6c: {  	v4 =	vmul.f32 $1.442695020e+00, v4;
	_ =	sdelay $0x1  }
0x6d: {  	(erf) = vpow2.f32 v4;
	_ =	sdelay $0x1  }
0x6e: {  	s16 =	simm.s32 $0x10  }
0x6f: {  	v5 =	vmov s16  }
0x70: {  	v5 =	vshll.u32 v5, $0x3  }
0x71: {  	s8 =	simm.s32 $0x2A80;
	s16 =	simm.s32 $0x20;
	v4 =	vor.u32 v2, v5  }
.LBB2_3:
0x72: {  	p2 =	sne.s32 s16, $0x70  }
0x73: {  	v5 =	vor.u32 $0x4, v4;
	s15 =	sadd.s32 $0x10, s15;
	s12 =	smov.u32 s16;
	s16 =	sadd.s32 $0x10, s16  }
0x74: {  	_ = 	snop  }
0x75: {  	v6 =	vpop (erf)  }
0x76: {  	[tilespmem:s8+$0x80] =	vst v6;
	s8 =	smov.u32 s15  }
0x77: {  	v6 =	vld.idx.msk [tilespmem:v4+s24+$0x0], $0xffff  }
0x78: {  	v5 =	vld.idx.msk [tilespmem:v5+s26+$0x0], $0xffff;
	_ =	sdelay $0x5  }
0x79: {  	v5 =	vadd.f32 v5, v6;
	_ =	sdelay $0x1  }
0x7a: {  	v6 =	vmul.f32 $2.000000030e-01, v5;
	_ =	sdelay $0x1  }
0x7b: {  	v5 =	vmax.f32 v5, v6  }
0x7c: {  	v5 =	vmul.f32 $1.442695020e+00, v5;
	_ =	sdelay $0x1  }
0x7d: {  	(erf) = vpow2.f32 v5;
	_ =	sdelay $0x5  }
0x7e: {  	v6 =	vor.u32 $0x5, v4;
	v5 =	vor.u32 $0x1, v4;
	_ =	sdelay $0x2  }
0x7f: {  	v7 =	vpop (erf)  }
0x80: {  	[tilespmem:s15+$0xFFFFFF00] =	vst v7  }
0x81: {  	v5 =	vld.idx.msk [tilespmem:v5+s24+$0x0], $0xffff  }
0x82: {  	v6 =	vld.idx.msk [tilespmem:v6+s26+$0x0], $0xffff;
	_ =	sdelay $0x5  }
0x83: {  	v5 =	vadd.f32 v6, v5;
	_ =	sdelay $0x1  }
0x84: {  	v6 =	vmul.f32 $2.000000030e-01, v5;
	_ =	sdelay $0x1  }
0x85: {  	v5 =	vmax.f32 v5, v6  }
0x86: {  	v5 =	vmul.f32 $1.442695020e+00, v5;
	_ =	sdelay $0x1  }
0x87: {  	(erf) = vpow2.f32 v5;
	_ =	sdelay $0x5  }
0x88: {  	v6 =	vor.u32 $0x6, v4;
	v5 =	vor.u32 $0x2, v4;
	_ =	sdelay $0x2  }
0x89: {  	v7 =	vpop (erf)  }
0x8a: {  	[tilespmem:s15+$0xFFFFFF80] =	vst v7  }
0x8b: {  	v5 =	vld.idx.msk [tilespmem:v5+s24+$0x0], $0xffff  }
0x8c: {  	v6 =	vld.idx.msk [tilespmem:v6+s26+$0x0], $0xffff;
	_ =	sdelay $0x5  }
0x8d: {  	v5 =	vadd.f32 v6, v5;
	_ =	sdelay $0x1  }
0x8e: {  	v6 =	vmul.f32 $2.000000030e-01, v5;
	_ =	sdelay $0x1  }
0x8f: {  	v5 =	vmax.f32 v5, v6  }
0x90: {  	v5 =	vmul.f32 $1.442695020e+00, v5;
	_ =	sdelay $0x1  }
0x91: {  	(erf) = vpow2.f32 v5;
	_ =	sdelay $0x5  }
0x92: {  	v5 =	vor.u32 $0x3, v4;
	v4 =	vor.u32 $0x7, v4;
	_ =	sdelay $0x2  }
0x93: {  	v6 =	vpop (erf)  }
0x94: {  	[tilespmem:s15+$0x0] =	vst v6  }
0x95: {  	v5 =	vld.idx.msk [tilespmem:v5+s24+$0x0], $0xffff  }
0x96: {  	v4 =	vld.idx.msk [tilespmem:v4+s26+$0x0], $0xffff;
	_ =	sdelay $0x5  }
0x97: {  	v4 =	vadd.f32 v4, v5;
	_ =	sdelay $0x1  }
0x98: {  	v5 =	vmul.f32 $2.000000030e-01, v4;
	_ =	sdelay $0x1  }
0x99: {  	v4 =	vmax.f32 v4, v5  }
0x9a: {  	v4 =	vmul.f32 $1.442695020e+00, v4;
	_ =	sdelay $0x1  }
0x9b: {  	(erf) = vpow2.f32 v4;
	_ =	sdelay $0x1  }
.Ltmp2:
0x9c: {  	(pc) =	sbr.rel @p2 .LBB2_3-.Ltmp2, $4  }
0x9d: {  	_ = 	snop  }
0x9e: {  	v4 =	vmov s12  }
0x9f: {  	v4 =	vshll.u32 v4, $0x3  }
0xa0: {  	v4 =	vor.u32 v2, v4  }
0xa1: {  	v5 =	vor.u32 $0x4, v4;
	_ =	sdelay $0x1  }
0xa2: {  	v6 =	vpop (erf)  }
0xa3: {  	[tilespmem:s8+$0x80] =	vst v6  }
0xa4: {  	v6 =	vld.idx.msk [tilespmem:v4+s24+$0x0], $0xffff  }
0xa5: {  	v5 =	vld.idx.msk [tilespmem:v5+s26+$0x0], $0xffff;
	_ =	sdelay $0x4  }
0xa6: {  	v5 =	vadd.f32 v5, v6;
	_ =	sdelay $0x1  }
0xa7: {  	v6 =	vmul.f32 $2.000000030e-01, v5;
	_ =	sdelay $0x1  }
0xa8: {  	v5 =	vmax.f32 v5, v6  }
0xa9: {  	v5 =	vmul.f32 $1.442695020e+00, v5;
	_ =	sdelay $0x1  }
0xaa: {  	(erf) = vpow2.f32 v5;
	_ =	sdelay $0x5  }
0xab: {  	v5 =	vor.u32 $0x1, v4  }
0xac: {  	v6 =	vor.u32 $0x5, v4;
	_ =	sdelay $0x1  }
0xad: {  	s15 =	sadd.s32 $0x10, s15;
	v7 =	vpop (erf)  }
0xae: {  	[tilespmem:s15+$0xFFFFFF00] =	vst v7  }
0xaf: {  	v5 =	vld.idx.msk [tilespmem:v5+s24+$0x0], $0xffff  }
0xb0: {  	v6 =	vld.idx.msk [tilespmem:v6+s26+$0x0], $0xffff;
	_ =	sdelay $0x4  }
0xb1: {  	v5 =	vadd.f32 v6, v5;
	_ =	sdelay $0x1  }
0xb2: {  	v6 =	vmul.f32 $2.000000030e-01, v5;
	_ =	sdelay $0x1  }
0xb3: {  	v5 =	vmax.f32 v5, v6  }
0xb4: {  	v5 =	vmul.f32 $1.442695020e+00, v5;
	_ =	sdelay $0x1  }
0xb5: {  	(erf) = vpow2.f32 v5;
	_ =	sdelay $0x5  }
0xb6: {  	v5 =	vor.u32 $0x2, v4  }
0xb7: {  	v6 =	vor.u32 $0x6, v4;
	_ =	sdelay $0x1  }
0xb8: {  	v7 =	vpop (erf)  }
0xb9: {  	[tilespmem:s15+$0xFFFFFF80] =	vst v7  }
0xba: {  	v5 =	vld.idx.msk [tilespmem:v5+s24+$0x0], $0xffff  }
0xbb: {  	v6 =	vld.idx.msk [tilespmem:v6+s26+$0x0], $0xffff;
	_ =	sdelay $0x4  }
0xbc: {  	v5 =	vadd.f32 v6, v5;
	_ =	sdelay $0x1  }
0xbd: {  	v6 =	vmul.f32 $2.000000030e-01, v5;
	_ =	sdelay $0x1  }
0xbe: {  	v5 =	vmax.f32 v5, v6  }
0xbf: {  	v5 =	vmul.f32 $1.442695020e+00, v5;
	_ =	sdelay $0x1  }
0xc0: {  	(erf) = vpow2.f32 v5;
	_ =	sdelay $0x5  }
0xc1: {  	v5 =	vor.u32 $0x3, v4  }
0xc2: {  	v4 =	vor.u32 $0x7, v4;
	_ =	sdelay $0x1  }
0xc3: {  	v6 =	vpop (erf)  }
0xc4: {  	[tilespmem:s15+$0x0] =	vst v6  }
0xc5: {  	v5 =	vld.idx.msk [tilespmem:v5+s24+$0x0], $0xffff  }
0xc6: {  	v4 =	vld.idx.msk [tilespmem:v4+s26+$0x0], $0xffff;
	_ =	sdelay $0x4  }
0xc7: {  	v4 =	vadd.f32 v4, v5;
	_ =	sdelay $0x1  }
0xc8: {  	v5 =	vmul.f32 $2.000000030e-01, v4;
	_ =	sdelay $0x1  }
0xc9: {  	v4 =	vmax.f32 v4, v5  }
0xca: {  	v4 =	vmul.f32 $1.442695020e+00, v4;
	_ =	sdelay $0x1  }
0xcb: {  	(erf) = vpow2.f32 v4;
	_ =	sdelay $0x4  }
0xcc: {  	v4 =	vor.u32 s14, v3  }
0xcd: {  	v4 =	vnsel vm0, $0x0, v4;
	_ =	sdelay $0x2  }
0xce: {  	v5 =	vpop (erf)  }
0xcf: {  	[tilespmem:s15+$0x80] =	vst v5  }
0xd0: {  	v4 =	vld.idx.msk [tilespmem:v4+s29+$0x0], $0xffff;
	_ =	sdelay $0x4  }
0xd1: {  	s8 =	simm.s32 $0x2BA0;
	v4 =	vnsel vm0, $0x0, v4  }
0xd2: {  	s12 =	simm.s32 $0x1A0;
	[tilespmem:s8+$0x20] =	vst v4  }
0xd3: {  	v5 =	vld [tilespmem:s12+$0xFFFFFFE0];
	_ =	sdelay $0x2  }
0xd4: {  	v6 =	vperm.xlane v4, v0;
	_ =	sdelay $0x1  }
0xd5: {  	v5 =	vmul.f32 v5, v6;
	_ =	sdelay $0x1  }
0xd6: {  	[tilespmem:s8+$0xFFFFFFE0] =	vst v5  }
0xd7: {  	v5 =	vld [tilespmem:s12+$0xFFFFFFF0];
	_ =	sdelay $0x4  }
0xd8: {  	v5 =	vmul.f32 v5, v6;
	_ =	sdelay $0x1  }
0xd9: {  	[tilespmem:s8+$0xFFFFFFF0] =	vst v5  }
0xda: {  	v5 =	vld [tilespmem:s12+$0x0];
	_ =	sdelay $0x2  }
0xdb: {  	v4 =	vperm.xlane v4, v1;
	_ =	sdelay $0x1  }
0xdc: {  	v5 =	vmul.f32 v5, v4;
	_ =	sdelay $0x1  }
0xdd: {  	[tilespmem:s8+$0x0] =	vst v5  }
0xde: {  	v5 =	vld [tilespmem:s12+$0x10]  }
0xdf: {  	s16 =	simm.s32 $0x1  }
0xe0: {  	s14 =	simm.s32 $0x2;
	v6 =	vor.u32 s16, v3  }
.LBB2_5:
0xe1: {  	p2 =	sne.s32 s14, $0x7F;
	v6 =	vnsel vm0, $0x0, v6;
	_ =	sdelay $0x1  }
0xe2: {  	v4 =	vmul.f32 v5, v4;
	_ =	sdelay $0x1  }
0xe3: {  	[tilespmem:s8+$0x10] =	vst v4  }
0xe4: {  	v4 =	vld.idx.msk [tilespmem:v6+s29+$0x0], $0xffff;
	_ =	sdelay $0x5  }
0xe5: {  	s8 =	sadd.s32 $0x50, s8;
	v4 =	vnsel vm0, $0x0, v4  }
0xe6: {  	s12 =	sadd.s32 $0x40, s12;
	[tilespmem:s8+$0x20] =	vst v4  }
0xe7: {  	v5 =	vld [tilespmem:s12+$0xFFFFFFE0];
	_ =	sdelay $0x2  }
0xe8: {  	v6 =	vperm.xlane v4, v0;
	_ =	sdelay $0x1  }
0xe9: {  	v5 =	vmul.f32 v5, v6;
	_ =	sdelay $0x1  }
0xea: {  	[tilespmem:s8+$0xFFFFFFE0] =	vst v5  }
0xeb: {  	v5 =	vld [tilespmem:s12+$0xFFFFFFF0];
	_ =	sdelay $0x4  }
0xec: {  	v5 =	vmul.f32 v5, v6;
	_ =	sdelay $0x1  }
0xed: {  	[tilespmem:s8+$0xFFFFFFF0] =	vst v5  }
0xee: {  	v5 =	vld [tilespmem:s12+$0x0];
	_ =	sdelay $0x2  }
0xef: {  	v4 =	vperm.xlane v4, v1;
	_ =	sdelay $0x1  }
0xf0: {  	v5 =	vmul.f32 v5, v4  }
.Ltmp3:
0xf1: {  	(pc) =	sbr.rel @p2 .LBB2_5-.Ltmp3, $3  }
0xf2: {  	[tilespmem:s8+$0x0] =	vst v5  }
0xf3: {  	v5 =	vld [tilespmem:s12+$0x10];
	_ =	sdelay $0x1  }
0xf4: {  	v6 =	vor.u32 s14, v3;
	s14 =	sadd.s32 $0x1, s14  }
0xf5: {  	v6 =	vnsel vm0, $0x0, v6;
	_ =	sdelay $0x1  }
0xf6: {  	v4 =	vmul.f32 v5, v4;
	_ =	sdelay $0x1  }
0xf7: {  	[tilespmem:s8+$0x10] =	vst v4  }
0xf8: {  	v4 =	vld.idx.msk [tilespmem:v6+s29+$0x0], $0xffff;
	_ =	sdelay $0x4  }
0xf9: {  	s16 =	sadd.s32 $0x50, s8;
	v4 =	vnsel vm0, $0x0, v4  }
0xfa: {  	s12 =	sadd.s32 $0x40, s12;
	[tilespmem:s16+$0x20] =	vst v4  }
0xfb: {  	v5 =	vld [tilespmem:s12+$0xFFFFFFE0];
	_ =	sdelay $0x2  }
0xfc: {  	v63 =	vperm.xlane v4, v0;
	_ =	sdelay $0x1  }
0xfd: {  	v5 =	vmul.f32 v5, v63;
	_ =	sdelay $0x1  }
0xfe: {  	[tilespmem:s16+$0xFFFFFFE0] =	vst v5  }
0xff: {  	v5 =	vld [tilespmem:s12+$0xFFFFFFF0];
	_ =	sdelay $0x4  }
0x100: {  	v5 =	vmul.f32 v5, v63;
	_ =	sdelay $0x1  }
0x101: {  	[tilespmem:s16+$0xFFFFFFF0] =	vst v5  }
0x102: {  	v5 =	vld [tilespmem:s12+$0x0];
	_ =	sdelay $0x2  }
0x103: {  	v4 =	vperm.xlane v4, v1;
	_ =	sdelay $0x1  }
0x104: {  	v5 =	vmul.f32 v5, v4;
	_ =	sdelay $0x1  }
0x105: {  	[tilespmem:s16+$0x0] =	vst v5  }
0x106: {  	v5 =	vld [tilespmem:s12+$0x10];
	_ =	sdelay $0x4  }
0x107: {  	s0 =	sadd.s32 $0x1, s0;
	v4 =	vmul.f32 v5, v4  }
0x108: {  	p2 =	sne.s32 s0, $0x9C  }
.Ltmp4:
0x109: {  	[tilespmem:s16+$0x10] =	vst v4;
	(pc) =	sbr.rel @p2 .LBB2_2-.Ltmp4, $4  }
0x10a: {  	[spmem:s1] =	stream.indirect.scatter.add.f32 [tilespmem:s30], [sflag:$0x2], $0x50, s23, s22, $0xb8;
	[tilespmem:$0x116D0] =	vst v63  }
0x10b: {  	_ =	swait.ge [sflag:s21], $0x2800  }
0x10c: {  	[sflag:s21] =	ssyncset.done $0x0  }
0x10d: {  	[sflag:s21] =	ssyncadd.s32 $0xFFFFD800  }
.Ltmp5:
0x10e: {  	(pc) =	sbr.rel @p1 .LBB2_13-.Ltmp5, $1  }
0x10f: {  	_ =	sdelay $0x3  }
0x110: {  	s0 =	simm.s32 $0x0;
	s8 =	rddreg [dreg:$0x5]  }
0x111: {  	[tilespmem:s0], [sflag:$0x2] =	stream.linear.gather [hbm4b:s8+s0], $0x80, $0x38;
	[tilespmem:$0x116D0] =	vst v63  }
0x112: {  	_ =	swait.ge [sflag:s21], $0x80  }
0x113: {  	[sflag:s21] =	ssyncset.done $0x0  }
0x114: {  	s14 =	rddreg [dreg:$0x6];
	[sflag:s21] =	ssyncadd.s32 $0xFFFFFF80  }
0x115: {  	[tilespmem:s22], [sflag:$0x2] =	stream.linear.gather [hbm4b:s14+s0], $0x80, $0x38;
	[tilespmem:$0x116D0] =	vst v63  }
0x116: {  	_ =	swait.ge [sflag:s21], $0x80  }
0x117: {  	[sflag:s21] =	ssyncset.done $0x0  }
0x118: {  	s15 =	rddreg [dreg:$0x7];
	[sflag:s21] =	ssyncadd.s32 $0xFFFFFF80  }
0x119: {  	[tilespmem:s23], [sflag:$0x2] =	stream.linear.gather [hbm4b:s15+s0], $0x80, $0x38;
	[tilespmem:$0x116D0] =	vst v63  }
0x11a: {  	_ =	swait.ge [sflag:s21], $0x80  }
0x11b: {  	[sflag:s21] =	ssyncset.done $0x0  }
0x11c: {  	[sflag:s21] =	ssyncadd.s32 $0xFFFFFF80  }
0x11d: {  	[tilespmem:s24], [sflag:$0x1] =	stream.indirect.gather [hbm4b:s4+s22], $0x8, s0, s22, $0xb8;
	[tilespmem:$0x116D0] =	vst v63  }
0x11e: {  	_ =	swait.ge [sflag:s25], $0x400  }
0x11f: {  	[sflag:s25] =	ssyncset.done $0x0  }
0x120: {  	[sflag:s25] =	ssyncadd.s32 $0xFFFFFC00  }
0x121: {  	[tilespmem:s26], [sflag:$0x1] =	stream.indirect.gather [hbm4b:s4+s22], $0x8, s23, s22, $0xb8;
	[tilespmem:$0x116D0] =	vst v63  }
0x122: {  	v4 =	vmov s0;
	_ =	swait.ge [sflag:s25], $0x400  }
0x123: {  	v4 =	vshll.u32 v4, $0x3;
	[sflag:s25] =	ssyncset.done $0x0  }
0x124: {  	v4 =	vor.u32 v2, v4;
	[sflag:s25] =	ssyncadd.s32 $0xFFFFFC00  }
0x125: {  	v5 =	vor.u32 $0x4, v4;
	[tilespmem:s28], [sflag:$0x1] =	stream.indirect.gather [hbm4b:s3+s22], $0x40, s22, s22, $0xb8;
	[tilespmem:$0x116D0] =	vst v63  }
0x126: {  	_ =	swait.ge [sflag:s25], $0x2000  }
0x127: {  	[sflag:s25] =	ssyncset.done $0x0  }
0x128: {  	[sflag:s25] =	ssyncadd.s32 $0xFFFFE000  }
0x129: {  	v6 =	vld.idx.msk [tilespmem:v4+s24+$0x0], $0xffff  }
0x12a: {  	v5 =	vld.idx.msk [tilespmem:v5+s26+$0x0], $0xffff;
	_ =	sdelay $0x4  }
0x12b: {  	v5 =	vadd.f32 v5, v6;
	_ =	sdelay $0x1  }
0x12c: {  	v6 =	vmul.f32 $2.000000030e-01, v5;
	_ =	sdelay $0x1  }
0x12d: {  	v5 =	vmax.f32 v5, v6  }
0x12e: {  	v5 =	vmul.f32 $1.442695020e+00, v5;
	_ =	sdelay $0x1  }
0x12f: {  	(erf) = vpow2.f32 v5;
	_ =	sdelay $0x5  }
0x130: {  	v5 =	vor.u32 $0x1, v4  }
0x131: {  	v6 =	vor.u32 $0x5, v4;
	_ =	sdelay $0x1  }
0x132: {  	s14 =	simm.s32 $0x2A80;
	v7 =	vpop (erf)  }
0x133: {  	[tilespmem:s14+$0xFFFFFF00] =	vst v7  }
0x134: {  	v5 =	vld.idx.msk [tilespmem:v5+s24+$0x0], $0xffff  }
0x135: {  	v6 =	vld.idx.msk [tilespmem:v6+s26+$0x0], $0xffff;
	_ =	sdelay $0x4  }
0x136: {  	v5 =	vadd.f32 v6, v5;
	_ =	sdelay $0x1  }
0x137: {  	v6 =	vmul.f32 $2.000000030e-01, v5;
	_ =	sdelay $0x1  }
0x138: {  	v5 =	vmax.f32 v5, v6  }
0x139: {  	v5 =	vmul.f32 $1.442695020e+00, v5;
	_ =	sdelay $0x1  }
0x13a: {  	(erf) = vpow2.f32 v5;
	_ =	sdelay $0x5  }
0x13b: {  	v5 =	vor.u32 $0x2, v4  }
0x13c: {  	v6 =	vor.u32 $0x6, v4;
	_ =	sdelay $0x1  }
0x13d: {  	v7 =	vpop (erf)  }
0x13e: {  	[tilespmem:s14+$0xFFFFFF80] =	vst v7  }
0x13f: {  	v5 =	vld.idx.msk [tilespmem:v5+s24+$0x0], $0xffff  }
0x140: {  	v6 =	vld.idx.msk [tilespmem:v6+s26+$0x0], $0xffff;
	_ =	sdelay $0x4  }
0x141: {  	v5 =	vadd.f32 v6, v5;
	_ =	sdelay $0x1  }
0x142: {  	v6 =	vmul.f32 $2.000000030e-01, v5;
	_ =	sdelay $0x1  }
0x143: {  	v5 =	vmax.f32 v5, v6  }
0x144: {  	v5 =	vmul.f32 $1.442695020e+00, v5;
	_ =	sdelay $0x1  }
0x145: {  	(erf) = vpow2.f32 v5;
	_ =	sdelay $0x5  }
0x146: {  	v5 =	vor.u32 $0x3, v4  }
0x147: {  	v4 =	vor.u32 $0x7, v4;
	_ =	sdelay $0x1  }
0x148: {  	v6 =	vpop (erf)  }
0x149: {  	[tilespmem:s14+$0x0] =	vst v6  }
0x14a: {  	v5 =	vld.idx.msk [tilespmem:v5+s24+$0x0], $0xffff  }
0x14b: {  	v4 =	vld.idx.msk [tilespmem:v4+s26+$0x0], $0xffff;
	_ =	sdelay $0x4  }
0x14c: {  	v4 =	vadd.f32 v4, v5;
	_ =	sdelay $0x1  }
0x14d: {  	v5 =	vmul.f32 $2.000000030e-01, v4;
	_ =	sdelay $0x1  }
0x14e: {  	v4 =	vmax.f32 v4, v5  }
0x14f: {  	v4 =	vmul.f32 $1.442695020e+00, v4;
	_ =	sdelay $0x1  }
0x150: {  	(erf) = vpow2.f32 v4;
	_ =	sdelay $0x1  }
0x151: {  	s16 =	simm.s32 $0x10  }
0x152: {  	v5 =	vmov s16  }
0x153: {  	v5 =	vshll.u32 v5, $0x3  }
0x154: {  	s8 =	simm.s32 $0x2A80;
	s15 =	simm.s32 $0x20;
	v4 =	vor.u32 v2, v5  }
.LBB2_9:
0x155: {  	p2 =	sne.s32 s15, $0x70  }
0x156: {  	v5 =	vor.u32 $0x4, v4;
	s14 =	sadd.s32 $0x10, s14;
	s12 =	smov.u32 s15;
	s15 =	sadd.s32 $0x10, s15  }
0x157: {  	_ = 	snop  }
0x158: {  	v6 =	vpop (erf)  }
0x159: {  	[tilespmem:s8+$0x80] =	vst v6;
	s8 =	smov.u32 s14  }
0x15a: {  	v6 =	vld.idx.msk [tilespmem:v4+s24+$0x0], $0xffff  }
0x15b: {  	v5 =	vld.idx.msk [tilespmem:v5+s26+$0x0], $0xffff;
	_ =	sdelay $0x5  }
0x15c: {  	v5 =	vadd.f32 v5, v6;
	_ =	sdelay $0x1  }
0x15d: {  	v6 =	vmul.f32 $2.000000030e-01, v5;
	_ =	sdelay $0x1  }
0x15e: {  	v5 =	vmax.f32 v5, v6  }
0x15f: {  	v5 =	vmul.f32 $1.442695020e+00, v5;
	_ =	sdelay $0x1  }
0x160: {  	(erf) = vpow2.f32 v5;
	_ =	sdelay $0x5  }
0x161: {  	v6 =	vor.u32 $0x5, v4;
	v5 =	vor.u32 $0x1, v4;
	_ =	sdelay $0x2  }
0x162: {  	v7 =	vpop (erf)  }
0x163: {  	[tilespmem:s14+$0xFFFFFF00] =	vst v7  }
0x164: {  	v5 =	vld.idx.msk [tilespmem:v5+s24+$0x0], $0xffff  }
0x165: {  	v6 =	vld.idx.msk [tilespmem:v6+s26+$0x0], $0xffff;
	_ =	sdelay $0x5  }
0x166: {  	v5 =	vadd.f32 v6, v5;
	_ =	sdelay $0x1  }
0x167: {  	v6 =	vmul.f32 $2.000000030e-01, v5;
	_ =	sdelay $0x1  }
0x168: {  	v5 =	vmax.f32 v5, v6  }
0x169: {  	v5 =	vmul.f32 $1.442695020e+00, v5;
	_ =	sdelay $0x1  }
0x16a: {  	(erf) = vpow2.f32 v5;
	_ =	sdelay $0x5  }
0x16b: {  	v6 =	vor.u32 $0x6, v4;
	v5 =	vor.u32 $0x2, v4;
	_ =	sdelay $0x2  }
0x16c: {  	v7 =	vpop (erf)  }
0x16d: {  	[tilespmem:s14+$0xFFFFFF80] =	vst v7  }
0x16e: {  	v5 =	vld.idx.msk [tilespmem:v5+s24+$0x0], $0xffff  }
0x16f: {  	v6 =	vld.idx.msk [tilespmem:v6+s26+$0x0], $0xffff;
	_ =	sdelay $0x5  }
0x170: {  	v5 =	vadd.f32 v6, v5;
	_ =	sdelay $0x1  }
0x171: {  	v6 =	vmul.f32 $2.000000030e-01, v5;
	_ =	sdelay $0x1  }
0x172: {  	v5 =	vmax.f32 v5, v6  }
0x173: {  	v5 =	vmul.f32 $1.442695020e+00, v5;
	_ =	sdelay $0x1  }
0x174: {  	(erf) = vpow2.f32 v5;
	_ =	sdelay $0x5  }
0x175: {  	v5 =	vor.u32 $0x3, v4;
	v4 =	vor.u32 $0x7, v4;
	_ =	sdelay $0x2  }
0x176: {  	v6 =	vpop (erf)  }
0x177: {  	[tilespmem:s14+$0x0] =	vst v6  }
0x178: {  	v5 =	vld.idx.msk [tilespmem:v5+s24+$0x0], $0xffff  }
0x179: {  	v4 =	vld.idx.msk [tilespmem:v4+s26+$0x0], $0xffff;
	_ =	sdelay $0x5  }
0x17a: {  	v4 =	vadd.f32 v4, v5;
	_ =	sdelay $0x1  }
0x17b: {  	v5 =	vmul.f32 $2.000000030e-01, v4;
	_ =	sdelay $0x1  }
0x17c: {  	v4 =	vmax.f32 v4, v5  }
0x17d: {  	v4 =	vmul.f32 $1.442695020e+00, v4;
	_ =	sdelay $0x1  }
0x17e: {  	(erf) = vpow2.f32 v4;
	_ =	sdelay $0x1  }
.Ltmp6:
0x17f: {  	(pc) =	sbr.rel @p2 .LBB2_9-.Ltmp6, $4  }
0x180: {  	_ = 	snop  }
0x181: {  	v4 =	vmov s12  }
0x182: {  	v4 =	vshll.u32 v4, $0x3  }
0x183: {  	v4 =	vor.u32 v2, v4  }
0x184: {  	v5 =	vor.u32 $0x4, v4;
	_ =	sdelay $0x1  }
0x185: {  	v6 =	vpop (erf)  }
0x186: {  	[tilespmem:s8+$0x80] =	vst v6  }
0x187: {  	v6 =	vld.idx.msk [tilespmem:v4+s24+$0x0], $0xffff  }
0x188: {  	v5 =	vld.idx.msk [tilespmem:v5+s26+$0x0], $0xffff;
	_ =	sdelay $0x4  }
0x189: {  	v5 =	vadd.f32 v5, v6;
	_ =	sdelay $0x1  }
0x18a: {  	v6 =	vmul.f32 $2.000000030e-01, v5;
	_ =	sdelay $0x1  }
0x18b: {  	v5 =	vmax.f32 v5, v6  }
0x18c: {  	v5 =	vmul.f32 $1.442695020e+00, v5;
	_ =	sdelay $0x1  }
0x18d: {  	(erf) = vpow2.f32 v5;
	_ =	sdelay $0x5  }
0x18e: {  	v5 =	vor.u32 $0x1, v4  }
0x18f: {  	v6 =	vor.u32 $0x5, v4;
	_ =	sdelay $0x1  }
0x190: {  	s16 =	sadd.s32 $0x10, s14;
	v7 =	vpop (erf)  }
0x191: {  	[tilespmem:s16+$0xFFFFFF00] =	vst v7  }
0x192: {  	v5 =	vld.idx.msk [tilespmem:v5+s24+$0x0], $0xffff  }
0x193: {  	v6 =	vld.idx.msk [tilespmem:v6+s26+$0x0], $0xffff;
	_ =	sdelay $0x4  }
0x194: {  	v5 =	vadd.f32 v6, v5;
	_ =	sdelay $0x1  }
0x195: {  	v6 =	vmul.f32 $2.000000030e-01, v5;
	_ =	sdelay $0x1  }
0x196: {  	v5 =	vmax.f32 v5, v6  }
0x197: {  	v5 =	vmul.f32 $1.442695020e+00, v5;
	_ =	sdelay $0x1  }
0x198: {  	(erf) = vpow2.f32 v5;
	_ =	sdelay $0x5  }
0x199: {  	v5 =	vor.u32 $0x2, v4  }
0x19a: {  	v6 =	vor.u32 $0x6, v4;
	_ =	sdelay $0x1  }
0x19b: {  	v7 =	vpop (erf)  }
0x19c: {  	[tilespmem:s16+$0xFFFFFF80] =	vst v7  }
0x19d: {  	v5 =	vld.idx.msk [tilespmem:v5+s24+$0x0], $0xffff  }
0x19e: {  	v6 =	vld.idx.msk [tilespmem:v6+s26+$0x0], $0xffff;
	_ =	sdelay $0x4  }
0x19f: {  	v5 =	vadd.f32 v6, v5;
	_ =	sdelay $0x1  }
0x1a0: {  	v6 =	vmul.f32 $2.000000030e-01, v5;
	_ =	sdelay $0x1  }
0x1a1: {  	v5 =	vmax.f32 v5, v6  }
0x1a2: {  	v5 =	vmul.f32 $1.442695020e+00, v5;
	_ =	sdelay $0x1  }
0x1a3: {  	(erf) = vpow2.f32 v5;
	_ =	sdelay $0x5  }
0x1a4: {  	v5 =	vor.u32 $0x3, v4  }
0x1a5: {  	v4 =	vor.u32 $0x7, v4;
	_ =	sdelay $0x1  }
0x1a6: {  	v6 =	vpop (erf)  }
0x1a7: {  	[tilespmem:s16+$0x0] =	vst v6  }
0x1a8: {  	v5 =	vld.idx.msk [tilespmem:v5+s24+$0x0], $0xffff  }
0x1a9: {  	v4 =	vld.idx.msk [tilespmem:v4+s26+$0x0], $0xffff;
	_ =	sdelay $0x4  }
0x1aa: {  	v4 =	vadd.f32 v4, v5;
	_ =	sdelay $0x1  }
0x1ab: {  	v5 =	vmul.f32 $2.000000030e-01, v4;
	_ =	sdelay $0x1  }
0x1ac: {  	v4 =	vmax.f32 v4, v5  }
0x1ad: {  	v4 =	vmul.f32 $1.442695020e+00, v4;
	_ =	sdelay $0x1  }
0x1ae: {  	(erf) = vpow2.f32 v4;
	_ =	sdelay $0x4  }
0x1af: {  	v4 =	vor.u32 s0, v3  }
0x1b0: {  	v4 =	vnsel vm0, $0x0, v4;
	_ =	sdelay $0x2  }
0x1b1: {  	v5 =	vpop (erf)  }
0x1b2: {  	[tilespmem:s16+$0x80] =	vst v5  }
0x1b3: {  	v4 =	vld.idx.msk [tilespmem:v4+s29+$0x0], $0xffff;
	_ =	sdelay $0x4  }
0x1b4: {  	s0 =	simm.s32 $0x2BA0;
	v4 =	vnsel vm0, $0x0, v4  }
0x1b5: {  	s8 =	simm.s32 $0x1A0;
	[tilespmem:s0+$0x20] =	vst v4  }
0x1b6: {  	v5 =	vld [tilespmem:s8+$0xFFFFFFE0];
	_ =	sdelay $0x2  }
0x1b7: {  	v6 =	vperm.xlane v4, v0;
	_ =	sdelay $0x1  }
0x1b8: {  	v5 =	vmul.f32 v5, v6;
	_ =	sdelay $0x1  }
0x1b9: {  	[tilespmem:s0+$0xFFFFFFE0] =	vst v5  }
0x1ba: {  	v5 =	vld [tilespmem:s8+$0xFFFFFFF0];
	_ =	sdelay $0x4  }
0x1bb: {  	v5 =	vmul.f32 v5, v6;
	_ =	sdelay $0x1  }
0x1bc: {  	[tilespmem:s0+$0xFFFFFFF0] =	vst v5  }
0x1bd: {  	v5 =	vld [tilespmem:s8+$0x0];
	_ =	sdelay $0x2  }
0x1be: {  	v4 =	vperm.xlane v4, v1;
	_ =	sdelay $0x1  }
0x1bf: {  	v5 =	vmul.f32 v5, v4;
	_ =	sdelay $0x1  }
0x1c0: {  	[tilespmem:s0+$0x0] =	vst v5  }
0x1c1: {  	v5 =	vld [tilespmem:s8+$0x10]  }
0x1c2: {  	s12 =	simm.s32 $0x1  }
0x1c3: {  	v6 =	vor.u32 s12, v3;
	s12 =	simm.s32 $0x2  }
.LBB2_11:
0x1c4: {  	p2 =	sne.s32 s12, $0x7F;
	v6 =	vnsel vm0, $0x0, v6;
	_ =	sdelay $0x1  }
0x1c5: {  	v4 =	vmul.f32 v5, v4;
	_ =	sdelay $0x1  }
0x1c6: {  	[tilespmem:s0+$0x10] =	vst v4  }
0x1c7: {  	v4 =	vld.idx.msk [tilespmem:v6+s29+$0x0], $0xffff;
	_ =	sdelay $0x5  }
0x1c8: {  	s0 =	sadd.s32 $0x50, s0;
	v4 =	vnsel vm0, $0x0, v4  }
0x1c9: {  	s8 =	sadd.s32 $0x40, s8;
	[tilespmem:s0+$0x20] =	vst v4  }
0x1ca: {  	v5 =	vld [tilespmem:s8+$0xFFFFFFE0];
	_ =	sdelay $0x2  }
0x1cb: {  	v6 =	vperm.xlane v4, v0;
	_ =	sdelay $0x1  }
0x1cc: {  	v5 =	vmul.f32 v5, v6;
	_ =	sdelay $0x1  }
0x1cd: {  	[tilespmem:s0+$0xFFFFFFE0] =	vst v5  }
0x1ce: {  	v5 =	vld [tilespmem:s8+$0xFFFFFFF0];
	_ =	sdelay $0x4  }
0x1cf: {  	v5 =	vmul.f32 v5, v6;
	_ =	sdelay $0x1  }
0x1d0: {  	[tilespmem:s0+$0xFFFFFFF0] =	vst v5  }
0x1d1: {  	v5 =	vld [tilespmem:s8+$0x0];
	_ =	sdelay $0x2  }
0x1d2: {  	v4 =	vperm.xlane v4, v1;
	_ =	sdelay $0x1  }
0x1d3: {  	v5 =	vmul.f32 v5, v4  }
.Ltmp7:
0x1d4: {  	(pc) =	sbr.rel @p2 .LBB2_11-.Ltmp7, $3  }
0x1d5: {  	[tilespmem:s0+$0x0] =	vst v5  }
0x1d6: {  	v5 =	vld [tilespmem:s8+$0x10];
	_ =	sdelay $0x1  }
0x1d7: {  	v6 =	vor.u32 s12, v3;
	s12 =	sadd.s32 $0x1, s12  }
0x1d8: {  	v6 =	vnsel vm0, $0x0, v6;
	_ =	sdelay $0x1  }
0x1d9: {  	v4 =	vmul.f32 v5, v4;
	_ =	sdelay $0x1  }
0x1da: {  	[tilespmem:s0+$0x10] =	vst v4  }
0x1db: {  	v4 =	vld.idx.msk [tilespmem:v6+s29+$0x0], $0xffff;
	_ =	sdelay $0x4  }
0x1dc: {  	s16 =	sadd.s32 $0x50, s0;
	v4 =	vnsel vm0, $0x0, v4  }
0x1dd: {  	s8 =	sadd.s32 $0x40, s8;
	[tilespmem:s16+$0x20] =	vst v4  }
0x1de: {  	v5 =	vld [tilespmem:s8+$0xFFFFFFE0];
	_ =	sdelay $0x2  }
0x1df: {  	v63 =	vperm.xlane v4, v0;
	_ =	sdelay $0x1  }
0x1e0: {  	v5 =	vmul.f32 v5, v63;
	_ =	sdelay $0x1  }
0x1e1: {  	[tilespmem:s16+$0xFFFFFFE0] =	vst v5  }
0x1e2: {  	v5 =	vld [tilespmem:s8+$0xFFFFFFF0];
	_ =	sdelay $0x4  }
0x1e3: {  	v5 =	vmul.f32 v5, v63;
	_ =	sdelay $0x1  }
0x1e4: {  	[tilespmem:s16+$0xFFFFFFF0] =	vst v5  }
0x1e5: {  	v5 =	vld [tilespmem:s8+$0x0];
	_ =	sdelay $0x2  }
0x1e6: {  	v4 =	vperm.xlane v4, v1;
	_ =	sdelay $0x1  }
0x1e7: {  	v5 =	vmul.f32 v5, v4;
	_ =	sdelay $0x1  }
0x1e8: {  	[tilespmem:s16+$0x0] =	vst v5  }
0x1e9: {  	v5 =	vld [tilespmem:s8+$0x10];
	_ =	sdelay $0x4  }
0x1ea: {  	v4 =	vmul.f32 v5, v4;
	_ =	sdelay $0x1  }
.Ltmp8:
0x1eb: {  	[tilespmem:s16+$0x10] =	vst v4;
	(pc) =	sbr.rel .LBB2_13-.Ltmp8, $4  }
0x1ec: {  	[spmem:s1] =	stream.indirect.scatter.add.f32 [tilespmem:s30], [sflag:$0x2], $0x50, s23, s22, $0xb8;
	[tilespmem:$0x116D0] =	vst v63  }
0x1ed: {  	_ =	swait.ge [sflag:s21], $0x2800  }
0x1ee: {  	[sflag:s21] =	ssyncset.done $0x0  }
0x1ef: {  	[sflag:s21] =	ssyncadd.s32 $0xFFFFD800  }
.LBB2_14:
0x1f0: {  	_ =	sfence.sel $0x180000  }
0x1f1: {  	[bflag:$0x0] =	sbarrier.arrive $0xFFFF  }
0x1f2: {  	_ =	strace $0x90000047  }
0x1f3: {  	[bflag:$0x2] =	sbarrier.arrive $0xFFFF  }
0x1f4: {  	s0 =	rddreg [dreg:$0x2]  }
0x1f5: {  	s0 =	sadd.s32 @!p0 $0x100000, s0  }
0x1f6: {  	[sflag:s0] =	ssyncadd.tile.s32 @!p0 $0x1;
	_ =	shalt  }
.Lfunc_end2:
_tile_overlayer_lowered:
.L_overlay_start_2:
0x1f7: {  	(tag) =	ssettag $0x2  }
0x1f8: {  	s0 =	rddreg [dreg:$0x0];
	s2 =	stileid.u32  }
0x1f9: {  	s1 =	rddreg [dreg:$0x1];
	p0 =	sne.s32 s2, $0x0  }
0x1fa: {  	s3 =	rddreg [dreg:$0x2];
	[bflag:$0x3] =	sbarrier.arrive $0xFFFF;
	s2 =	simm.s32 @!p0 $0x1C02  }
0x1fb: {  	[timem:s3], [sflag:s2] =	dma.local @!p0 [hbm:s0], s1  }
0x1fc: {  	s0 =	simm.s32 @!p0 $0x2  }
0x1fd: {  	_ =	swait.ge @!p0 [sflag:s0], s1  }
0x1fe: {  	s1 =	ssub.s32 @!p0 $0x0, s1;
	[sflag:s0] =	ssyncset.done @!p0 $0x0  }
0x1ff: {  	[sflag:s0] =	ssyncadd.s32 @!p0 s1  }
0x200: {  	[bflag:$0x3] =	sbarrier.arrive $0xFFFF  }
0x201: {  	_ =	shalt  }

</sc_bundles>
